<compile_context>
chip_gen: v7x
topology: tpu7x:2x2x1
jax: 0.10.2.dev20260603
libtpu: 0.0.44.dev20260713+nightly
codegen_flags: <defaults>
</compile_context>

<pallas_src>
import functools

import jax
import jax.numpy as jnp
from jax import lax
from jax.experimental import pallas as pl
from jax.experimental.pallas import tpu as pltpu
from jax.experimental.pallas import tpu_sc as plsc

N = 10000
E = 160000
INF = 256
HNF = 512
ONF = 256

NC = 2
NS = 16
NW = NC * NS
CH = 128
E_PAD = 163840
N_PAD = 10240
PAD_DST = 10200

NCH_G = E_PAD // NW // CH
NCH_S = E_PAD // NS // CH
DRAIN = N_PAD // NS

_mesh = plsc.VectorSubcoreMesh(core_axis_name="c", subcore_axis_name="s",
                               num_cores=NC)


HC = INF + 128
GNB = 2
CHG = 128
GCHUNKS = E_PAD // NW // CHG


@functools.partial(
    pl.kernel,
    out_type=(
        jax.ShapeDtypeStruct((E_PAD, HC), jnp.float32),
        jax.ShapeDtypeStruct((E_PAD, HC), jnp.float32),
    ),
    mesh=_mesh,
    scratch_types=[
        pltpu.VMEM((E_PAD // NW,), jnp.int32),
        pltpu.VMEM((GNB, CHG, HC), jnp.float32),
        pltpu.SemaphoreType.DMA,
        pltpu.SemaphoreType.DMA,
    ],
)
def _gather_k(row_h, col_h, hc_h, hrow_o, hcol_o, idall, bufs, *sems):
    wid = lax.axis_index("s") * NC + lax.axis_index("c")
    epw = E_PAD // NW
    base = wid * epw
    dummy = hc_h.at[pl.ds(0, CHG)]

    def side(idx_h, out_h):
        pltpu.sync_copy(idx_h.at[pl.ds(base, epw)], idall)

        def start(c, b):
            pltpu.async_copy(hc_h.at[idall.at[pl.ds(c * CHG, CHG)]],
                             bufs.at[b], sems[b])

        for b in range(GNB):
            start(b, b)

        def body(jj, _):
            for b in range(GNB):
                c = GNB * jj + b
                pltpu.make_async_copy(dummy, bufs.at[b], sems[b]).wait()
                pltpu.sync_copy(bufs.at[b],
                                out_h.at[pl.ds(base + c * CHG, CHG)])
                start(jnp.minimum(c + GNB, GCHUNKS - 1), b)
            return _

        lax.fori_loop(0, GCHUNKS // GNB, body, None)
        for b in range(GNB):
            pltpu.make_async_copy(dummy, bufs.at[b], sems[b]).wait()

    side(row_h, hrow_o)
    side(col_h, hcol_o)


@functools.partial(
    pl.kernel,
    out_type=(
        jax.ShapeDtypeStruct((N_PAD, HNF), jnp.float32),
        jax.ShapeDtypeStruct((2 * N_PAD, 128), jnp.float32),
    ),
    mesh=_mesh,
    scratch_types=[
        pltpu.VMEM_SHARED((N_PAD, 128), jnp.float32),
        pltpu.VMEM((CH, 128), jnp.float32),
        pltpu.VMEM((CH, 128), jnp.float32),
        pltpu.VMEM((CH,), jnp.int32),
        pltpu.VMEM((CH,), jnp.int32),
        pltpu.SemaphoreType.DMA,
        pltpu.SemaphoreType.DMA,
    ],
)
def _scatter_k(idx_h, ef_h, aux_h, zz_h, agg_o, facs_o,
               acc, eb0, eb1, iv0, iv1, s0, s1):
    cid = lax.axis_index("c")
    sid = lax.axis_index("s")
    dummy = aux_h.at[pl.ds(0, CH)]

    def scatter_phase(src_fn, g_base, n_chunks):
        pltpu.sync_copy(idx_h.at[g_base], iv0)
        pltpu.async_copy(src_fn(g_base), eb0, s0)

        def body(jj, _):
            c0 = g_base + 2 * jj
            c1 = c0 + 1
            c2 = jnp.minimum(c0 + 2, g_base + n_chunks - 1)
            pltpu.sync_copy(idx_h.at[c1], iv1)
            pltpu.async_copy(src_fn(c1), eb1, s1)
            pltpu.make_async_copy(dummy, eb0, s0).wait()
            pltpu.sync_copy(eb0, acc.at[iv0], add=True)
            pltpu.sync_copy(idx_h.at[c2], iv0)
            pltpu.async_copy(src_fn(c2), eb0, s0)
            pltpu.make_async_copy(dummy, eb1, s1).wait()
            pltpu.sync_copy(eb1, acc.at[iv1], add=True)
            return _

        lax.fori_loop(0, n_chunks // 2, body, None)
        pltpu.make_async_copy(dummy, eb0, s0).wait()

    for half in range(2):
        col0 = (cid * 2 + half) * 128
        pltpu.sync_copy(zz_h, acc.at[pl.ds(sid * DRAIN, DRAIN)])
        plsc.subcore_barrier()
        scatter_phase(
            lambda c: ef_h.at[pl.ds(c * CH, CH), pl.ds(col0, 128)],
            sid * NCH_S, NCH_S)
        plsc.subcore_barrier()
        pltpu.sync_copy(acc.at[pl.ds(sid * DRAIN, DRAIN)],
                        agg_o.at[pl.ds(sid * DRAIN, DRAIN),
                                 pl.ds(col0, 128)])
        plsc.subcore_barrier()

    pltpu.sync_copy(zz_h, acc.at[pl.ds(sid * DRAIN, DRAIN)])
    plsc.subcore_barrier()
    scatter_phase(lambda c: aux_h.at[pl.ds(c * CH, CH)],
                  (sid * NC + cid) * NCH_G, NCH_G)
    plsc.subcore_barrier()
    pltpu.sync_copy(acc.at[pl.ds(sid * DRAIN, DRAIN)],
                    facs_o.at[pl.ds(cid * N_PAD + sid * DRAIN, DRAIN)])


BE = 1024


def _edge_body(hcrow, hccol, we1a, we1b, wr, be1, we2, be2,
               wc1, bc1, wc2r, ef_o, aux):
    hrow = hcrow[:, 0:INF]
    hcol = hccol[:, 0:INF]
    d = hcrow[:, INF:INF + 128] - hccol[:, INF:INF + 128]
    radial = jnp.sum(d * d, axis=1, keepdims=True)
    x = jnp.dot(hrow, we1a[...], preferred_element_type=jnp.float32)
    x = x + jnp.dot(hcol, we1b[...], preferred_element_type=jnp.float32)
    x = x + radial * wr[...] + be1[...]
    x = jnp.maximum(x, 0.0)
    x = jnp.dot(x, we2[...], preferred_element_type=jnp.float32) + be2[...]
    ef = jnp.maximum(x, 0.0)
    c = jnp.dot(ef, wc1[...], preferred_element_type=jnp.float32) + bc1[...]
    c = jnp.maximum(c, 0.0)
    s = jnp.sum(c * wc2r[...], axis=1, keepdims=True)
    t = jnp.clip(d * s, -100.0, 100.0)
    lane = lax.broadcasted_iota(jnp.int32, t.shape, 1)
    aux[...] = jnp.where(lane == 3, 1.0, t)
    ef_o[...] = ef


def _edge_call(hcrow, hccol, we1a, we1b, wr, be1, we2, be2,
               wc1, bc1, wc2r):
    nb = E_PAD // BE
    full = lambda shape: pl.BlockSpec(shape, lambda i: (0, 0))
    return pl.pallas_call(
        _edge_body,
        grid=(nb,),
        in_specs=[
            pl.BlockSpec((BE, HC), lambda i: (i, 0)),
            pl.BlockSpec((BE, HC), lambda i: (i, 0)),
            full((INF, HNF)), full((INF, HNF)), full((1, HNF)), full((1, HNF)),
            full((HNF, HNF)), full((1, HNF)),
            full((HNF, HNF)), full((1, HNF)), full((1, HNF)),
        ],
        out_specs=[
            pl.BlockSpec((BE, HNF), lambda i: (i, 0)),
            pl.BlockSpec((BE, 128), lambda i: (i, 0)),
        ],
        out_shape=[
            jax.ShapeDtypeStruct((E_PAD, HNF), jnp.float32),
            jax.ShapeDtypeStruct((E_PAD, 128), jnp.float32),
        ],
    )(hcrow, hccol, we1a, we1b, wr, be1, we2, be2, wc1, bc1, wc2r)


BN = 512


def _node_body(hp, agg, fac0, fac1, wn1a, wn1b, bn1,
               wn2, bn2, wv1, bv1, wv2r, bv2r, nout, vel8, f16):
    h = hp[...]
    acc = jnp.dot(h, wn1a[...], preferred_element_type=jnp.float32)
    acc = acc + jnp.dot(agg[...], wn1b[...],
                        preferred_element_type=jnp.float32)
    n1 = jnp.maximum(acc + bn1[...], 0.0)
    nout[...] = jnp.dot(n1, wn2[...], preferred_element_type=jnp.float32) \
        + bn2[...]
    v1 = jnp.maximum(jnp.dot(h, wv1[...], preferred_element_type=jnp.float32)
                     + bv1[...], 0.0)
    vel = jnp.sum(v1 * wv2r[...], axis=1, keepdims=True)
    vel8[...] = jnp.broadcast_to(vel, (BN, 8)) + bv2r[...]
    f = fac0[...] + fac1[...]
    cnt = jnp.maximum(f[:, 3:4], 1.0)
    f16[...] = f[:, 0:16] * (1.0 / cnt)


def _node_call(hp, agg, facs, wn1a, wn1b, bn1,
               wn2, bn2, wv1, bv1, wv2r, bv2r):
    nb = N_PAD // BN
    full = lambda shape: pl.BlockSpec(shape, lambda i: (0, 0))
    return pl.pallas_call(
        _node_body,
        grid=(nb,),
        in_specs=[
            pl.BlockSpec((BN, INF), lambda i: (i, 0)),
            pl.BlockSpec((BN, HNF), lambda i: (i, 0)),
            pl.BlockSpec((BN, 128), lambda i: (i, 0)),
            pl.BlockSpec((BN, 128), lambda i: (nb + i, 0)),
            full((INF, HNF)), full((HNF, HNF)), full((1, HNF)),
            full((HNF, ONF)), full((1, ONF)),
            full((INF, HNF)), full((1, HNF)), full((1, HNF)), full((1, 8)),
        ],
        out_specs=[
            pl.BlockSpec((BN, ONF), lambda i: (i, 0)),
            pl.BlockSpec((BN, 8), lambda i: (i, 0)),
            pl.BlockSpec((BN, 16), lambda i: (i, 0)),
        ],
        out_shape=[
            jax.ShapeDtypeStruct((N_PAD, ONF), jnp.float32),
            jax.ShapeDtypeStruct((N_PAD, 8), jnp.float32),
            jax.ShapeDtypeStruct((N_PAD, 16), jnp.float32),
        ],
    )(hp, agg, facs, facs, wn1a, wn1b, bn1, wn2, bn2,
      wv1, bv1, wv2r, bv2r)


@jax.jit
def kernel(h, edge_index, coord, W_e1, b_e1, W_e2, b_e2, W_n1, b_n1,
           W_n2, b_n2, W_c1, b_c1, W_c2, W_v1, b_v1, W_v2, b_v2):
    row = edge_index[0].astype(jnp.int32)
    col = edge_index[1].astype(jnp.int32)
    pad = E_PAD - E
    rowg = jnp.concatenate([row, jnp.zeros((pad,), jnp.int32)])
    colg = jnp.concatenate([col, jnp.zeros((pad,), jnp.int32)])
    rows = jnp.concatenate([row, jnp.full((pad,), PAD_DST, jnp.int32)])
    idx2d = rows.reshape(E_PAD // CH, CH)
    hc = jnp.concatenate(
        [h, coord, jnp.zeros((N, HC - INF - 3), jnp.float32)], axis=1)
    hp = jnp.pad(h, ((0, N_PAD - N), (0, 0)))

    we1a = W_e1[:INF]
    we1b = W_e1[INF:2 * INF]
    wr = W_e1[2 * INF:].reshape(1, HNF)
    wc2r = W_c2.reshape(1, HNF)
    wv2r = W_v2.reshape(1, HNF)
    wn1a = W_n1[:INF]
    wn1b = W_n1[INF:]
    bv2r = jnp.broadcast_to(b_v2.reshape(1, 1), (1, 8))

    zz = jnp.zeros((DRAIN, 128), jnp.float32)

    hcrow, hccol = _gather_k(rowg, colg, hc)
    ef, aux = _edge_call(
        hcrow, hccol, we1a, we1b, wr, b_e1.reshape(1, HNF),
        W_e2, b_e2.reshape(1, HNF), W_c1, b_c1.reshape(1, HNF), wc2r)
    agg, facs = _scatter_k(idx2d, ef, aux, zz)
    nout, vel8, f16 = _node_call(
        hp, agg, facs, wn1a, wn1b,
        b_n1.reshape(1, HNF), W_n2, b_n2.reshape(1, ONF),
        W_v1, b_v1.reshape(1, HNF), wv2r, bv2r)

    vel = vel8[:N, :1]
    force = f16[:N, :3]
    node_out = nout[:N]
    return (vel, force, node_out)

# --- scband reference (transcript-rebuilt; emitter-appended) ---
"""Pipeline reference for scband-egcl-51848845197357 (READ-ONLY COPY).

The authoritative reference and input builder live on the scoring server;
editing this copy changes nothing except your own understanding.
"""

import jax, jax.numpy as jnp
import numpy as np

N = 10000
E = 160000
INF = 256
HNF = 512
ONF = 256


def setup_inputs(seed: int = 0) -> dict:
    key = jax.random.key(seed)
    ks = jax.random.split(key, 20)

    def lin_w(k, fan_in, fan_out, scale=None):
        s = (1.0 / np.sqrt(fan_in)) if scale is None else scale
        return (jax.random.normal(k, (fan_in, fan_out), dtype=jnp.float32) * s)

    inp = {}
    inp["h"] = jax.random.normal(ks[0], (N, INF), dtype=jnp.float32)
    inp["edge_index"] = jax.random.randint(ks[1], (2, E), 0, N, dtype=jnp.int64)
    inp["coord"] = jax.random.normal(ks[2], (N, 3), dtype=jnp.float32)
    # edge_nn: Linear(2*INF+1 -> HNF), ReLU, Linear(HNF -> HNF), ReLU
    inp["W_e1"] = lin_w(ks[3], 2 * INF + 1, HNF); inp["b_e1"] = jnp.zeros((HNF,), jnp.float32)
    inp["W_e2"] = lin_w(ks[4], HNF, HNF); inp["b_e2"] = jnp.zeros((HNF,), jnp.float32)
    # node_nn: Linear(HNF+INF -> HNF), ReLU, Linear(HNF -> ONF)
    inp["W_n1"] = lin_w(ks[5], HNF + INF, HNF); inp["b_n1"] = jnp.zeros((HNF,), jnp.float32)
    inp["W_n2"] = lin_w(ks[6], HNF, ONF); inp["b_n2"] = jnp.zeros((ONF,), jnp.float32)
    # coord_nn: Linear(HNF -> HNF), ReLU, Linear(HNF -> 1, no bias, xavier gain=0.001)
    inp["W_c1"] = lin_w(ks[7], HNF, HNF); inp["b_c1"] = jnp.zeros((HNF,), jnp.float32)
    inp["W_c2"] = lin_w(ks[8], HNF, 1, scale=0.001 * np.sqrt(6.0 / (HNF + 1)))
    # vel_scaling_nn: Linear(INF -> HNF), ReLU, Linear(HNF -> 1)
    inp["W_v1"] = lin_w(ks[9], INF, HNF); inp["b_v1"] = jnp.zeros((HNF,), jnp.float32)
    inp["W_v2"] = lin_w(ks[10], HNF, 1); inp["b_v2"] = jnp.zeros((1,), jnp.float32)
    return inp


def reference(h, edge_index, coord, W_e1, b_e1, W_e2, b_e2, W_n1, b_n1, W_n2, b_n2, W_c1, b_c1, W_c2, W_v1, b_v1, W_v2, b_v2):
    row = edge_index[0]
    col = edge_index[1]
    # coord2radial (norm_diff=False)
    coord_diff = coord[row] - coord[col]
    radial = jnp.sum(coord_diff ** 2, axis=1, keepdims=True)
    # edge_model (attention=False)
    e_in = jnp.concatenate([h[row], h[col], radial], axis=1)
    e_hidden = jax.nn.relu(e_in @ W_e1 + b_e1)
    edge_feat = jax.nn.relu(e_hidden @ W_e2 + b_e2)
    # force_model (tanh=False)
    c_hidden = jax.nn.relu(edge_feat @ W_c1 + b_c1)
    trans = coord_diff * (c_hidden @ W_c2)
    trans = jnp.clip(trans, -100.0, 100.0)
    seg_sum = jax.ops.segment_sum(trans, row, num_segments=N)
    seg_cnt = jax.ops.segment_sum(jnp.ones_like(trans), row, num_segments=N)
    force = (seg_sum / jnp.clip(seg_cnt, 1.0, None)) * 1.0  # coords_weight = 1.0
    # node_model
    agg = jax.ops.segment_sum(edge_feat, row, num_segments=N)
    n_in = jnp.concatenate([h, agg], axis=1)
    node_out = jax.nn.relu(n_in @ W_n1 + b_n1) @ W_n2 + b_n2
    # vel scaling
    vel = jax.nn.relu(h @ W_v1 + b_v1) @ W_v2 + b_v2
    return (vel, force, node_out)

if __name__ == "__main__":
    import jax
    _d = setup_inputs()
    print(jax.jit(kernel)(*tuple(_d.values())))

</pallas_src>

<mosaic_0001>
#map = affine_map<(d0, d1) -> (0, 0)>
module attributes {stable_mosaic.version = 14 : i64} {
  func.func @_scatter_k(%arg0: i32, %arg1: i32, %arg2: memref<1280x128xi32, #tpu.memory_space<hbm>>, %arg3: memref<163840x512xf32, #tpu.memory_space<hbm>>, %arg4: memref<163840x128xf32, #tpu.memory_space<hbm>>, %arg5: memref<640x128xf32, #tpu.memory_space<hbm>>, %arg6: memref<10240x512xf32, #tpu.memory_space<hbm>>, %arg7: memref<20480x128xf32, #tpu.memory_space<hbm>>, %arg8: memref<10240x128xf32, #tpu.memory_space<vmem_shared>>, %arg9: memref<128x128xf32, #tpu.memory_space<vmem>>, %arg10: memref<128x128xf32, #tpu.memory_space<vmem>>, %arg11: memref<128xi32, #tpu.memory_space<vmem>>, %arg12: memref<128xi32, #tpu.memory_space<vmem>>, %arg13: memref<!tpu.dma_semaphore, #tpu.memory_space<semaphore_mem>>, %arg14: memref<!tpu.dma_semaphore, #tpu.memory_space<semaphore_mem>>) attributes {dimension_semantics = [#tpu.dimension_semantics<core_parallel>, #tpu.dimension_semantics<subcore_parallel>], iteration_bounds = array<i64: 2, 16>, scalar_prefetch = 0 : i64, scratch_operands = 7 : i64, tpu.core_type = #tpu.core_type<sc_vector_subcore>, window_params = [{transform_indices = #map}, {transform_indices = #map}, {transform_indices = #map}, {transform_indices = #map}, {transform_indices = #map}, {transform_indices = #map}]} {
    %mul3A = arith.constant 2 : i32
    %mul3A_0 = arith.muli %arg0, %mul3A : i32
    %add3A = arith.constant 0 : i32
    %add3A_1 = arith.addi %mul3A_0, %add3A : i32
    %mul3A_2 = arith.constant 128 : i32
    %mul3A_3 = arith.muli %add3A_1, %mul3A_2 : i32
    %mul3A_4 = arith.constant 640 : i32
    %mul3A_5 = arith.muli %arg1, %mul3A_4 : i32
    "tpu.region"() ({
      %run_scoped3A = tpu.sem_alloc : memref<!tpu.dma_semaphore, #tpu.memory_space<semaphore_mem>>
      %dma_start3A_91 = arith.constant 0 : i32
      %dma_start3A_92 = tpu.memref_slice %arg8[%mul3A_5, %dma_start3A_91] : memref<10240x128xf32, #tpu.memory_space<vmem_shared>> -> memref<640x128xf32, #tpu.memory_space<vmem_shared>>
      tpu.enqueue_dma source(%arg5 : memref<640x128xf32, #tpu.memory_space<hbm>>) target(%dma_start3A_92 : memref<640x128xf32, #tpu.memory_space<vmem_shared>>) target_semaphore(%run_scoped3A : memref<!tpu.dma_semaphore, #tpu.memory_space<semaphore_mem>>)
      %dma_wait3A_93 = arith.constant 0 : i32
      %dma_wait3A_94 = tpu.memref_slice %arg8[%mul3A_5, %dma_wait3A_93] : memref<10240x128xf32, #tpu.memory_space<vmem_shared>> -> memref<640x128xf32, #tpu.memory_space<vmem_shared>>
      tpu.wait_dma2 semaphore(%run_scoped3A : memref<!tpu.dma_semaphore, #tpu.memory_space<semaphore_mem>>) src(%arg5 : memref<640x128xf32, #tpu.memory_space<hbm>>) dst(%dma_wait3A_94 : memref<640x128xf32, #tpu.memory_space<vmem_shared>>)
      tpu.yield
    }) : () -> ()
    %barrier3A = arith.constant 0 : index
    tpu.barrier barrier_id(%barrier3A)
    %mul3A_6 = arith.constant 80 : i32
    %mul3A_7 = arith.muli %arg1, %mul3A_6 : i32
    "tpu.region"() ({
      %run_scoped3A = tpu.sem_alloc : memref<!tpu.dma_semaphore, #tpu.memory_space<semaphore_mem>>
      %dma_start3A_91 = arith.constant 0 : i32
      %dma_start3A_92 = tpu.memref_slice %arg2[%mul3A_7, %dma_start3A_91] : memref<1280x128xi32, #tpu.memory_space<hbm>> -> memref<1x128xi32, #tpu.memory_space<hbm>>
      %dma_start3A_93 = tpu.memref_squeeze %dma_start3A_92 : memref<1x128xi32, #tpu.memory_space<hbm>> -> memref<128xi32, #tpu.memory_space<hbm>>
      %dma_start3A_94 = arith.constant 0 : i32
      %dma_start3A_95 = tpu.memref_slice %arg2[%mul3A_7, %dma_start3A_94] : memref<1280x128xi32, #tpu.memory_space<hbm>> -> memref<1x128xi32, #tpu.memory_space<hbm>>
      %dma_start3A_96 = tpu.memref_squeeze %dma_start3A_95 : memref<1x128xi32, #tpu.memory_space<hbm>> -> memref<128xi32, #tpu.memory_space<hbm>>
      tpu.enqueue_dma source(%dma_start3A_96 : memref<128xi32, #tpu.memory_space<hbm>>) target(%arg11 : memref<128xi32, #tpu.memory_space<vmem>>) target_semaphore(%run_scoped3A : memref<!tpu.dma_semaphore, #tpu.memory_space<semaphore_mem>>)
      %dma_wait3A_97 = arith.constant 0 : i32
      %dma_wait3A_98 = tpu.memref_slice %arg2[%mul3A_7, %dma_wait3A_97] : memref<1280x128xi32, #tpu.memory_space<hbm>> -> memref<1x128xi32, #tpu.memory_space<hbm>>
      %dma_wait3A_99 = tpu.memref_squeeze %dma_wait3A_98 : memref<1x128xi32, #tpu.memory_space<hbm>> -> memref<128xi32, #tpu.memory_space<hbm>>
      %dma_wait3A_100 = arith.constant 0 : i32
      %dma_wait3A_101 = tpu.memref_slice %arg2[%mul3A_7, %dma_wait3A_100] : memref<1280x128xi32, #tpu.memory_space<hbm>> -> memref<1x128xi32, #tpu.memory_space<hbm>>
      %dma_wait3A_102 = tpu.memref_squeeze %dma_wait3A_101 : memref<1x128xi32, #tpu.memory_space<hbm>> -> memref<128xi32, #tpu.memory_space<hbm>>
      tpu.wait_dma2 semaphore(%run_scoped3A : memref<!tpu.dma_semaphore, #tpu.memory_space<semaphore_mem>>) src(%dma_wait3A_102 : memref<128xi32, #tpu.memory_space<hbm>>) dst(%arg11 : memref<128xi32, #tpu.memory_space<vmem>>)
      tpu.yield
    }) : () -> ()
    %mul3A_8 = arith.constant 128 : i32
    %mul3A_9 = arith.muli %mul3A_7, %mul3A_8 : i32
    %dma_start3A = tpu.memref_slice %arg3[%mul3A_9, %mul3A_3] : memref<163840x512xf32, #tpu.memory_space<hbm>> -> memref<128x128xf32, #tpu.memory_space<hbm>>
    %dma_start3A_10 = tpu.memref_slice %arg3[%mul3A_9, %mul3A_3] : memref<163840x512xf32, #tpu.memory_space<hbm>> -> memref<128x128xf32, #tpu.memory_space<hbm>>
    tpu.enqueue_dma source(%dma_start3A_10 : memref<128x128xf32, #tpu.memory_space<hbm>>) target(%arg9 : memref<128x128xf32, #tpu.memory_space<vmem>>) target_semaphore(%arg13 : memref<!tpu.dma_semaphore, #tpu.memory_space<semaphore_mem>>)
    %scan3A = arith.constant 0 : i32
    %scan3A_11 = arith.constant 40 : i32
    %scan3A_12 = arith.addi %scan3A, %scan3A_11 : i32
    %scan3A_13 = arith.constant 1 : i32
    scf.for %scan3A_91 = %scan3A to %scan3A_12 step %scan3A_13  : i32 {
      %mul3A_92 = arith.constant 2 : i32
      %mul3A_93 = arith.muli %mul3A_92, %scan3A_91 : i32
      %add3A_94 = arith.addi %mul3A_7, %mul3A_93 : i32
      %add3A_95 = arith.constant 1 : i32
      %add3A_96 = arith.addi %add3A_94, %add3A_95 : i32
      %add3A_97 = arith.constant 2 : i32
      %add3A_98 = arith.addi %add3A_94, %add3A_97 : i32
      %add3A_99 = arith.constant 80 : i32
      %add3A_100 = arith.addi %mul3A_7, %add3A_99 : i32
      %sub3A = arith.constant 1 : i32
      %sub3A_101 = arith.subi %add3A_100, %sub3A : i32
      %min3A = arith.minsi %add3A_98, %sub3A_101 : i32
      "tpu.region"() ({
        %run_scoped3A = tpu.sem_alloc : memref<!tpu.dma_semaphore, #tpu.memory_space<semaphore_mem>>
        %dma_start3A_122 = arith.constant 0 : i32
        %dma_start3A_123 = tpu.memref_slice %arg2[%add3A_96, %dma_start3A_122] : memref<1280x128xi32, #tpu.memory_space<hbm>> -> memref<1x128xi32, #tpu.memory_space<hbm>>
        %dma_start3A_124 = tpu.memref_squeeze %dma_start3A_123 : memref<1x128xi32, #tpu.memory_space<hbm>> -> memref<128xi32, #tpu.memory_space<hbm>>
        %dma_start3A_125 = arith.constant 0 : i32
        %dma_start3A_126 = tpu.memref_slice %arg2[%add3A_96, %dma_start3A_125] : memref<1280x128xi32, #tpu.memory_space<hbm>> -> memref<1x128xi32, #tpu.memory_space<hbm>>
        %dma_start3A_127 = tpu.memref_squeeze %dma_start3A_126 : memref<1x128xi32, #tpu.memory_space<hbm>> -> memref<128xi32, #tpu.memory_space<hbm>>
        tpu.enqueue_dma source(%dma_start3A_127 : memref<128xi32, #tpu.memory_space<hbm>>) target(%arg12 : memref<128xi32, #tpu.memory_space<vmem>>) target_semaphore(%run_scoped3A : memref<!tpu.dma_semaphore, #tpu.memory_space<semaphore_mem>>)
        %dma_wait3A_128 = arith.constant 0 : i32
        %dma_wait3A_129 = tpu.memref_slice %arg2[%add3A_96, %dma_wait3A_128] : memref<1280x128xi32, #tpu.memory_space<hbm>> -> memref<1x128xi32, #tpu.memory_space<hbm>>
        %dma_wait3A_130 = tpu.memref_squeeze %dma_wait3A_129 : memref<1x128xi32, #tpu.memory_space<hbm>> -> memref<128xi32, #tpu.memory_space<hbm>>
        %dma_wait3A_131 = arith.constant 0 : i32
        %dma_wait3A_132 = tpu.memref_slice %arg2[%add3A_96, %dma_wait3A_131] : memref<1280x128xi32, #tpu.memory_space<hbm>> -> memref<1x128xi32, #tpu.memory_space<hbm>>
        %dma_wait3A_133 = tpu.memref_squeeze %dma_wait3A_132 : memref<1x128xi32, #tpu.memory_space<hbm>> -> memref<128xi32, #tpu.memory_space<hbm>>
        tpu.wait_dma2 semaphore(%run_scoped3A : memref<!tpu.dma_semaphore, #tpu.memory_space<semaphore_mem>>) src(%dma_wait3A_133 : memref<128xi32, #tpu.memory_space<hbm>>) dst(%arg12 : memref<128xi32, #tpu.memory_space<vmem>>)
        tpu.yield
      }) : () -> ()
      %mul3A_102 = arith.constant 128 : i32
      %mul3A_103 = arith.muli %add3A_96, %mul3A_102 : i32
      %dma_start3A_104 = tpu.memref_slice %arg3[%mul3A_103, %mul3A_3] : memref<163840x512xf32, #tpu.memory_space<hbm>> -> memref<128x128xf32, #tpu.memory_space<hbm>>
      %dma_start3A_105 = tpu.memref_slice %arg3[%mul3A_103, %mul3A_3] : memref<163840x512xf32, #tpu.memory_space<hbm>> -> memref<128x128xf32, #tpu.memory_space<hbm>>
      tpu.enqueue_dma source(%dma_start3A_105 : memref<128x128xf32, #tpu.memory_space<hbm>>) target(%arg10 : memref<128x128xf32, #tpu.memory_space<vmem>>) target_semaphore(%arg14 : memref<!tpu.dma_semaphore, #tpu.memory_space<semaphore_mem>>)
      %dma_wait3A_106 = arith.constant 0 : i32
      %dma_wait3A_107 = arith.constant 0 : i32
      %dma_wait3A_108 = tpu.memref_slice %arg4[%dma_wait3A_106, %dma_wait3A_107] : memref<163840x128xf32, #tpu.memory_space<hbm>> -> memref<128x128xf32, #tpu.memory_space<hbm>>
      %dma_wait3A_109 = arith.constant 0 : i32
      %dma_wait3A_110 = arith.constant 0 : i32
      %dma_wait3A_111 = tpu.memref_slice %arg4[%dma_wait3A_109, %dma_wait3A_110] : memref<163840x128xf32, #tpu.memory_space<hbm>> -> memref<128x128xf32, #tpu.memory_space<hbm>>
      tpu.wait_dma2 semaphore(%arg13 : memref<!tpu.dma_semaphore, #tpu.memory_space<semaphore_mem>>) src(%dma_wait3A_111 : memref<128x128xf32, #tpu.memory_space<hbm>>) dst(%arg9 : memref<128x128xf32, #tpu.memory_space<vmem>>)
      "tpu.region"() ({
        %run_scoped3A = tpu.sem_alloc : memref<!tpu.dma_semaphore, #tpu.memory_space<semaphore_mem>>
        %dma_start3A_122 = arith.constant 0 : i32
        %dma_start3A_123 = arith.constant 0 : i32
        %dma_start3A_124 = tpu.memref_slice %arg8[%dma_start3A_122, %dma_start3A_123] : memref<10240x128xf32, #tpu.memory_space<vmem_shared>> -> memref<10240x128xf32, #tpu.memory_space<vmem_shared>>
        tpu.enqueue_indirect_dma source(%arg9 : memref<128x128xf32, #tpu.memory_space<vmem>>) target(%dma_start3A_124 : memref<10240x128xf32, #tpu.memory_space<vmem_shared>>) offsets(%arg11 : memref<128xi32, #tpu.memory_space<vmem>>) semaphore(%run_scoped3A : memref<!tpu.dma_semaphore, #tpu.memory_space<semaphore_mem>>) {add = true}
        %dma_wait3A_125 = arith.constant 0 : i32
        %dma_wait3A_126 = arith.constant 0 : i32
        %dma_wait3A_127 = tpu.memref_slice %arg8[%dma_wait3A_125, %dma_wait3A_126] : memref<10240x128xf32, #tpu.memory_space<vmem_shared>> -> memref<10240x128xf32, #tpu.memory_space<vmem_shared>>
        tpu.wait_indirect_dma semaphore(%run_scoped3A : memref<!tpu.dma_semaphore, #tpu.memory_space<semaphore_mem>>) src(%arg9 : memref<128x128xf32, #tpu.memory_space<vmem>>) dst(%dma_wait3A_127 : memref<10240x128xf32, #tpu.memory_space<vmem_shared>>)
        tpu.yield
      }) : () -> ()
      "tpu.region"() ({
        %run_scoped3A = tpu.sem_alloc : memref<!tpu.dma_semaphore, #tpu.memory_space<semaphore_mem>>
        %dma_start3A_122 = arith.constant 0 : i32
        %dma_start3A_123 = tpu.memref_slice %arg2[%min3A, %dma_start3A_122] : memref<1280x128xi32, #tpu.memory_space<hbm>> -> memref<1x128xi32, #tpu.memory_space<hbm>>
        %dma_start3A_124 = tpu.memref_squeeze %dma_start3A_123 : memref<1x128xi32, #tpu.memory_space<hbm>> -> memref<128xi32, #tpu.memory_space<hbm>>
        %dma_start3A_125 = arith.constant 0 : i32
        %dma_start3A_126 = tpu.memref_slice %arg2[%min3A, %dma_start3A_125] : memref<1280x128xi32, #tpu.memory_space<hbm>> -> memref<1x128xi32, #tpu.memory_space<hbm>>
        %dma_start3A_127 = tpu.memref_squeeze %dma_start3A_126 : memref<1x128xi32, #tpu.memory_space<hbm>> -> memref<128xi32, #tpu.memory_space<hbm>>
        tpu.enqueue_dma source(%dma_start3A_127 : memref<128xi32, #tpu.memory_space<hbm>>) target(%arg11 : memref<128xi32, #tpu.memory_space<vmem>>) target_semaphore(%run_scoped3A : memref<!tpu.dma_semaphore, #tpu.memory_space<semaphore_mem>>)
        %dma_wait3A_128 = arith.constant 0 : i32
        %dma_wait3A_129 = tpu.memref_slice %arg2[%min3A, %dma_wait3A_128] : memref<1280x128xi32, #tpu.memory_space<hbm>> -> memref<1x128xi32, #tpu.memory_space<hbm>>
        %dma_wait3A_130 = tpu.memref_squeeze %dma_wait3A_129 : memref<1x128xi32, #tpu.memory_space<hbm>> -> memref<128xi32, #tpu.memory_space<hbm>>
        %dma_wait3A_131 = arith.constant 0 : i32
        %dma_wait3A_132 = tpu.memref_slice %arg2[%min3A, %dma_wait3A_131] : memref<1280x128xi32, #tpu.memory_space<hbm>> -> memref<1x128xi32, #tpu.memory_space<hbm>>
        %dma_wait3A_133 = tpu.memref_squeeze %dma_wait3A_132 : memref<1x128xi32, #tpu.memory_space<hbm>> -> memref<128xi32, #tpu.memory_space<hbm>>
        tpu.wait_dma2 semaphore(%run_scoped3A : memref<!tpu.dma_semaphore, #tpu.memory_space<semaphore_mem>>) src(%dma_wait3A_133 : memref<128xi32, #tpu.memory_space<hbm>>) dst(%arg11 : memref<128xi32, #tpu.memory_space<vmem>>)
        tpu.yield
      }) : () -> ()
      %mul3A_112 = arith.constant 128 : i32
      %mul3A_113 = arith.muli %min3A, %mul3A_112 : i32
      %dma_start3A_114 = tpu.memref_slice %arg3[%mul3A_113, %mul3A_3] : memref<163840x512xf32, #tpu.memory_space<hbm>> -> memref<128x128xf32, #tpu.memory_space<hbm>>
      %dma_start3A_115 = tpu.memref_slice %arg3[%mul3A_113, %mul3A_3] : memref<163840x512xf32, #tpu.memory_space<hbm>> -> memref<128x128xf32, #tpu.memory_space<hbm>>
      tpu.enqueue_dma source(%dma_start3A_115 : memref<128x128xf32, #tpu.memory_space<hbm>>) target(%arg9 : memref<128x128xf32, #tpu.memory_space<vmem>>) target_semaphore(%arg13 : memref<!tpu.dma_semaphore, #tpu.memory_space<semaphore_mem>>)
      %dma_wait3A_116 = arith.constant 0 : i32
      %dma_wait3A_117 = arith.constant 0 : i32
      %dma_wait3A_118 = tpu.memref_slice %arg4[%dma_wait3A_116, %dma_wait3A_117] : memref<163840x128xf32, #tpu.memory_space<hbm>> -> memref<128x128xf32, #tpu.memory_space<hbm>>
      %dma_wait3A_119 = arith.constant 0 : i32
      %dma_wait3A_120 = arith.constant 0 : i32
      %dma_wait3A_121 = tpu.memref_slice %arg4[%dma_wait3A_119, %dma_wait3A_120] : memref<163840x128xf32, #tpu.memory_space<hbm>> -> memref<128x128xf32, #tpu.memory_space<hbm>>
      tpu.wait_dma2 semaphore(%arg14 : memref<!tpu.dma_semaphore, #tpu.memory_space<semaphore_mem>>) src(%dma_wait3A_121 : memref<128x128xf32, #tpu.memory_space<hbm>>) dst(%arg10 : memref<128x128xf32, #tpu.memory_space<vmem>>)
      "tpu.region"() ({
        %run_scoped3A = tpu.sem_alloc : memref<!tpu.dma_semaphore, #tpu.memory_space<semaphore_mem>>
        %dma_start3A_122 = arith.constant 0 : i32
        %dma_start3A_123 = arith.constant 0 : i32
        %dma_start3A_124 = tpu.memref_slice %arg8[%dma_start3A_122, %dma_start3A_123] : memref<10240x128xf32, #tpu.memory_space<vmem_shared>> -> memref<10240x128xf32, #tpu.memory_space<vmem_shared>>
        tpu.enqueue_indirect_dma source(%arg10 : memref<128x128xf32, #tpu.memory_space<vmem>>) target(%dma_start3A_124 : memref<10240x128xf32, #tpu.memory_space<vmem_shared>>) offsets(%arg12 : memref<128xi32, #tpu.memory_space<vmem>>) semaphore(%run_scoped3A : memref<!tpu.dma_semaphore, #tpu.memory_space<semaphore_mem>>) {add = true}
        %dma_wait3A_125 = arith.constant 0 : i32
        %dma_wait3A_126 = arith.constant 0 : i32
        %dma_wait3A_127 = tpu.memref_slice %arg8[%dma_wait3A_125, %dma_wait3A_126] : memref<10240x128xf32, #tpu.memory_space<vmem_shared>> -> memref<10240x128xf32, #tpu.memory_space<vmem_shared>>
        tpu.wait_indirect_dma semaphore(%run_scoped3A : memref<!tpu.dma_semaphore, #tpu.memory_space<semaphore_mem>>) src(%arg10 : memref<128x128xf32, #tpu.memory_space<vmem>>) dst(%dma_wait3A_127 : memref<10240x128xf32, #tpu.memory_space<vmem_shared>>)
        tpu.yield
      }) : () -> ()
    }
    %scan3A_14 = arith.constant 40 : i32
    %dma_wait3A = arith.constant 0 : i32
    %dma_wait3A_15 = arith.constant 0 : i32
    %dma_wait3A_16 = tpu.memref_slice %arg4[%dma_wait3A, %dma_wait3A_15] : memref<163840x128xf32, #tpu.memory_space<hbm>> -> memref<128x128xf32, #tpu.memory_space<hbm>>
    %dma_wait3A_17 = arith.constant 0 : i32
    %dma_wait3A_18 = arith.constant 0 : i32
    %dma_wait3A_19 = tpu.memref_slice %arg4[%dma_wait3A_17, %dma_wait3A_18] : memref<163840x128xf32, #tpu.memory_space<hbm>> -> memref<128x128xf32, #tpu.memory_space<hbm>>
    tpu.wait_dma2 semaphore(%arg13 : memref<!tpu.dma_semaphore, #tpu.memory_space<semaphore_mem>>) src(%dma_wait3A_19 : memref<128x128xf32, #tpu.memory_space<hbm>>) dst(%arg9 : memref<128x128xf32, #tpu.memory_space<vmem>>)
    %barrier3A_20 = arith.constant 0 : index
    tpu.barrier barrier_id(%barrier3A_20)
    %mul3A_21 = arith.constant 640 : i32
    %mul3A_22 = arith.muli %arg1, %mul3A_21 : i32
    %mul3A_23 = arith.constant 640 : i32
    %mul3A_24 = arith.muli %arg1, %mul3A_23 : i32
    "tpu.region"() ({
      %run_scoped3A = tpu.sem_alloc : memref<!tpu.dma_semaphore, #tpu.memory_space<semaphore_mem>>
      %dma_start3A_91 = tpu.memref_slice %arg6[%mul3A_24, %mul3A_3] : memref<10240x512xf32, #tpu.memory_space<hbm>> -> memref<640x128xf32, #tpu.memory_space<hbm>>
      %dma_start3A_92 = arith.constant 0 : i32
      %dma_start3A_93 = tpu.memref_slice %arg8[%mul3A_22, %dma_start3A_92] : memref<10240x128xf32, #tpu.memory_space<vmem_shared>> -> memref<640x128xf32, #tpu.memory_space<vmem_shared>>
      tpu.enqueue_dma source(%dma_start3A_93 : memref<640x128xf32, #tpu.memory_space<vmem_shared>>) target(%dma_start3A_91 : memref<640x128xf32, #tpu.memory_space<hbm>>) target_semaphore(%run_scoped3A : memref<!tpu.dma_semaphore, #tpu.memory_space<semaphore_mem>>)
      %dma_wait3A_94 = tpu.memref_slice %arg6[%mul3A_24, %mul3A_3] : memref<10240x512xf32, #tpu.memory_space<hbm>> -> memref<640x128xf32, #tpu.memory_space<hbm>>
      %dma_wait3A_95 = arith.constant 0 : i32
      %dma_wait3A_96 = tpu.memref_slice %arg8[%mul3A_22, %dma_wait3A_95] : memref<10240x128xf32, #tpu.memory_space<vmem_shared>> -> memref<640x128xf32, #tpu.memory_space<vmem_shared>>
      tpu.wait_dma2 semaphore(%run_scoped3A : memref<!tpu.dma_semaphore, #tpu.memory_space<semaphore_mem>>) src(%dma_wait3A_96 : memref<640x128xf32, #tpu.memory_space<vmem_shared>>) dst(%dma_wait3A_94 : memref<640x128xf32, #tpu.memory_space<hbm>>)
      tpu.yield
    }) : () -> ()
    %barrier3A_25 = arith.constant 0 : index
    tpu.barrier barrier_id(%barrier3A_25)
    %mul3A_26 = arith.constant 2 : i32
    %mul3A_27 = arith.muli %arg0, %mul3A_26 : i32
    %add3A_28 = arith.constant 1 : i32
    %add3A_29 = arith.addi %mul3A_27, %add3A_28 : i32
    %mul3A_30 = arith.constant 128 : i32
    %mul3A_31 = arith.muli %add3A_29, %mul3A_30 : i32
    %mul3A_32 = arith.constant 640 : i32
    %mul3A_33 = arith.muli %arg1, %mul3A_32 : i32
    "tpu.region"() ({
      %run_scoped3A = tpu.sem_alloc : memref<!tpu.dma_semaphore, #tpu.memory_space<semaphore_mem>>
      %dma_start3A_91 = arith.constant 0 : i32
      %dma_start3A_92 = tpu.memref_slice %arg8[%mul3A_33, %dma_start3A_91] : memref<10240x128xf32, #tpu.memory_space<vmem_shared>> -> memref<640x128xf32, #tpu.memory_space<vmem_shared>>
      tpu.enqueue_dma source(%arg5 : memref<640x128xf32, #tpu.memory_space<hbm>>) target(%dma_start3A_92 : memref<640x128xf32, #tpu.memory_space<vmem_shared>>) target_semaphore(%run_scoped3A : memref<!tpu.dma_semaphore, #tpu.memory_space<semaphore_mem>>)
      %dma_wait3A_93 = arith.constant 0 : i32
      %dma_wait3A_94 = tpu.memref_slice %arg8[%mul3A_33, %dma_wait3A_93] : memref<10240x128xf32, #tpu.memory_space<vmem_shared>> -> memref<640x128xf32, #tpu.memory_space<vmem_shared>>
      tpu.wait_dma2 semaphore(%run_scoped3A : memref<!tpu.dma_semaphore, #tpu.memory_space<semaphore_mem>>) src(%arg5 : memref<640x128xf32, #tpu.memory_space<hbm>>) dst(%dma_wait3A_94 : memref<640x128xf32, #tpu.memory_space<vmem_shared>>)
      tpu.yield
    }) : () -> ()
    %barrier3A_34 = arith.constant 0 : index
    tpu.barrier barrier_id(%barrier3A_34)
    %mul3A_35 = arith.constant 80 : i32
    %mul3A_36 = arith.muli %arg1, %mul3A_35 : i32
    "tpu.region"() ({
      %run_scoped3A = tpu.sem_alloc : memref<!tpu.dma_semaphore, #tpu.memory_space<semaphore_mem>>
      %dma_start3A_91 = arith.constant 0 : i32
      %dma_start3A_92 = tpu.memref_slice %arg2[%mul3A_36, %dma_start3A_91] : memref<1280x128xi32, #tpu.memory_space<hbm>> -> memref<1x128xi32, #tpu.memory_space<hbm>>
      %dma_start3A_93 = tpu.memref_squeeze %dma_start3A_92 : memref<1x128xi32, #tpu.memory_space<hbm>> -> memref<128xi32, #tpu.memory_space<hbm>>
      %dma_start3A_94 = arith.constant 0 : i32
      %dma_start3A_95 = tpu.memref_slice %arg2[%mul3A_36, %dma_start3A_94] : memref<1280x128xi32, #tpu.memory_space<hbm>> -> memref<1x128xi32, #tpu.memory_space<hbm>>
      %dma_start3A_96 = tpu.memref_squeeze %dma_start3A_95 : memref<1x128xi32, #tpu.memory_space<hbm>> -> memref<128xi32, #tpu.memory_space<hbm>>
      tpu.enqueue_dma source(%dma_start3A_96 : memref<128xi32, #tpu.memory_space<hbm>>) target(%arg11 : memref<128xi32, #tpu.memory_space<vmem>>) target_semaphore(%run_scoped3A : memref<!tpu.dma_semaphore, #tpu.memory_space<semaphore_mem>>)
      %dma_wait3A_97 = arith.constant 0 : i32
      %dma_wait3A_98 = tpu.memref_slice %arg2[%mul3A_36, %dma_wait3A_97] : memref<1280x128xi32, #tpu.memory_space<hbm>> -> memref<1x128xi32, #tpu.memory_space<hbm>>
      %dma_wait3A_99 = tpu.memref_squeeze %dma_wait3A_98 : memref<1x128xi32, #tpu.memory_space<hbm>> -> memref<128xi32, #tpu.memory_space<hbm>>
      %dma_wait3A_100 = arith.constant 0 : i32
      %dma_wait3A_101 = tpu.memref_slice %arg2[%mul3A_36, %dma_wait3A_100] : memref<1280x128xi32, #tpu.memory_space<hbm>> -> memref<1x128xi32, #tpu.memory_space<hbm>>
      %dma_wait3A_102 = tpu.memref_squeeze %dma_wait3A_101 : memref<1x128xi32, #tpu.memory_space<hbm>> -> memref<128xi32, #tpu.memory_space<hbm>>
      tpu.wait_dma2 semaphore(%run_scoped3A : memref<!tpu.dma_semaphore, #tpu.memory_space<semaphore_mem>>) src(%dma_wait3A_102 : memref<128xi32, #tpu.memory_space<hbm>>) dst(%arg11 : memref<128xi32, #tpu.memory_space<vmem>>)
      tpu.yield
    }) : () -> ()
    %mul3A_37 = arith.constant 128 : i32
    %mul3A_38 = arith.muli %mul3A_36, %mul3A_37 : i32
    %dma_start3A_39 = tpu.memref_slice %arg3[%mul3A_38, %mul3A_31] : memref<163840x512xf32, #tpu.memory_space<hbm>> -> memref<128x128xf32, #tpu.memory_space<hbm>>
    %dma_start3A_40 = tpu.memref_slice %arg3[%mul3A_38, %mul3A_31] : memref<163840x512xf32, #tpu.memory_space<hbm>> -> memref<128x128xf32, #tpu.memory_space<hbm>>
    tpu.enqueue_dma source(%dma_start3A_40 : memref<128x128xf32, #tpu.memory_space<hbm>>) target(%arg9 : memref<128x128xf32, #tpu.memory_space<vmem>>) target_semaphore(%arg13 : memref<!tpu.dma_semaphore, #tpu.memory_space<semaphore_mem>>)
    %scan3A_41 = arith.constant 0 : i32
    %scan3A_42 = arith.constant 40 : i32
    %scan3A_43 = arith.addi %scan3A_41, %scan3A_42 : i32
    %scan3A_44 = arith.constant 1 : i32
    scf.for %scan3A_91 = %scan3A_41 to %scan3A_43 step %scan3A_44  : i32 {
      %mul3A_92 = arith.constant 2 : i32
      %mul3A_93 = arith.muli %mul3A_92, %scan3A_91 : i32
      %add3A_94 = arith.addi %mul3A_36, %mul3A_93 : i32
      %add3A_95 = arith.constant 1 : i32
      %add3A_96 = arith.addi %add3A_94, %add3A_95 : i32
      %add3A_97 = arith.constant 2 : i32
      %add3A_98 = arith.addi %add3A_94, %add3A_97 : i32
      %add3A_99 = arith.constant 80 : i32
      %add3A_100 = arith.addi %mul3A_36, %add3A_99 : i32
      %sub3A = arith.constant 1 : i32
      %sub3A_101 = arith.subi %add3A_100, %sub3A : i32
      %min3A = arith.minsi %add3A_98, %sub3A_101 : i32
      "tpu.region"() ({
        %run_scoped3A = tpu.sem_alloc : memref<!tpu.dma_semaphore, #tpu.memory_space<semaphore_mem>>
        %dma_start3A_122 = arith.constant 0 : i32
        %dma_start3A_123 = tpu.memref_slice %arg2[%add3A_96, %dma_start3A_122] : memref<1280x128xi32, #tpu.memory_space<hbm>> -> memref<1x128xi32, #tpu.memory_space<hbm>>
        %dma_start3A_124 = tpu.memref_squeeze %dma_start3A_123 : memref<1x128xi32, #tpu.memory_space<hbm>> -> memref<128xi32, #tpu.memory_space<hbm>>
        %dma_start3A_125 = arith.constant 0 : i32
        %dma_start3A_126 = tpu.memref_slice %arg2[%add3A_96, %dma_start3A_125] : memref<1280x128xi32, #tpu.memory_space<hbm>> -> memref<1x128xi32, #tpu.memory_space<hbm>>
        %dma_start3A_127 = tpu.memref_squeeze %dma_start3A_126 : memref<1x128xi32, #tpu.memory_space<hbm>> -> memref<128xi32, #tpu.memory_space<hbm>>
        tpu.enqueue_dma source(%dma_start3A_127 : memref<128xi32, #tpu.memory_space<hbm>>) target(%arg12 : memref<128xi32, #tpu.memory_space<vmem>>) target_semaphore(%run_scoped3A : memref<!tpu.dma_semaphore, #tpu.memory_space<semaphore_mem>>)
        %dma_wait3A_128 = arith.constant 0 : i32
        %dma_wait3A_129 = tpu.memref_slice %arg2[%add3A_96, %dma_wait3A_128] : memref<1280x128xi32, #tpu.memory_space<hbm>> -> memref<1x128xi32, #tpu.memory_space<hbm>>
        %dma_wait3A_130 = tpu.memref_squeeze %dma_wait3A_129 : memref<1x128xi32, #tpu.memory_space<hbm>> -> memref<128xi32, #tpu.memory_space<hbm>>
        %dma_wait3A_131 = arith.constant 0 : i32
        %dma_wait3A_132 = tpu.memref_slice %arg2[%add3A_96, %dma_wait3A_131] : memref<1280x128xi32, #tpu.memory_space<hbm>> -> memref<1x128xi32, #tpu.memory_space<hbm>>
        %dma_wait3A_133 = tpu.memref_squeeze %dma_wait3A_132 : memref<1x128xi32, #tpu.memory_space<hbm>> -> memref<128xi32, #tpu.memory_space<hbm>>
        tpu.wait_dma2 semaphore(%run_scoped3A : memref<!tpu.dma_semaphore, #tpu.memory_space<semaphore_mem>>) src(%dma_wait3A_133 : memref<128xi32, #tpu.memory_space<hbm>>) dst(%arg12 : memref<128xi32, #tpu.memory_space<vmem>>)
        tpu.yield
      }) : () -> ()
      %mul3A_102 = arith.constant 128 : i32
      %mul3A_103 = arith.muli %add3A_96, %mul3A_102 : i32
      %dma_start3A_104 = tpu.memref_slice %arg3[%mul3A_103, %mul3A_31] : memref<163840x512xf32, #tpu.memory_space<hbm>> -> memref<128x128xf32, #tpu.memory_space<hbm>>
      %dma_start3A_105 = tpu.memref_slice %arg3[%mul3A_103, %mul3A_31] : memref<163840x512xf32, #tpu.memory_space<hbm>> -> memref<128x128xf32, #tpu.memory_space<hbm>>
      tpu.enqueue_dma source(%dma_start3A_105 : memref<128x128xf32, #tpu.memory_space<hbm>>) target(%arg10 : memref<128x128xf32, #tpu.memory_space<vmem>>) target_semaphore(%arg14 : memref<!tpu.dma_semaphore, #tpu.memory_space<semaphore_mem>>)
      %dma_wait3A_106 = arith.constant 0 : i32
      %dma_wait3A_107 = arith.constant 0 : i32
      %dma_wait3A_108 = tpu.memref_slice %arg4[%dma_wait3A_106, %dma_wait3A_107] : memref<163840x128xf32, #tpu.memory_space<hbm>> -> memref<128x128xf32, #tpu.memory_space<hbm>>
      %dma_wait3A_109 = arith.constant 0 : i32
      %dma_wait3A_110 = arith.constant 0 : i32
      %dma_wait3A_111 = tpu.memref_slice %arg4[%dma_wait3A_109, %dma_wait3A_110] : memref<163840x128xf32, #tpu.memory_space<hbm>> -> memref<128x128xf32, #tpu.memory_space<hbm>>
      tpu.wait_dma2 semaphore(%arg13 : memref<!tpu.dma_semaphore, #tpu.memory_space<semaphore_mem>>) src(%dma_wait3A_111 : memref<128x128xf32, #tpu.memory_space<hbm>>) dst(%arg9 : memref<128x128xf32, #tpu.memory_space<vmem>>)
      "tpu.region"() ({
        %run_scoped3A = tpu.sem_alloc : memref<!tpu.dma_semaphore, #tpu.memory_space<semaphore_mem>>
        %dma_start3A_122 = arith.constant 0 : i32
        %dma_start3A_123 = arith.constant 0 : i32
        %dma_start3A_124 = tpu.memref_slice %arg8[%dma_start3A_122, %dma_start3A_123] : memref<10240x128xf32, #tpu.memory_space<vmem_shared>> -> memref<10240x128xf32, #tpu.memory_space<vmem_shared>>
        tpu.enqueue_indirect_dma source(%arg9 : memref<128x128xf32, #tpu.memory_space<vmem>>) target(%dma_start3A_124 : memref<10240x128xf32, #tpu.memory_space<vmem_shared>>) offsets(%arg11 : memref<128xi32, #tpu.memory_space<vmem>>) semaphore(%run_scoped3A : memref<!tpu.dma_semaphore, #tpu.memory_space<semaphore_mem>>) {add = true}
        %dma_wait3A_125 = arith.constant 0 : i32
        %dma_wait3A_126 = arith.constant 0 : i32
        %dma_wait3A_127 = tpu.memref_slice %arg8[%dma_wait3A_125, %dma_wait3A_126] : memref<10240x128xf32, #tpu.memory_space<vmem_shared>> -> memref<10240x128xf32, #tpu.memory_space<vmem_shared>>
        tpu.wait_indirect_dma semaphore(%run_scoped3A : memref<!tpu.dma_semaphore, #tpu.memory_space<semaphore_mem>>) src(%arg9 : memref<128x128xf32, #tpu.memory_space<vmem>>) dst(%dma_wait3A_127 : memref<10240x128xf32, #tpu.memory_space<vmem_shared>>)
        tpu.yield
      }) : () -> ()
      "tpu.region"() ({
        %run_scoped3A = tpu.sem_alloc : memref<!tpu.dma_semaphore, #tpu.memory_space<semaphore_mem>>
        %dma_start3A_122 = arith.constant 0 : i32
        %dma_start3A_123 = tpu.memref_slice %arg2[%min3A, %dma_start3A_122] : memref<1280x128xi32, #tpu.memory_space<hbm>> -> memref<1x128xi32, #tpu.memory_space<hbm>>
        %dma_start3A_124 = tpu.memref_squeeze %dma_start3A_123 : memref<1x128xi32, #tpu.memory_space<hbm>> -> memref<128xi32, #tpu.memory_space<hbm>>
        %dma_start3A_125 = arith.constant 0 : i32
        %dma_start3A_126 = tpu.memref_slice %arg2[%min3A, %dma_start3A_125] : memref<1280x128xi32, #tpu.memory_space<hbm>> -> memref<1x128xi32, #tpu.memory_space<hbm>>
        %dma_start3A_127 = tpu.memref_squeeze %dma_start3A_126 : memref<1x128xi32, #tpu.memory_space<hbm>> -> memref<128xi32, #tpu.memory_space<hbm>>
        tpu.enqueue_dma source(%dma_start3A_127 : memref<128xi32, #tpu.memory_space<hbm>>) target(%arg11 : memref<128xi32, #tpu.memory_space<vmem>>) target_semaphore(%run_scoped3A : memref<!tpu.dma_semaphore, #tpu.memory_space<semaphore_mem>>)
        %dma_wait3A_128 = arith.constant 0 : i32
        %dma_wait3A_129 = tpu.memref_slice %arg2[%min3A, %dma_wait3A_128] : memref<1280x128xi32, #tpu.memory_space<hbm>> -> memref<1x128xi32, #tpu.memory_space<hbm>>
        %dma_wait3A_130 = tpu.memref_squeeze %dma_wait3A_129 : memref<1x128xi32, #tpu.memory_space<hbm>> -> memref<128xi32, #tpu.memory_space<hbm>>
        %dma_wait3A_131 = arith.constant 0 : i32
        %dma_wait3A_132 = tpu.memref_slice %arg2[%min3A, %dma_wait3A_131] : memref<1280x128xi32, #tpu.memory_space<hbm>> -> memref<1x128xi32, #tpu.memory_space<hbm>>
        %dma_wait3A_133 = tpu.memref_squeeze %dma_wait3A_132 : memref<1x128xi32, #tpu.memory_space<hbm>> -> memref<128xi32, #tpu.memory_space<hbm>>
        tpu.wait_dma2 semaphore(%run_scoped3A : memref<!tpu.dma_semaphore, #tpu.memory_space<semaphore_mem>>) src(%dma_wait3A_133 : memref<128xi32, #tpu.memory_space<hbm>>) dst(%arg11 : memref<128xi32, #tpu.memory_space<vmem>>)
        tpu.yield
      }) : () -> ()
      %mul3A_112 = arith.constant 128 : i32
      %mul3A_113 = arith.muli %min3A, %mul3A_112 : i32
      %dma_start3A_114 = tpu.memref_slice %arg3[%mul3A_113, %mul3A_31] : memref<163840x512xf32, #tpu.memory_space<hbm>> -> memref<128x128xf32, #tpu.memory_space<hbm>>
      %dma_start3A_115 = tpu.memref_slice %arg3[%mul3A_113, %mul3A_31] : memref<163840x512xf32, #tpu.memory_space<hbm>> -> memref<128x128xf32, #tpu.memory_space<hbm>>
      tpu.enqueue_dma source(%dma_start3A_115 : memref<128x128xf32, #tpu.memory_space<hbm>>) target(%arg9 : memref<128x128xf32, #tpu.memory_space<vmem>>) target_semaphore(%arg13 : memref<!tpu.dma_semaphore, #tpu.memory_space<semaphore_mem>>)
      %dma_wait3A_116 = arith.constant 0 : i32
      %dma_wait3A_117 = arith.constant 0 : i32
      %dma_wait3A_118 = tpu.memref_slice %arg4[%dma_wait3A_116, %dma_wait3A_117] : memref<163840x128xf32, #tpu.memory_space<hbm>> -> memref<128x128xf32, #tpu.memory_space<hbm>>
      %dma_wait3A_119 = arith.constant 0 : i32
      %dma_wait3A_120 = arith.constant 0 : i32
      %dma_wait3A_121 = tpu.memref_slice %arg4[%dma_wait3A_119, %dma_wait3A_120] : memref<163840x128xf32, #tpu.memory_space<hbm>> -> memref<128x128xf32, #tpu.memory_space<hbm>>
      tpu.wait_dma2 semaphore(%arg14 : memref<!tpu.dma_semaphore, #tpu.memory_space<semaphore_mem>>) src(%dma_wait3A_121 : memref<128x128xf32, #tpu.memory_space<hbm>>) dst(%arg10 : memref<128x128xf32, #tpu.memory_space<vmem>>)
      "tpu.region"() ({
        %run_scoped3A = tpu.sem_alloc : memref<!tpu.dma_semaphore, #tpu.memory_space<semaphore_mem>>
        %dma_start3A_122 = arith.constant 0 : i32
        %dma_start3A_123 = arith.constant 0 : i32
        %dma_start3A_124 = tpu.memref_slice %arg8[%dma_start3A_122, %dma_start3A_123] : memref<10240x128xf32, #tpu.memory_space<vmem_shared>> -> memref<10240x128xf32, #tpu.memory_space<vmem_shared>>
        tpu.enqueue_indirect_dma source(%arg10 : memref<128x128xf32, #tpu.memory_space<vmem>>) target(%dma_start3A_124 : memref<10240x128xf32, #tpu.memory_space<vmem_shared>>) offsets(%arg12 : memref<128xi32, #tpu.memory_space<vmem>>) semaphore(%run_scoped3A : memref<!tpu.dma_semaphore, #tpu.memory_space<semaphore_mem>>) {add = true}
        %dma_wait3A_125 = arith.constant 0 : i32
        %dma_wait3A_126 = arith.constant 0 : i32
        %dma_wait3A_127 = tpu.memref_slice %arg8[%dma_wait3A_125, %dma_wait3A_126] : memref<10240x128xf32, #tpu.memory_space<vmem_shared>> -> memref<10240x128xf32, #tpu.memory_space<vmem_shared>>
        tpu.wait_indirect_dma semaphore(%run_scoped3A : memref<!tpu.dma_semaphore, #tpu.memory_space<semaphore_mem>>) src(%arg10 : memref<128x128xf32, #tpu.memory_space<vmem>>) dst(%dma_wait3A_127 : memref<10240x128xf32, #tpu.memory_space<vmem_shared>>)
        tpu.yield
      }) : () -> ()
    }
    %scan3A_45 = arith.constant 40 : i32
    %dma_wait3A_46 = arith.constant 0 : i32
    %dma_wait3A_47 = arith.constant 0 : i32
    %dma_wait3A_48 = tpu.memref_slice %arg4[%dma_wait3A_46, %dma_wait3A_47] : memref<163840x128xf32, #tpu.memory_space<hbm>> -> memref<128x128xf32, #tpu.memory_space<hbm>>
    %dma_wait3A_49 = arith.constant 0 : i32
    %dma_wait3A_50 = arith.constant 0 : i32
    %dma_wait3A_51 = tpu.memref_slice %arg4[%dma_wait3A_49, %dma_wait3A_50] : memref<163840x128xf32, #tpu.memory_space<hbm>> -> memref<128x128xf32, #tpu.memory_space<hbm>>
    tpu.wait_dma2 semaphore(%arg13 : memref<!tpu.dma_semaphore, #tpu.memory_space<semaphore_mem>>) src(%dma_wait3A_51 : memref<128x128xf32, #tpu.memory_space<hbm>>) dst(%arg9 : memref<128x128xf32, #tpu.memory_space<vmem>>)
    %barrier3A_52 = arith.constant 0 : index
    tpu.barrier barrier_id(%barrier3A_52)
    %mul3A_53 = arith.constant 640 : i32
    %mul3A_54 = arith.muli %arg1, %mul3A_53 : i32
    %mul3A_55 = arith.constant 640 : i32
    %mul3A_56 = arith.muli %arg1, %mul3A_55 : i32
    "tpu.region"() ({
      %run_scoped3A = tpu.sem_alloc : memref<!tpu.dma_semaphore, #tpu.memory_space<semaphore_mem>>
      %dma_start3A_91 = tpu.memref_slice %arg6[%mul3A_56, %mul3A_31] : memref<10240x512xf32, #tpu.memory_space<hbm>> -> memref<640x128xf32, #tpu.memory_space<hbm>>
      %dma_start3A_92 = arith.constant 0 : i32
      %dma_start3A_93 = tpu.memref_slice %arg8[%mul3A_54, %dma_start3A_92] : memref<10240x128xf32, #tpu.memory_space<vmem_shared>> -> memref<640x128xf32, #tpu.memory_space<vmem_shared>>
      tpu.enqueue_dma source(%dma_start3A_93 : memref<640x128xf32, #tpu.memory_space<vmem_shared>>) target(%dma_start3A_91 : memref<640x128xf32, #tpu.memory_space<hbm>>) target_semaphore(%run_scoped3A : memref<!tpu.dma_semaphore, #tpu.memory_space<semaphore_mem>>)
      %dma_wait3A_94 = tpu.memref_slice %arg6[%mul3A_56, %mul3A_31] : memref<10240x512xf32, #tpu.memory_space<hbm>> -> memref<640x128xf32, #tpu.memory_space<hbm>>
      %dma_wait3A_95 = arith.constant 0 : i32
      %dma_wait3A_96 = tpu.memref_slice %arg8[%mul3A_54, %dma_wait3A_95] : memref<10240x128xf32, #tpu.memory_space<vmem_shared>> -> memref<640x128xf32, #tpu.memory_space<vmem_shared>>
      tpu.wait_dma2 semaphore(%run_scoped3A : memref<!tpu.dma_semaphore, #tpu.memory_space<semaphore_mem>>) src(%dma_wait3A_96 : memref<640x128xf32, #tpu.memory_space<vmem_shared>>) dst(%dma_wait3A_94 : memref<640x128xf32, #tpu.memory_space<hbm>>)
      tpu.yield
    }) : () -> ()
    %barrier3A_57 = arith.constant 0 : index
    tpu.barrier barrier_id(%barrier3A_57)
    %mul3A_58 = arith.constant 640 : i32
    %mul3A_59 = arith.muli %arg1, %mul3A_58 : i32
    "tpu.region"() ({
      %run_scoped3A = tpu.sem_alloc : memref<!tpu.dma_semaphore, #tpu.memory_space<semaphore_mem>>
      %dma_start3A_91 = arith.constant 0 : i32
      %dma_start3A_92 = tpu.memref_slice %arg8[%mul3A_59, %dma_start3A_91] : memref<10240x128xf32, #tpu.memory_space<vmem_shared>> -> memref<640x128xf32, #tpu.memory_space<vmem_shared>>
      tpu.enqueue_dma source(%arg5 : memref<640x128xf32, #tpu.memory_space<hbm>>) target(%dma_start3A_92 : memref<640x128xf32, #tpu.memory_space<vmem_shared>>) target_semaphore(%run_scoped3A : memref<!tpu.dma_semaphore, #tpu.memory_space<semaphore_mem>>)
      %dma_wait3A_93 = arith.constant 0 : i32
      %dma_wait3A_94 = tpu.memref_slice %arg8[%mul3A_59, %dma_wait3A_93] : memref<10240x128xf32, #tpu.memory_space<vmem_shared>> -> memref<640x128xf32, #tpu.memory_space<vmem_shared>>
      tpu.wait_dma2 semaphore(%run_scoped3A : memref<!tpu.dma_semaphore, #tpu.memory_space<semaphore_mem>>) src(%arg5 : memref<640x128xf32, #tpu.memory_space<hbm>>) dst(%dma_wait3A_94 : memref<640x128xf32, #tpu.memory_space<vmem_shared>>)
      tpu.yield
    }) : () -> ()
    %barrier3A_60 = arith.constant 0 : index
    tpu.barrier barrier_id(%barrier3A_60)
    %mul3A_61 = arith.constant 2 : i32
    %mul3A_62 = arith.muli %arg1, %mul3A_61 : i32
    %add3A_63 = arith.addi %mul3A_62, %arg0 : i32
    %mul3A_64 = arith.constant 40 : i32
    %mul3A_65 = arith.muli %add3A_63, %mul3A_64 : i32
    "tpu.region"() ({
      %run_scoped3A = tpu.sem_alloc : memref<!tpu.dma_semaphore, #tpu.memory_space<semaphore_mem>>
      %dma_start3A_91 = arith.constant 0 : i32
      %dma_start3A_92 = tpu.memref_slice %arg2[%mul3A_65, %dma_start3A_91] : memref<1280x128xi32, #tpu.memory_space<hbm>> -> memref<1x128xi32, #tpu.memory_space<hbm>>
      %dma_start3A_93 = tpu.memref_squeeze %dma_start3A_92 : memref<1x128xi32, #tpu.memory_space<hbm>> -> memref<128xi32, #tpu.memory_space<hbm>>
      %dma_start3A_94 = arith.constant 0 : i32
      %dma_start3A_95 = tpu.memref_slice %arg2[%mul3A_65, %dma_start3A_94] : memref<1280x128xi32, #tpu.memory_space<hbm>> -> memref<1x128xi32, #tpu.memory_space<hbm>>
      %dma_start3A_96 = tpu.memref_squeeze %dma_start3A_95 : memref<1x128xi32, #tpu.memory_space<hbm>> -> memref<128xi32, #tpu.memory_space<hbm>>
      tpu.enqueue_dma source(%dma_start3A_96 : memref<128xi32, #tpu.memory_space<hbm>>) target(%arg11 : memref<128xi32, #tpu.memory_space<vmem>>) target_semaphore(%run_scoped3A : memref<!tpu.dma_semaphore, #tpu.memory_space<semaphore_mem>>)
      %dma_wait3A_97 = arith.constant 0 : i32
      %dma_wait3A_98 = tpu.memref_slice %arg2[%mul3A_65, %dma_wait3A_97] : memref<1280x128xi32, #tpu.memory_space<hbm>> -> memref<1x128xi32, #tpu.memory_space<hbm>>
      %dma_wait3A_99 = tpu.memref_squeeze %dma_wait3A_98 : memref<1x128xi32, #tpu.memory_space<hbm>> -> memref<128xi32, #tpu.memory_space<hbm>>
      %dma_wait3A_100 = arith.constant 0 : i32
      %dma_wait3A_101 = tpu.memref_slice %arg2[%mul3A_65, %dma_wait3A_100] : memref<1280x128xi32, #tpu.memory_space<hbm>> -> memref<1x128xi32, #tpu.memory_space<hbm>>
      %dma_wait3A_102 = tpu.memref_squeeze %dma_wait3A_101 : memref<1x128xi32, #tpu.memory_space<hbm>> -> memref<128xi32, #tpu.memory_space<hbm>>
      tpu.wait_dma2 semaphore(%run_scoped3A : memref<!tpu.dma_semaphore, #tpu.memory_space<semaphore_mem>>) src(%dma_wait3A_102 : memref<128xi32, #tpu.memory_space<hbm>>) dst(%arg11 : memref<128xi32, #tpu.memory_space<vmem>>)
      tpu.yield
    }) : () -> ()
    %mul3A_66 = arith.constant 128 : i32
    %mul3A_67 = arith.muli %mul3A_65, %mul3A_66 : i32
    %dma_start3A_68 = arith.constant 0 : i32
    %dma_start3A_69 = tpu.memref_slice %arg4[%mul3A_67, %dma_start3A_68] : memref<163840x128xf32, #tpu.memory_space<hbm>> -> memref<128x128xf32, #tpu.memory_space<hbm>>
    %dma_start3A_70 = arith.constant 0 : i32
    %dma_start3A_71 = tpu.memref_slice %arg4[%mul3A_67, %dma_start3A_70] : memref<163840x128xf32, #tpu.memory_space<hbm>> -> memref<128x128xf32, #tpu.memory_space<hbm>>
    tpu.enqueue_dma source(%dma_start3A_71 : memref<128x128xf32, #tpu.memory_space<hbm>>) target(%arg9 : memref<128x128xf32, #tpu.memory_space<vmem>>) target_semaphore(%arg13 : memref<!tpu.dma_semaphore, #tpu.memory_space<semaphore_mem>>)
    %scan3A_72 = arith.constant 0 : i32
    %scan3A_73 = arith.constant 20 : i32
    %scan3A_74 = arith.addi %scan3A_72, %scan3A_73 : i32
    %scan3A_75 = arith.constant 1 : i32
    scf.for %scan3A_91 = %scan3A_72 to %scan3A_74 step %scan3A_75  : i32 {
      %mul3A_92 = arith.constant 2 : i32
      %mul3A_93 = arith.muli %mul3A_92, %scan3A_91 : i32
      %add3A_94 = arith.addi %mul3A_65, %mul3A_93 : i32
      %add3A_95 = arith.constant 1 : i32
      %add3A_96 = arith.addi %add3A_94, %add3A_95 : i32
      %add3A_97 = arith.constant 2 : i32
      %add3A_98 = arith.addi %add3A_94, %add3A_97 : i32
      %add3A_99 = arith.constant 40 : i32
      %add3A_100 = arith.addi %mul3A_65, %add3A_99 : i32
      %sub3A = arith.constant 1 : i32
      %sub3A_101 = arith.subi %add3A_100, %sub3A : i32
      %min3A = arith.minsi %add3A_98, %sub3A_101 : i32
      "tpu.region"() ({
        %run_scoped3A = tpu.sem_alloc : memref<!tpu.dma_semaphore, #tpu.memory_space<semaphore_mem>>
        %dma_start3A_126 = arith.constant 0 : i32
        %dma_start3A_127 = tpu.memref_slice %arg2[%add3A_96, %dma_start3A_126] : memref<1280x128xi32, #tpu.memory_space<hbm>> -> memref<1x128xi32, #tpu.memory_space<hbm>>
        %dma_start3A_128 = tpu.memref_squeeze %dma_start3A_127 : memref<1x128xi32, #tpu.memory_space<hbm>> -> memref<128xi32, #tpu.memory_space<hbm>>
        %dma_start3A_129 = arith.constant 0 : i32
        %dma_start3A_130 = tpu.memref_slice %arg2[%add3A_96, %dma_start3A_129] : memref<1280x128xi32, #tpu.memory_space<hbm>> -> memref<1x128xi32, #tpu.memory_space<hbm>>
        %dma_start3A_131 = tpu.memref_squeeze %dma_start3A_130 : memref<1x128xi32, #tpu.memory_space<hbm>> -> memref<128xi32, #tpu.memory_space<hbm>>
        tpu.enqueue_dma source(%dma_start3A_131 : memref<128xi32, #tpu.memory_space<hbm>>) target(%arg12 : memref<128xi32, #tpu.memory_space<vmem>>) target_semaphore(%run_scoped3A : memref<!tpu.dma_semaphore, #tpu.memory_space<semaphore_mem>>)
        %dma_wait3A_132 = arith.constant 0 : i32
        %dma_wait3A_133 = tpu.memref_slice %arg2[%add3A_96, %dma_wait3A_132] : memref<1280x128xi32, #tpu.memory_space<hbm>> -> memref<1x128xi32, #tpu.memory_space<hbm>>
        %dma_wait3A_134 = tpu.memref_squeeze %dma_wait3A_133 : memref<1x128xi32, #tpu.memory_space<hbm>> -> memref<128xi32, #tpu.memory_space<hbm>>
        %dma_wait3A_135 = arith.constant 0 : i32
        %dma_wait3A_136 = tpu.memref_slice %arg2[%add3A_96, %dma_wait3A_135] : memref<1280x128xi32, #tpu.memory_space<hbm>> -> memref<1x128xi32, #tpu.memory_space<hbm>>
        %dma_wait3A_137 = tpu.memref_squeeze %dma_wait3A_136 : memref<1x128xi32, #tpu.memory_space<hbm>> -> memref<128xi32, #tpu.memory_space<hbm>>
        tpu.wait_dma2 semaphore(%run_scoped3A : memref<!tpu.dma_semaphore, #tpu.memory_space<semaphore_mem>>) src(%dma_wait3A_137 : memref<128xi32, #tpu.memory_space<hbm>>) dst(%arg12 : memref<128xi32, #tpu.memory_space<vmem>>)
        tpu.yield
      }) : () -> ()
      %mul3A_102 = arith.constant 128 : i32
      %mul3A_103 = arith.muli %add3A_96, %mul3A_102 : i32
      %dma_start3A_104 = arith.constant 0 : i32
      %dma_start3A_105 = tpu.memref_slice %arg4[%mul3A_103, %dma_start3A_104] : memref<163840x128xf32, #tpu.memory_space<hbm>> -> memref<128x128xf32, #tpu.memory_space<hbm>>
      %dma_start3A_106 = arith.constant 0 : i32
      %dma_start3A_107 = tpu.memref_slice %arg4[%mul3A_103, %dma_start3A_106] : memref<163840x128xf32, #tpu.memory_space<hbm>> -> memref<128x128xf32, #tpu.memory_space<hbm>>
      tpu.enqueue_dma source(%dma_start3A_107 : memref<128x128xf32, #tpu.memory_space<hbm>>) target(%arg10 : memref<128x128xf32, #tpu.memory_space<vmem>>) target_semaphore(%arg14 : memref<!tpu.dma_semaphore, #tpu.memory_space<semaphore_mem>>)
      %dma_wait3A_108 = arith.constant 0 : i32
      %dma_wait3A_109 = arith.constant 0 : i32
      %dma_wait3A_110 = tpu.memref_slice %arg4[%dma_wait3A_108, %dma_wait3A_109] : memref<163840x128xf32, #tpu.memory_space<hbm>> -> memref<128x128xf32, #tpu.memory_space<hbm>>
      %dma_wait3A_111 = arith.constant 0 : i32
      %dma_wait3A_112 = arith.constant 0 : i32
      %dma_wait3A_113 = tpu.memref_slice %arg4[%dma_wait3A_111, %dma_wait3A_112] : memref<163840x128xf32, #tpu.memory_space<hbm>> -> memref<128x128xf32, #tpu.memory_space<hbm>>
      tpu.wait_dma2 semaphore(%arg13 : memref<!tpu.dma_semaphore, #tpu.memory_space<semaphore_mem>>) src(%dma_wait3A_113 : memref<128x128xf32, #tpu.memory_space<hbm>>) dst(%arg9 : memref<128x128xf32, #tpu.memory_space<vmem>>)
      "tpu.region"() ({
        %run_scoped3A = tpu.sem_alloc : memref<!tpu.dma_semaphore, #tpu.memory_space<semaphore_mem>>
        %dma_start3A_126 = arith.constant 0 : i32
        %dma_start3A_127 = arith.constant 0 : i32
        %dma_start3A_128 = tpu.memref_slice %arg8[%dma_start3A_126, %dma_start3A_127] : memref<10240x128xf32, #tpu.memory_space<vmem_shared>> -> memref<10240x128xf32, #tpu.memory_space<vmem_shared>>
        tpu.enqueue_indirect_dma source(%arg9 : memref<128x128xf32, #tpu.memory_space<vmem>>) target(%dma_start3A_128 : memref<10240x128xf32, #tpu.memory_space<vmem_shared>>) offsets(%arg11 : memref<128xi32, #tpu.memory_space<vmem>>) semaphore(%run_scoped3A : memref<!tpu.dma_semaphore, #tpu.memory_space<semaphore_mem>>) {add = true}
        %dma_wait3A_129 = arith.constant 0 : i32
        %dma_wait3A_130 = arith.constant 0 : i32
        %dma_wait3A_131 = tpu.memref_slice %arg8[%dma_wait3A_129, %dma_wait3A_130] : memref<10240x128xf32, #tpu.memory_space<vmem_shared>> -> memref<10240x128xf32, #tpu.memory_space<vmem_shared>>
        tpu.wait_indirect_dma semaphore(%run_scoped3A : memref<!tpu.dma_semaphore, #tpu.memory_space<semaphore_mem>>) src(%arg9 : memref<128x128xf32, #tpu.memory_space<vmem>>) dst(%dma_wait3A_131 : memref<10240x128xf32, #tpu.memory_space<vmem_shared>>)
        tpu.yield
      }) : () -> ()
      "tpu.region"() ({
        %run_scoped3A = tpu.sem_alloc : memref<!tpu.dma_semaphore, #tpu.memory_space<semaphore_mem>>
        %dma_start3A_126 = arith.constant 0 : i32
        %dma_start3A_127 = tpu.memref_slice %arg2[%min3A, %dma_start3A_126] : memref<1280x128xi32, #tpu.memory_space<hbm>> -> memref<1x128xi32, #tpu.memory_space<hbm>>
        %dma_start3A_128 = tpu.memref_squeeze %dma_start3A_127 : memref<1x128xi32, #tpu.memory_space<hbm>> -> memref<128xi32, #tpu.memory_space<hbm>>
        %dma_start3A_129 = arith.constant 0 : i32
        %dma_start3A_130 = tpu.memref_slice %arg2[%min3A, %dma_start3A_129] : memref<1280x128xi32, #tpu.memory_space<hbm>> -> memref<1x128xi32, #tpu.memory_space<hbm>>
        %dma_start3A_131 = tpu.memref_squeeze %dma_start3A_130 : memref<1x128xi32, #tpu.memory_space<hbm>> -> memref<128xi32, #tpu.memory_space<hbm>>
        tpu.enqueue_dma source(%dma_start3A_131 : memref<128xi32, #tpu.memory_space<hbm>>) target(%arg11 : memref<128xi32, #tpu.memory_space<vmem>>) target_semaphore(%run_scoped3A : memref<!tpu.dma_semaphore, #tpu.memory_space<semaphore_mem>>)
        %dma_wait3A_132 = arith.constant 0 : i32
        %dma_wait3A_133 = tpu.memref_slice %arg2[%min3A, %dma_wait3A_132] : memref<1280x128xi32, #tpu.memory_space<hbm>> -> memref<1x128xi32, #tpu.memory_space<hbm>>
        %dma_wait3A_134 = tpu.memref_squeeze %dma_wait3A_133 : memref<1x128xi32, #tpu.memory_space<hbm>> -> memref<128xi32, #tpu.memory_space<hbm>>
        %dma_wait3A_135 = arith.constant 0 : i32
        %dma_wait3A_136 = tpu.memref_slice %arg2[%min3A, %dma_wait3A_135] : memref<1280x128xi32, #tpu.memory_space<hbm>> -> memref<1x128xi32, #tpu.memory_space<hbm>>
        %dma_wait3A_137 = tpu.memref_squeeze %dma_wait3A_136 : memref<1x128xi32, #tpu.memory_space<hbm>> -> memref<128xi32, #tpu.memory_space<hbm>>
        tpu.wait_dma2 semaphore(%run_scoped3A : memref<!tpu.dma_semaphore, #tpu.memory_space<semaphore_mem>>) src(%dma_wait3A_137 : memref<128xi32, #tpu.memory_space<hbm>>) dst(%arg11 : memref<128xi32, #tpu.memory_space<vmem>>)
        tpu.yield
      }) : () -> ()
      %mul3A_114 = arith.constant 128 : i32
      %mul3A_115 = arith.muli %min3A, %mul3A_114 : i32
      %dma_start3A_116 = arith.constant 0 : i32
      %dma_start3A_117 = tpu.memref_slice %arg4[%mul3A_115, %dma_start3A_116] : memref<163840x128xf32, #tpu.memory_space<hbm>> -> memref<128x128xf32, #tpu.memory_space<hbm>>
      %dma_start3A_118 = arith.constant 0 : i32
      %dma_start3A_119 = tpu.memref_slice %arg4[%mul3A_115, %dma_start3A_118] : memref<163840x128xf32, #tpu.memory_space<hbm>> -> memref<128x128xf32, #tpu.memory_space<hbm>>
      tpu.enqueue_dma source(%dma_start3A_119 : memref<128x128xf32, #tpu.memory_space<hbm>>) target(%arg9 : memref<128x128xf32, #tpu.memory_space<vmem>>) target_semaphore(%arg13 : memref<!tpu.dma_semaphore, #tpu.memory_space<semaphore_mem>>)
      %dma_wait3A_120 = arith.constant 0 : i32
      %dma_wait3A_121 = arith.constant 0 : i32
      %dma_wait3A_122 = tpu.memref_slice %arg4[%dma_wait3A_120, %dma_wait3A_121] : memref<163840x128xf32, #tpu.memory_space<hbm>> -> memref<128x128xf32, #tpu.memory_space<hbm>>
      %dma_wait3A_123 = arith.constant 0 : i32
      %dma_wait3A_124 = arith.constant 0 : i32
      %dma_wait3A_125 = tpu.memref_slice %arg4[%dma_wait3A_123, %dma_wait3A_124] : memref<163840x128xf32, #tpu.memory_space<hbm>> -> memref<128x128xf32, #tpu.memory_space<hbm>>
      tpu.wait_dma2 semaphore(%arg14 : memref<!tpu.dma_semaphore, #tpu.memory_space<semaphore_mem>>) src(%dma_wait3A_125 : memref<128x128xf32, #tpu.memory_space<hbm>>) dst(%arg10 : memref<128x128xf32, #tpu.memory_space<vmem>>)
      "tpu.region"() ({
        %run_scoped3A = tpu.sem_alloc : memref<!tpu.dma_semaphore, #tpu.memory_space<semaphore_mem>>
        %dma_start3A_126 = arith.constant 0 : i32
        %dma_start3A_127 = arith.constant 0 : i32
        %dma_start3A_128 = tpu.memref_slice %arg8[%dma_start3A_126, %dma_start3A_127] : memref<10240x128xf32, #tpu.memory_space<vmem_shared>> -> memref<10240x128xf32, #tpu.memory_space<vmem_shared>>
        tpu.enqueue_indirect_dma source(%arg10 : memref<128x128xf32, #tpu.memory_space<vmem>>) target(%dma_start3A_128 : memref<10240x128xf32, #tpu.memory_space<vmem_shared>>) offsets(%arg12 : memref<128xi32, #tpu.memory_space<vmem>>) semaphore(%run_scoped3A : memref<!tpu.dma_semaphore, #tpu.memory_space<semaphore_mem>>) {add = true}
        %dma_wait3A_129 = arith.constant 0 : i32
        %dma_wait3A_130 = arith.constant 0 : i32
        %dma_wait3A_131 = tpu.memref_slice %arg8[%dma_wait3A_129, %dma_wait3A_130] : memref<10240x128xf32, #tpu.memory_space<vmem_shared>> -> memref<10240x128xf32, #tpu.memory_space<vmem_shared>>
        tpu.wait_indirect_dma semaphore(%run_scoped3A : memref<!tpu.dma_semaphore, #tpu.memory_space<semaphore_mem>>) src(%arg10 : memref<128x128xf32, #tpu.memory_space<vmem>>) dst(%dma_wait3A_131 : memref<10240x128xf32, #tpu.memory_space<vmem_shared>>)
        tpu.yield
      }) : () -> ()
    }
    %scan3A_76 = arith.constant 20 : i32
    %dma_wait3A_77 = arith.constant 0 : i32
    %dma_wait3A_78 = arith.constant 0 : i32
    %dma_wait3A_79 = tpu.memref_slice %arg4[%dma_wait3A_77, %dma_wait3A_78] : memref<163840x128xf32, #tpu.memory_space<hbm>> -> memref<128x128xf32, #tpu.memory_space<hbm>>
    %dma_wait3A_80 = arith.constant 0 : i32
    %dma_wait3A_81 = arith.constant 0 : i32
    %dma_wait3A_82 = tpu.memref_slice %arg4[%dma_wait3A_80, %dma_wait3A_81] : memref<163840x128xf32, #tpu.memory_space<hbm>> -> memref<128x128xf32, #tpu.memory_space<hbm>>
    tpu.wait_dma2 semaphore(%arg13 : memref<!tpu.dma_semaphore, #tpu.memory_space<semaphore_mem>>) src(%dma_wait3A_82 : memref<128x128xf32, #tpu.memory_space<hbm>>) dst(%arg9 : memref<128x128xf32, #tpu.memory_space<vmem>>)
    %barrier3A_83 = arith.constant 0 : index
    tpu.barrier barrier_id(%barrier3A_83)
    %mul3A_84 = arith.constant 640 : i32
    %mul3A_85 = arith.muli %arg1, %mul3A_84 : i32
    %mul3A_86 = arith.constant 10240 : i32
    %mul3A_87 = arith.muli %arg0, %mul3A_86 : i32
    %mul3A_88 = arith.constant 640 : i32
    %mul3A_89 = arith.muli %arg1, %mul3A_88 : i32
    %add3A_90 = arith.addi %mul3A_87, %mul3A_89 : i32
    "tpu.region"() ({
      %run_scoped3A = tpu.sem_alloc : memref<!tpu.dma_semaphore, #tpu.memory_space<semaphore_mem>>
      %dma_start3A_91 = arith.constant 0 : i32
      %dma_start3A_92 = tpu.memref_slice %arg7[%add3A_90, %dma_start3A_91] : memref<20480x128xf32, #tpu.memory_space<hbm>> -> memref<640x128xf32, #tpu.memory_space<hbm>>
      %dma_start3A_93 = arith.constant 0 : i32
      %dma_start3A_94 = tpu.memref_slice %arg8[%mul3A_85, %dma_start3A_93] : memref<10240x128xf32, #tpu.memory_space<vmem_shared>> -> memref<640x128xf32, #tpu.memory_space<vmem_shared>>
      tpu.enqueue_dma source(%dma_start3A_94 : memref<640x128xf32, #tpu.memory_space<vmem_shared>>) target(%dma_start3A_92 : memref<640x128xf32, #tpu.memory_space<hbm>>) target_semaphore(%run_scoped3A : memref<!tpu.dma_semaphore, #tpu.memory_space<semaphore_mem>>)
      %dma_wait3A_95 = arith.constant 0 : i32
      %dma_wait3A_96 = tpu.memref_slice %arg7[%add3A_90, %dma_wait3A_95] : memref<20480x128xf32, #tpu.memory_space<hbm>> -> memref<640x128xf32, #tpu.memory_space<hbm>>
      %dma_wait3A_97 = arith.constant 0 : i32
      %dma_wait3A_98 = tpu.memref_slice %arg8[%mul3A_85, %dma_wait3A_97] : memref<10240x128xf32, #tpu.memory_space<vmem_shared>> -> memref<640x128xf32, #tpu.memory_space<vmem_shared>>
      tpu.wait_dma2 semaphore(%run_scoped3A : memref<!tpu.dma_semaphore, #tpu.memory_space<semaphore_mem>>) src(%dma_wait3A_98 : memref<640x128xf32, #tpu.memory_space<vmem_shared>>) dst(%dma_wait3A_96 : memref<640x128xf32, #tpu.memory_space<hbm>>)
      tpu.yield
    }) : () -> ()
    return
  }
}

#map = affine_map<(d0, d1) -> (0)>
#map1 = affine_map<(d0, d1) -> (0, 0)>
module attributes {stable_mosaic.version = 14 : i64} {
  func.func @_gather_k(%arg0: i32, %arg1: i32, %arg2: memref<163840xi32, #tpu.memory_space<hbm>>, %arg3: memref<163840xi32, #tpu.memory_space<hbm>>, %arg4: memref<10000x384xf32, #tpu.memory_space<hbm>>, %arg5: memref<163840x384xf32, #tpu.memory_space<hbm>>, %arg6: memref<163840x384xf32, #tpu.memory_space<hbm>>, %arg7: memref<5120xi32, #tpu.memory_space<vmem>>, %arg8: memref<2x128x384xf32, #tpu.memory_space<vmem>>, %arg9: memref<!tpu.dma_semaphore, #tpu.memory_space<semaphore_mem>>, %arg10: memref<!tpu.dma_semaphore, #tpu.memory_space<semaphore_mem>>) attributes {dimension_semantics = [#tpu.dimension_semantics<core_parallel>, #tpu.dimension_semantics<subcore_parallel>], iteration_bounds = array<i64: 2, 16>, scalar_prefetch = 0 : i64, scratch_operands = 4 : i64, tpu.core_type = #tpu.core_type<sc_vector_subcore>, window_params = [{transform_indices = #map}, {transform_indices = #map}, {transform_indices = #map1}, {transform_indices = #map1}, {transform_indices = #map1}]} {
    %mul3A = arith.constant 2 : i32
    %mul3A_0 = arith.muli %arg1, %mul3A : i32
    %add3A = arith.addi %mul3A_0, %arg0 : i32
    %mul3A_1 = arith.constant 5120 : i32
    %mul3A_2 = arith.muli %add3A, %mul3A_1 : i32
    "tpu.region"() ({
      %run_scoped3A = tpu.sem_alloc : memref<!tpu.dma_semaphore, #tpu.memory_space<semaphore_mem>>
      %dma_start3A_110 = tpu.memref_slice %arg2[%mul3A_2] : memref<163840xi32, #tpu.memory_space<hbm>> -> memref<5120xi32, #tpu.memory_space<hbm>>
      %dma_start3A_111 = tpu.memref_slice %arg2[%mul3A_2] : memref<163840xi32, #tpu.memory_space<hbm>> -> memref<5120xi32, #tpu.memory_space<hbm>>
      tpu.enqueue_dma source(%dma_start3A_111 : memref<5120xi32, #tpu.memory_space<hbm>>) target(%arg7 : memref<5120xi32, #tpu.memory_space<vmem>>) target_semaphore(%run_scoped3A : memref<!tpu.dma_semaphore, #tpu.memory_space<semaphore_mem>>)
      %dma_wait3A_112 = tpu.memref_slice %arg2[%mul3A_2] : memref<163840xi32, #tpu.memory_space<hbm>> -> memref<5120xi32, #tpu.memory_space<hbm>>
      %dma_wait3A_113 = tpu.memref_slice %arg2[%mul3A_2] : memref<163840xi32, #tpu.memory_space<hbm>> -> memref<5120xi32, #tpu.memory_space<hbm>>
      tpu.wait_dma2 semaphore(%run_scoped3A : memref<!tpu.dma_semaphore, #tpu.memory_space<semaphore_mem>>) src(%dma_wait3A_113 : memref<5120xi32, #tpu.memory_space<hbm>>) dst(%arg7 : memref<5120xi32, #tpu.memory_space<vmem>>)
      tpu.yield
    }) : () -> ()
    %dma_start3A = arith.constant 0 : i32
    %dma_start3A_3 = arith.constant 0 : i32
    %dma_start3A_4 = arith.constant 0 : i32
    %dma_start3A_5 = tpu.memref_slice %arg8[%dma_start3A, %dma_start3A_3, %dma_start3A_4] : memref<2x128x384xf32, #tpu.memory_space<vmem>> -> memref<1x128x384xf32, #tpu.memory_space<vmem>>
    %dma_start3A_6 = tpu.memref_squeeze %dma_start3A_5 : memref<1x128x384xf32, #tpu.memory_space<vmem>> -> memref<128x384xf32, #tpu.memory_space<vmem>>
    %dma_start3A_7 = arith.constant 0 : i32
    %dma_start3A_8 = tpu.memref_slice %arg7[%dma_start3A_7] : memref<5120xi32, #tpu.memory_space<vmem>> -> memref<128xi32, #tpu.memory_space<vmem>>
    %dma_start3A_9 = arith.constant 0 : i32
    %dma_start3A_10 = arith.constant 0 : i32
    %dma_start3A_11 = tpu.memref_slice %arg4[%dma_start3A_9, %dma_start3A_10] : memref<10000x384xf32, #tpu.memory_space<hbm>> -> memref<10000x384xf32, #tpu.memory_space<hbm>>
    tpu.enqueue_indirect_dma source(%dma_start3A_11 : memref<10000x384xf32, #tpu.memory_space<hbm>>) target(%dma_start3A_6 : memref<128x384xf32, #tpu.memory_space<vmem>>) offsets(%dma_start3A_8 : memref<128xi32, #tpu.memory_space<vmem>>) semaphore(%arg9 : memref<!tpu.dma_semaphore, #tpu.memory_space<semaphore_mem>>)
    %dma_start3A_12 = arith.constant 1 : i32
    %dma_start3A_13 = arith.constant 0 : i32
    %dma_start3A_14 = arith.constant 0 : i32
    %dma_start3A_15 = tpu.memref_slice %arg8[%dma_start3A_12, %dma_start3A_13, %dma_start3A_14] : memref<2x128x384xf32, #tpu.memory_space<vmem>> -> memref<1x128x384xf32, #tpu.memory_space<vmem>>
    %dma_start3A_16 = tpu.memref_squeeze %dma_start3A_15 : memref<1x128x384xf32, #tpu.memory_space<vmem>> -> memref<128x384xf32, #tpu.memory_space<vmem>>
    %dma_start3A_17 = arith.constant 128 : i32
    %dma_start3A_18 = tpu.memref_slice %arg7[%dma_start3A_17] : memref<5120xi32, #tpu.memory_space<vmem>> -> memref<128xi32, #tpu.memory_space<vmem>>
    %dma_start3A_19 = arith.constant 0 : i32
    %dma_start3A_20 = arith.constant 0 : i32
    %dma_start3A_21 = tpu.memref_slice %arg4[%dma_start3A_19, %dma_start3A_20] : memref<10000x384xf32, #tpu.memory_space<hbm>> -> memref<10000x384xf32, #tpu.memory_space<hbm>>
    tpu.enqueue_indirect_dma source(%dma_start3A_21 : memref<10000x384xf32, #tpu.memory_space<hbm>>) target(%dma_start3A_16 : memref<128x384xf32, #tpu.memory_space<vmem>>) offsets(%dma_start3A_18 : memref<128xi32, #tpu.memory_space<vmem>>) semaphore(%arg10 : memref<!tpu.dma_semaphore, #tpu.memory_space<semaphore_mem>>)
    %scan3A = arith.constant 0 : i32
    %scan3A_22 = arith.constant 20 : i32
    %scan3A_23 = arith.addi %scan3A, %scan3A_22 : i32
    %scan3A_24 = arith.constant 1 : i32
    scf.for %scan3A_110 = %scan3A to %scan3A_23 step %scan3A_24  : i32 {
      %mul3A_111 = arith.constant 2 : i32
      %mul3A_112 = arith.muli %mul3A_111, %scan3A_110 : i32
      %add3A_113 = arith.constant 0 : i32
      %add3A_114 = arith.addi %mul3A_112, %add3A_113 : i32
      %dma_wait3A_115 = arith.constant 0 : i32
      %dma_wait3A_116 = arith.constant 0 : i32
      %dma_wait3A_117 = arith.constant 0 : i32
      %dma_wait3A_118 = tpu.memref_slice %arg8[%dma_wait3A_115, %dma_wait3A_116, %dma_wait3A_117] : memref<2x128x384xf32, #tpu.memory_space<vmem>> -> memref<1x128x384xf32, #tpu.memory_space<vmem>>
      %dma_wait3A_119 = tpu.memref_squeeze %dma_wait3A_118 : memref<1x128x384xf32, #tpu.memory_space<vmem>> -> memref<128x384xf32, #tpu.memory_space<vmem>>
      %dma_wait3A_120 = arith.constant 0 : i32
      %dma_wait3A_121 = arith.constant 0 : i32
      %dma_wait3A_122 = tpu.memref_slice %arg4[%dma_wait3A_120, %dma_wait3A_121] : memref<10000x384xf32, #tpu.memory_space<hbm>> -> memref<128x384xf32, #tpu.memory_space<hbm>>
      %dma_wait3A_123 = arith.constant 0 : i32
      %dma_wait3A_124 = arith.constant 0 : i32
      %dma_wait3A_125 = tpu.memref_slice %arg8[%dma_wait3A_115, %dma_wait3A_123, %dma_wait3A_124] : memref<2x128x384xf32, #tpu.memory_space<vmem>> -> memref<1x128x384xf32, #tpu.memory_space<vmem>>
      %dma_wait3A_126 = tpu.memref_squeeze %dma_wait3A_125 : memref<1x128x384xf32, #tpu.memory_space<vmem>> -> memref<128x384xf32, #tpu.memory_space<vmem>>
      %dma_wait3A_127 = arith.constant 0 : i32
      %dma_wait3A_128 = arith.constant 0 : i32
      %dma_wait3A_129 = tpu.memref_slice %arg4[%dma_wait3A_127, %dma_wait3A_128] : memref<10000x384xf32, #tpu.memory_space<hbm>> -> memref<128x384xf32, #tpu.memory_space<hbm>>
      tpu.wait_dma2 semaphore(%arg9 : memref<!tpu.dma_semaphore, #tpu.memory_space<semaphore_mem>>) src(%dma_wait3A_129 : memref<128x384xf32, #tpu.memory_space<hbm>>) dst(%dma_wait3A_126 : memref<128x384xf32, #tpu.memory_space<vmem>>)
      %mul3A_130 = arith.constant 128 : i32
      %mul3A_131 = arith.muli %add3A_114, %mul3A_130 : i32
      %add3A_132 = arith.addi %mul3A_2, %mul3A_131 : i32
      %run_scoped3A = arith.constant 0 : i32
      "tpu.region"() ({
        %run_scoped3A_185 = tpu.sem_alloc : memref<!tpu.dma_semaphore, #tpu.memory_space<semaphore_mem>>
        %dma_start3A_186 = arith.constant 0 : i32
        %dma_start3A_187 = arith.constant 0 : i32
        %dma_start3A_188 = tpu.memref_slice %arg8[%run_scoped3A, %dma_start3A_186, %dma_start3A_187] : memref<2x128x384xf32, #tpu.memory_space<vmem>> -> memref<1x128x384xf32, #tpu.memory_space<vmem>>
        %dma_start3A_189 = tpu.memref_squeeze %dma_start3A_188 : memref<1x128x384xf32, #tpu.memory_space<vmem>> -> memref<128x384xf32, #tpu.memory_space<vmem>>
        %dma_start3A_190 = arith.constant 0 : i32
        %dma_start3A_191 = tpu.memref_slice %arg5[%add3A_132, %dma_start3A_190] : memref<163840x384xf32, #tpu.memory_space<hbm>> -> memref<128x384xf32, #tpu.memory_space<hbm>>
        %dma_start3A_192 = arith.constant 0 : i32
        %dma_start3A_193 = tpu.memref_slice %arg5[%add3A_132, %dma_start3A_192] : memref<163840x384xf32, #tpu.memory_space<hbm>> -> memref<128x384xf32, #tpu.memory_space<hbm>>
        %dma_start3A_194 = arith.constant 0 : i32
        %dma_start3A_195 = arith.constant 0 : i32
        %dma_start3A_196 = tpu.memref_slice %arg8[%run_scoped3A, %dma_start3A_194, %dma_start3A_195] : memref<2x128x384xf32, #tpu.memory_space<vmem>> -> memref<1x128x384xf32, #tpu.memory_space<vmem>>
        %dma_start3A_197 = tpu.memref_squeeze %dma_start3A_196 : memref<1x128x384xf32, #tpu.memory_space<vmem>> -> memref<128x384xf32, #tpu.memory_space<vmem>>
        tpu.enqueue_dma source(%dma_start3A_197 : memref<128x384xf32, #tpu.memory_space<vmem>>) target(%dma_start3A_193 : memref<128x384xf32, #tpu.memory_space<hbm>>) target_semaphore(%run_scoped3A_185 : memref<!tpu.dma_semaphore, #tpu.memory_space<semaphore_mem>>)
        %dma_wait3A_198 = arith.constant 0 : i32
        %dma_wait3A_199 = arith.constant 0 : i32
        %dma_wait3A_200 = tpu.memref_slice %arg8[%run_scoped3A, %dma_wait3A_198, %dma_wait3A_199] : memref<2x128x384xf32, #tpu.memory_space<vmem>> -> memref<1x128x384xf32, #tpu.memory_space<vmem>>
        %dma_wait3A_201 = tpu.memref_squeeze %dma_wait3A_200 : memref<1x128x384xf32, #tpu.memory_space<vmem>> -> memref<128x384xf32, #tpu.memory_space<vmem>>
        %dma_wait3A_202 = arith.constant 0 : i32
        %dma_wait3A_203 = tpu.memref_slice %arg5[%add3A_132, %dma_wait3A_202] : memref<163840x384xf32, #tpu.memory_space<hbm>> -> memref<128x384xf32, #tpu.memory_space<hbm>>
        %dma_wait3A_204 = arith.constant 0 : i32
        %dma_wait3A_205 = tpu.memref_slice %arg5[%add3A_132, %dma_wait3A_204] : memref<163840x384xf32, #tpu.memory_space<hbm>> -> memref<128x384xf32, #tpu.memory_space<hbm>>
        %dma_wait3A_206 = arith.constant 0 : i32
        %dma_wait3A_207 = arith.constant 0 : i32
        %dma_wait3A_208 = tpu.memref_slice %arg8[%run_scoped3A, %dma_wait3A_206, %dma_wait3A_207] : memref<2x128x384xf32, #tpu.memory_space<vmem>> -> memref<1x128x384xf32, #tpu.memory_space<vmem>>
        %dma_wait3A_209 = tpu.memref_squeeze %dma_wait3A_208 : memref<1x128x384xf32, #tpu.memory_space<vmem>> -> memref<128x384xf32, #tpu.memory_space<vmem>>
        tpu.wait_dma2 semaphore(%run_scoped3A_185 : memref<!tpu.dma_semaphore, #tpu.memory_space<semaphore_mem>>) src(%dma_wait3A_209 : memref<128x384xf32, #tpu.memory_space<vmem>>) dst(%dma_wait3A_205 : memref<128x384xf32, #tpu.memory_space<hbm>>)
        tpu.yield
      }) : () -> ()
      %add3A_133 = arith.constant 2 : i32
      %add3A_134 = arith.addi %add3A_114, %add3A_133 : i32
      %min3A = arith.constant 39 : i32
      %min3A_135 = arith.minsi %add3A_134, %min3A : i32
      %mul3A_136 = arith.constant 128 : i32
      %mul3A_137 = arith.muli %min3A_135, %mul3A_136 : i32
      %dma_start3A_138 = arith.constant 0 : i32
      %dma_start3A_139 = arith.constant 0 : i32
      %dma_start3A_140 = arith.constant 0 : i32
      %dma_start3A_141 = tpu.memref_slice %arg8[%dma_start3A_138, %dma_start3A_139, %dma_start3A_140] : memref<2x128x384xf32, #tpu.memory_space<vmem>> -> memref<1x128x384xf32, #tpu.memory_space<vmem>>
      %dma_start3A_142 = tpu.memref_squeeze %dma_start3A_141 : memref<1x128x384xf32, #tpu.memory_space<vmem>> -> memref<128x384xf32, #tpu.memory_space<vmem>>
      %dma_start3A_143 = tpu.memref_slice %arg7[%mul3A_137] : memref<5120xi32, #tpu.memory_space<vmem>> -> memref<128xi32, #tpu.memory_space<vmem>>
      %dma_start3A_144 = arith.constant 0 : i32
      %dma_start3A_145 = arith.constant 0 : i32
      %dma_start3A_146 = tpu.memref_slice %arg4[%dma_start3A_144, %dma_start3A_145] : memref<10000x384xf32, #tpu.memory_space<hbm>> -> memref<10000x384xf32, #tpu.memory_space<hbm>>
      tpu.enqueue_indirect_dma source(%dma_start3A_146 : memref<10000x384xf32, #tpu.memory_space<hbm>>) target(%dma_start3A_142 : memref<128x384xf32, #tpu.memory_space<vmem>>) offsets(%dma_start3A_143 : memref<128xi32, #tpu.memory_space<vmem>>) semaphore(%arg9 : memref<!tpu.dma_semaphore, #tpu.memory_space<semaphore_mem>>)
      %mul3A_147 = arith.constant 2 : i32
      %mul3A_148 = arith.muli %mul3A_147, %scan3A_110 : i32
      %add3A_149 = arith.constant 1 : i32
      %add3A_150 = arith.addi %mul3A_148, %add3A_149 : i32
      %dma_wait3A_151 = arith.constant 1 : i32
      %dma_wait3A_152 = arith.constant 0 : i32
      %dma_wait3A_153 = arith.constant 0 : i32
      %dma_wait3A_154 = tpu.memref_slice %arg8[%dma_wait3A_151, %dma_wait3A_152, %dma_wait3A_153] : memref<2x128x384xf32, #tpu.memory_space<vmem>> -> memref<1x128x384xf32, #tpu.memory_space<vmem>>
      %dma_wait3A_155 = tpu.memref_squeeze %dma_wait3A_154 : memref<1x128x384xf32, #tpu.memory_space<vmem>> -> memref<128x384xf32, #tpu.memory_space<vmem>>
      %dma_wait3A_156 = arith.constant 0 : i32
      %dma_wait3A_157 = arith.constant 0 : i32
      %dma_wait3A_158 = tpu.memref_slice %arg4[%dma_wait3A_156, %dma_wait3A_157] : memref<10000x384xf32, #tpu.memory_space<hbm>> -> memref<128x384xf32, #tpu.memory_space<hbm>>
      %dma_wait3A_159 = arith.constant 0 : i32
      %dma_wait3A_160 = arith.constant 0 : i32
      %dma_wait3A_161 = tpu.memref_slice %arg8[%dma_wait3A_151, %dma_wait3A_159, %dma_wait3A_160] : memref<2x128x384xf32, #tpu.memory_space<vmem>> -> memref<1x128x384xf32, #tpu.memory_space<vmem>>
      %dma_wait3A_162 = tpu.memref_squeeze %dma_wait3A_161 : memref<1x128x384xf32, #tpu.memory_space<vmem>> -> memref<128x384xf32, #tpu.memory_space<vmem>>
      %dma_wait3A_163 = arith.constant 0 : i32
      %dma_wait3A_164 = arith.constant 0 : i32
      %dma_wait3A_165 = tpu.memref_slice %arg4[%dma_wait3A_163, %dma_wait3A_164] : memref<10000x384xf32, #tpu.memory_space<hbm>> -> memref<128x384xf32, #tpu.memory_space<hbm>>
      tpu.wait_dma2 semaphore(%arg10 : memref<!tpu.dma_semaphore, #tpu.memory_space<semaphore_mem>>) src(%dma_wait3A_165 : memref<128x384xf32, #tpu.memory_space<hbm>>) dst(%dma_wait3A_162 : memref<128x384xf32, #tpu.memory_space<vmem>>)
      %mul3A_166 = arith.constant 128 : i32
      %mul3A_167 = arith.muli %add3A_150, %mul3A_166 : i32
      %add3A_168 = arith.addi %mul3A_2, %mul3A_167 : i32
      %run_scoped3A_169 = arith.constant 1 : i32
      "tpu.region"() ({
        %run_scoped3A_185 = tpu.sem_alloc : memref<!tpu.dma_semaphore, #tpu.memory_space<semaphore_mem>>
        %dma_start3A_186 = arith.constant 0 : i32
        %dma_start3A_187 = arith.constant 0 : i32
        %dma_start3A_188 = tpu.memref_slice %arg8[%run_scoped3A_169, %dma_start3A_186, %dma_start3A_187] : memref<2x128x384xf32, #tpu.memory_space<vmem>> -> memref<1x128x384xf32, #tpu.memory_space<vmem>>
        %dma_start3A_189 = tpu.memref_squeeze %dma_start3A_188 : memref<1x128x384xf32, #tpu.memory_space<vmem>> -> memref<128x384xf32, #tpu.memory_space<vmem>>
        %dma_start3A_190 = arith.constant 0 : i32
        %dma_start3A_191 = tpu.memref_slice %arg5[%add3A_168, %dma_start3A_190] : memref<163840x384xf32, #tpu.memory_space<hbm>> -> memref<128x384xf32, #tpu.memory_space<hbm>>
        %dma_start3A_192 = arith.constant 0 : i32
        %dma_start3A_193 = tpu.memref_slice %arg5[%add3A_168, %dma_start3A_192] : memref<163840x384xf32, #tpu.memory_space<hbm>> -> memref<128x384xf32, #tpu.memory_space<hbm>>
        %dma_start3A_194 = arith.constant 0 : i32
        %dma_start3A_195 = arith.constant 0 : i32
        %dma_start3A_196 = tpu.memref_slice %arg8[%run_scoped3A_169, %dma_start3A_194, %dma_start3A_195] : memref<2x128x384xf32, #tpu.memory_space<vmem>> -> memref<1x128x384xf32, #tpu.memory_space<vmem>>
        %dma_start3A_197 = tpu.memref_squeeze %dma_start3A_196 : memref<1x128x384xf32, #tpu.memory_space<vmem>> -> memref<128x384xf32, #tpu.memory_space<vmem>>
        tpu.enqueue_dma source(%dma_start3A_197 : memref<128x384xf32, #tpu.memory_space<vmem>>) target(%dma_start3A_193 : memref<128x384xf32, #tpu.memory_space<hbm>>) target_semaphore(%run_scoped3A_185 : memref<!tpu.dma_semaphore, #tpu.memory_space<semaphore_mem>>)
        %dma_wait3A_198 = arith.constant 0 : i32
        %dma_wait3A_199 = arith.constant 0 : i32
        %dma_wait3A_200 = tpu.memref_slice %arg8[%run_scoped3A_169, %dma_wait3A_198, %dma_wait3A_199] : memref<2x128x384xf32, #tpu.memory_space<vmem>> -> memref<1x128x384xf32, #tpu.memory_space<vmem>>
        %dma_wait3A_201 = tpu.memref_squeeze %dma_wait3A_200 : memref<1x128x384xf32, #tpu.memory_space<vmem>> -> memref<128x384xf32, #tpu.memory_space<vmem>>
        %dma_wait3A_202 = arith.constant 0 : i32
        %dma_wait3A_203 = tpu.memref_slice %arg5[%add3A_168, %dma_wait3A_202] : memref<163840x384xf32, #tpu.memory_space<hbm>> -> memref<128x384xf32, #tpu.memory_space<hbm>>
        %dma_wait3A_204 = arith.constant 0 : i32
        %dma_wait3A_205 = tpu.memref_slice %arg5[%add3A_168, %dma_wait3A_204] : memref<163840x384xf32, #tpu.memory_space<hbm>> -> memref<128x384xf32, #tpu.memory_space<hbm>>
        %dma_wait3A_206 = arith.constant 0 : i32
        %dma_wait3A_207 = arith.constant 0 : i32
        %dma_wait3A_208 = tpu.memref_slice %arg8[%run_scoped3A_169, %dma_wait3A_206, %dma_wait3A_207] : memref<2x128x384xf32, #tpu.memory_space<vmem>> -> memref<1x128x384xf32, #tpu.memory_space<vmem>>
        %dma_wait3A_209 = tpu.memref_squeeze %dma_wait3A_208 : memref<1x128x384xf32, #tpu.memory_space<vmem>> -> memref<128x384xf32, #tpu.memory_space<vmem>>
        tpu.wait_dma2 semaphore(%run_scoped3A_185 : memref<!tpu.dma_semaphore, #tpu.memory_space<semaphore_mem>>) src(%dma_wait3A_209 : memref<128x384xf32, #tpu.memory_space<vmem>>) dst(%dma_wait3A_205 : memref<128x384xf32, #tpu.memory_space<hbm>>)
        tpu.yield
      }) : () -> ()
      %add3A_170 = arith.constant 2 : i32
      %add3A_171 = arith.addi %add3A_150, %add3A_170 : i32
      %min3A_172 = arith.constant 39 : i32
      %min3A_173 = arith.minsi %add3A_171, %min3A_172 : i32
      %mul3A_174 = arith.constant 128 : i32
      %mul3A_175 = arith.muli %min3A_173, %mul3A_174 : i32
      %dma_start3A_176 = arith.constant 1 : i32
      %dma_start3A_177 = arith.constant 0 : i32
      %dma_start3A_178 = arith.constant 0 : i32
      %dma_start3A_179 = tpu.memref_slice %arg8[%dma_start3A_176, %dma_start3A_177, %dma_start3A_178] : memref<2x128x384xf32, #tpu.memory_space<vmem>> -> memref<1x128x384xf32, #tpu.memory_space<vmem>>
      %dma_start3A_180 = tpu.memref_squeeze %dma_start3A_179 : memref<1x128x384xf32, #tpu.memory_space<vmem>> -> memref<128x384xf32, #tpu.memory_space<vmem>>
      %dma_start3A_181 = tpu.memref_slice %arg7[%mul3A_175] : memref<5120xi32, #tpu.memory_space<vmem>> -> memref<128xi32, #tpu.memory_space<vmem>>
      %dma_start3A_182 = arith.constant 0 : i32
      %dma_start3A_183 = arith.constant 0 : i32
      %dma_start3A_184 = tpu.memref_slice %arg4[%dma_start3A_182, %dma_start3A_183] : memref<10000x384xf32, #tpu.memory_space<hbm>> -> memref<10000x384xf32, #tpu.memory_space<hbm>>
      tpu.enqueue_indirect_dma source(%dma_start3A_184 : memref<10000x384xf32, #tpu.memory_space<hbm>>) target(%dma_start3A_180 : memref<128x384xf32, #tpu.memory_space<vmem>>) offsets(%dma_start3A_181 : memref<128xi32, #tpu.memory_space<vmem>>) semaphore(%arg10 : memref<!tpu.dma_semaphore, #tpu.memory_space<semaphore_mem>>)
    }
    %scan3A_25 = arith.constant 20 : i32
    %dma_wait3A = arith.constant 0 : i32
    %dma_wait3A_26 = arith.constant 0 : i32
    %dma_wait3A_27 = arith.constant 0 : i32
    %dma_wait3A_28 = tpu.memref_slice %arg8[%dma_wait3A, %dma_wait3A_26, %dma_wait3A_27] : memref<2x128x384xf32, #tpu.memory_space<vmem>> -> memref<1x128x384xf32, #tpu.memory_space<vmem>>
    %dma_wait3A_29 = tpu.memref_squeeze %dma_wait3A_28 : memref<1x128x384xf32, #tpu.memory_space<vmem>> -> memref<128x384xf32, #tpu.memory_space<vmem>>
    %dma_wait3A_30 = arith.constant 0 : i32
    %dma_wait3A_31 = arith.constant 0 : i32
    %dma_wait3A_32 = tpu.memref_slice %arg4[%dma_wait3A_30, %dma_wait3A_31] : memref<10000x384xf32, #tpu.memory_space<hbm>> -> memref<128x384xf32, #tpu.memory_space<hbm>>
    %dma_wait3A_33 = arith.constant 0 : i32
    %dma_wait3A_34 = arith.constant 0 : i32
    %dma_wait3A_35 = tpu.memref_slice %arg8[%dma_wait3A, %dma_wait3A_33, %dma_wait3A_34] : memref<2x128x384xf32, #tpu.memory_space<vmem>> -> memref<1x128x384xf32, #tpu.memory_space<vmem>>
    %dma_wait3A_36 = tpu.memref_squeeze %dma_wait3A_35 : memref<1x128x384xf32, #tpu.memory_space<vmem>> -> memref<128x384xf32, #tpu.memory_space<vmem>>
    %dma_wait3A_37 = arith.constant 0 : i32
    %dma_wait3A_38 = arith.constant 0 : i32
    %dma_wait3A_39 = tpu.memref_slice %arg4[%dma_wait3A_37, %dma_wait3A_38] : memref<10000x384xf32, #tpu.memory_space<hbm>> -> memref<128x384xf32, #tpu.memory_space<hbm>>
    tpu.wait_dma2 semaphore(%arg9 : memref<!tpu.dma_semaphore, #tpu.memory_space<semaphore_mem>>) src(%dma_wait3A_39 : memref<128x384xf32, #tpu.memory_space<hbm>>) dst(%dma_wait3A_36 : memref<128x384xf32, #tpu.memory_space<vmem>>)
    %dma_wait3A_40 = arith.constant 1 : i32
    %dma_wait3A_41 = arith.constant 0 : i32
    %dma_wait3A_42 = arith.constant 0 : i32
    %dma_wait3A_43 = tpu.memref_slice %arg8[%dma_wait3A_40, %dma_wait3A_41, %dma_wait3A_42] : memref<2x128x384xf32, #tpu.memory_space<vmem>> -> memref<1x128x384xf32, #tpu.memory_space<vmem>>
    %dma_wait3A_44 = tpu.memref_squeeze %dma_wait3A_43 : memref<1x128x384xf32, #tpu.memory_space<vmem>> -> memref<128x384xf32, #tpu.memory_space<vmem>>
    %dma_wait3A_45 = arith.constant 0 : i32
    %dma_wait3A_46 = arith.constant 0 : i32
    %dma_wait3A_47 = tpu.memref_slice %arg4[%dma_wait3A_45, %dma_wait3A_46] : memref<10000x384xf32, #tpu.memory_space<hbm>> -> memref<128x384xf32, #tpu.memory_space<hbm>>
    %dma_wait3A_48 = arith.constant 0 : i32
    %dma_wait3A_49 = arith.constant 0 : i32
    %dma_wait3A_50 = tpu.memref_slice %arg8[%dma_wait3A_40, %dma_wait3A_48, %dma_wait3A_49] : memref<2x128x384xf32, #tpu.memory_space<vmem>> -> memref<1x128x384xf32, #tpu.memory_space<vmem>>
    %dma_wait3A_51 = tpu.memref_squeeze %dma_wait3A_50 : memref<1x128x384xf32, #tpu.memory_space<vmem>> -> memref<128x384xf32, #tpu.memory_space<vmem>>
    %dma_wait3A_52 = arith.constant 0 : i32
    %dma_wait3A_53 = arith.constant 0 : i32
    %dma_wait3A_54 = tpu.memref_slice %arg4[%dma_wait3A_52, %dma_wait3A_53] : memref<10000x384xf32, #tpu.memory_space<hbm>> -> memref<128x384xf32, #tpu.memory_space<hbm>>
    tpu.wait_dma2 semaphore(%arg10 : memref<!tpu.dma_semaphore, #tpu.memory_space<semaphore_mem>>) src(%dma_wait3A_54 : memref<128x384xf32, #tpu.memory_space<hbm>>) dst(%dma_wait3A_51 : memref<128x384xf32, #tpu.memory_space<vmem>>)
    "tpu.region"() ({
      %run_scoped3A = tpu.sem_alloc : memref<!tpu.dma_semaphore, #tpu.memory_space<semaphore_mem>>
      %dma_start3A_110 = tpu.memref_slice %arg3[%mul3A_2] : memref<163840xi32, #tpu.memory_space<hbm>> -> memref<5120xi32, #tpu.memory_space<hbm>>
      %dma_start3A_111 = tpu.memref_slice %arg3[%mul3A_2] : memref<163840xi32, #tpu.memory_space<hbm>> -> memref<5120xi32, #tpu.memory_space<hbm>>
      tpu.enqueue_dma source(%dma_start3A_111 : memref<5120xi32, #tpu.memory_space<hbm>>) target(%arg7 : memref<5120xi32, #tpu.memory_space<vmem>>) target_semaphore(%run_scoped3A : memref<!tpu.dma_semaphore, #tpu.memory_space<semaphore_mem>>)
      %dma_wait3A_112 = tpu.memref_slice %arg3[%mul3A_2] : memref<163840xi32, #tpu.memory_space<hbm>> -> memref<5120xi32, #tpu.memory_space<hbm>>
      %dma_wait3A_113 = tpu.memref_slice %arg3[%mul3A_2] : memref<163840xi32, #tpu.memory_space<hbm>> -> memref<5120xi32, #tpu.memory_space<hbm>>
      tpu.wait_dma2 semaphore(%run_scoped3A : memref<!tpu.dma_semaphore, #tpu.memory_space<semaphore_mem>>) src(%dma_wait3A_113 : memref<5120xi32, #tpu.memory_space<hbm>>) dst(%arg7 : memref<5120xi32, #tpu.memory_space<vmem>>)
      tpu.yield
    }) : () -> ()
    %dma_start3A_55 = arith.constant 0 : i32
    %dma_start3A_56 = arith.constant 0 : i32
    %dma_start3A_57 = arith.constant 0 : i32
    %dma_start3A_58 = tpu.memref_slice %arg8[%dma_start3A_55, %dma_start3A_56, %dma_start3A_57] : memref<2x128x384xf32, #tpu.memory_space<vmem>> -> memref<1x128x384xf32, #tpu.memory_space<vmem>>
    %dma_start3A_59 = tpu.memref_squeeze %dma_start3A_58 : memref<1x128x384xf32, #tpu.memory_space<vmem>> -> memref<128x384xf32, #tpu.memory_space<vmem>>
    %dma_start3A_60 = arith.constant 0 : i32
    %dma_start3A_61 = tpu.memref_slice %arg7[%dma_start3A_60] : memref<5120xi32, #tpu.memory_space<vmem>> -> memref<128xi32, #tpu.memory_space<vmem>>
    %dma_start3A_62 = arith.constant 0 : i32
    %dma_start3A_63 = arith.constant 0 : i32
    %dma_start3A_64 = tpu.memref_slice %arg4[%dma_start3A_62, %dma_start3A_63] : memref<10000x384xf32, #tpu.memory_space<hbm>> -> memref<10000x384xf32, #tpu.memory_space<hbm>>
    tpu.enqueue_indirect_dma source(%dma_start3A_64 : memref<10000x384xf32, #tpu.memory_space<hbm>>) target(%dma_start3A_59 : memref<128x384xf32, #tpu.memory_space<vmem>>) offsets(%dma_start3A_61 : memref<128xi32, #tpu.memory_space<vmem>>) semaphore(%arg9 : memref<!tpu.dma_semaphore, #tpu.memory_space<semaphore_mem>>)
    %dma_start3A_65 = arith.constant 1 : i32
    %dma_start3A_66 = arith.constant 0 : i32
    %dma_start3A_67 = arith.constant 0 : i32
    %dma_start3A_68 = tpu.memref_slice %arg8[%dma_start3A_65, %dma_start3A_66, %dma_start3A_67] : memref<2x128x384xf32, #tpu.memory_space<vmem>> -> memref<1x128x384xf32, #tpu.memory_space<vmem>>
    %dma_start3A_69 = tpu.memref_squeeze %dma_start3A_68 : memref<1x128x384xf32, #tpu.memory_space<vmem>> -> memref<128x384xf32, #tpu.memory_space<vmem>>
    %dma_start3A_70 = arith.constant 128 : i32
    %dma_start3A_71 = tpu.memref_slice %arg7[%dma_start3A_70] : memref<5120xi32, #tpu.memory_space<vmem>> -> memref<128xi32, #tpu.memory_space<vmem>>
    %dma_start3A_72 = arith.constant 0 : i32
    %dma_start3A_73 = arith.constant 0 : i32
    %dma_start3A_74 = tpu.memref_slice %arg4[%dma_start3A_72, %dma_start3A_73] : memref<10000x384xf32, #tpu.memory_space<hbm>> -> memref<10000x384xf32, #tpu.memory_space<hbm>>
    tpu.enqueue_indirect_dma source(%dma_start3A_74 : memref<10000x384xf32, #tpu.memory_space<hbm>>) target(%dma_start3A_69 : memref<128x384xf32, #tpu.memory_space<vmem>>) offsets(%dma_start3A_71 : memref<128xi32, #tpu.memory_space<vmem>>) semaphore(%arg10 : memref<!tpu.dma_semaphore, #tpu.memory_space<semaphore_mem>>)
    %scan3A_75 = arith.constant 0 : i32
    %scan3A_76 = arith.constant 20 : i32
    %scan3A_77 = arith.addi %scan3A_75, %scan3A_76 : i32
    %scan3A_78 = arith.constant 1 : i32
    scf.for %scan3A_110 = %scan3A_75 to %scan3A_77 step %scan3A_78  : i32 {
      %mul3A_111 = arith.constant 2 : i32
      %mul3A_112 = arith.muli %mul3A_111, %scan3A_110 : i32
      %add3A_113 = arith.constant 0 : i32
      %add3A_114 = arith.addi %mul3A_112, %add3A_113 : i32
      %dma_wait3A_115 = arith.constant 0 : i32
      %dma_wait3A_116 = arith.constant 0 : i32
      %dma_wait3A_117 = arith.constant 0 : i32
      %dma_wait3A_118 = tpu.memref_slice %arg8[%dma_wait3A_115, %dma_wait3A_116, %dma_wait3A_117] : memref<2x128x384xf32, #tpu.memory_space<vmem>> -> memref<1x128x384xf32, #tpu.memory_space<vmem>>
      %dma_wait3A_119 = tpu.memref_squeeze %dma_wait3A_118 : memref<1x128x384xf32, #tpu.memory_space<vmem>> -> memref<128x384xf32, #tpu.memory_space<vmem>>
      %dma_wait3A_120 = arith.constant 0 : i32
      %dma_wait3A_121 = arith.constant 0 : i32
      %dma_wait3A_122 = tpu.memref_slice %arg4[%dma_wait3A_120, %dma_wait3A_121] : memref<10000x384xf32, #tpu.memory_space<hbm>> -> memref<128x384xf32, #tpu.memory_space<hbm>>
      %dma_wait3A_123 = arith.constant 0 : i32
      %dma_wait3A_124 = arith.constant 0 : i32
      %dma_wait3A_125 = tpu.memref_slice %arg8[%dma_wait3A_115, %dma_wait3A_123, %dma_wait3A_124] : memref<2x128x384xf32, #tpu.memory_space<vmem>> -> memref<1x128x384xf32, #tpu.memory_space<vmem>>
      %dma_wait3A_126 = tpu.memref_squeeze %dma_wait3A_125 : memref<1x128x384xf32, #tpu.memory_space<vmem>> -> memref<128x384xf32, #tpu.memory_space<vmem>>
      %dma_wait3A_127 = arith.constant 0 : i32
      %dma_wait3A_128 = arith.constant 0 : i32
      %dma_wait3A_129 = tpu.memref_slice %arg4[%dma_wait3A_127, %dma_wait3A_128] : memref<10000x384xf32, #tpu.memory_space<hbm>> -> memref<128x384xf32, #tpu.memory_space<hbm>>
      tpu.wait_dma2 semaphore(%arg9 : memref<!tpu.dma_semaphore, #tpu.memory_space<semaphore_mem>>) src(%dma_wait3A_129 : memref<128x384xf32, #tpu.memory_space<hbm>>) dst(%dma_wait3A_126 : memref<128x384xf32, #tpu.memory_space<vmem>>)
      %mul3A_130 = arith.constant 128 : i32
      %mul3A_131 = arith.muli %add3A_114, %mul3A_130 : i32
      %add3A_132 = arith.addi %mul3A_2, %mul3A_131 : i32
      %run_scoped3A = arith.constant 0 : i32
      "tpu.region"() ({
        %run_scoped3A_185 = tpu.sem_alloc : memref<!tpu.dma_semaphore, #tpu.memory_space<semaphore_mem>>
        %dma_start3A_186 = arith.constant 0 : i32
        %dma_start3A_187 = arith.constant 0 : i32
        %dma_start3A_188 = tpu.memref_slice %arg8[%run_scoped3A, %dma_start3A_186, %dma_start3A_187] : memref<2x128x384xf32, #tpu.memory_space<vmem>> -> memref<1x128x384xf32, #tpu.memory_space<vmem>>
        %dma_start3A_189 = tpu.memref_squeeze %dma_start3A_188 : memref<1x128x384xf32, #tpu.memory_space<vmem>> -> memref<128x384xf32, #tpu.memory_space<vmem>>
        %dma_start3A_190 = arith.constant 0 : i32
        %dma_start3A_191 = tpu.memref_slice %arg6[%add3A_132, %dma_start3A_190] : memref<163840x384xf32, #tpu.memory_space<hbm>> -> memref<128x384xf32, #tpu.memory_space<hbm>>
        %dma_start3A_192 = arith.constant 0 : i32
        %dma_start3A_193 = tpu.memref_slice %arg6[%add3A_132, %dma_start3A_192] : memref<163840x384xf32, #tpu.memory_space<hbm>> -> memref<128x384xf32, #tpu.memory_space<hbm>>
        %dma_start3A_194 = arith.constant 0 : i32
        %dma_start3A_195 = arith.constant 0 : i32
        %dma_start3A_196 = tpu.memref_slice %arg8[%run_scoped3A, %dma_start3A_194, %dma_start3A_195] : memref<2x128x384xf32, #tpu.memory_space<vmem>> -> memref<1x128x384xf32, #tpu.memory_space<vmem>>
        %dma_start3A_197 = tpu.memref_squeeze %dma_start3A_196 : memref<1x128x384xf32, #tpu.memory_space<vmem>> -> memref<128x384xf32, #tpu.memory_space<vmem>>
        tpu.enqueue_dma source(%dma_start3A_197 : memref<128x384xf32, #tpu.memory_space<vmem>>) target(%dma_start3A_193 : memref<128x384xf32, #tpu.memory_space<hbm>>) target_semaphore(%run_scoped3A_185 : memref<!tpu.dma_semaphore, #tpu.memory_space<semaphore_mem>>)
        %dma_wait3A_198 = arith.constant 0 : i32
        %dma_wait3A_199 = arith.constant 0 : i32
        %dma_wait3A_200 = tpu.memref_slice %arg8[%run_scoped3A, %dma_wait3A_198, %dma_wait3A_199] : memref<2x128x384xf32, #tpu.memory_space<vmem>> -> memref<1x128x384xf32, #tpu.memory_space<vmem>>
        %dma_wait3A_201 = tpu.memref_squeeze %dma_wait3A_200 : memref<1x128x384xf32, #tpu.memory_space<vmem>> -> memref<128x384xf32, #tpu.memory_space<vmem>>
        %dma_wait3A_202 = arith.constant 0 : i32
        %dma_wait3A_203 = tpu.memref_slice %arg6[%add3A_132, %dma_wait3A_202] : memref<163840x384xf32, #tpu.memory_space<hbm>> -> memref<128x384xf32, #tpu.memory_space<hbm>>
        %dma_wait3A_204 = arith.constant 0 : i32
        %dma_wait3A_205 = tpu.memref_slice %arg6[%add3A_132, %dma_wait3A_204] : memref<163840x384xf32, #tpu.memory_space<hbm>> -> memref<128x384xf32, #tpu.memory_space<hbm>>
        %dma_wait3A_206 = arith.constant 0 : i32
        %dma_wait3A_207 = arith.constant 0 : i32
        %dma_wait3A_208 = tpu.memref_slice %arg8[%run_scoped3A, %dma_wait3A_206, %dma_wait3A_207] : memref<2x128x384xf32, #tpu.memory_space<vmem>> -> memref<1x128x384xf32, #tpu.memory_space<vmem>>
        %dma_wait3A_209 = tpu.memref_squeeze %dma_wait3A_208 : memref<1x128x384xf32, #tpu.memory_space<vmem>> -> memref<128x384xf32, #tpu.memory_space<vmem>>
        tpu.wait_dma2 semaphore(%run_scoped3A_185 : memref<!tpu.dma_semaphore, #tpu.memory_space<semaphore_mem>>) src(%dma_wait3A_209 : memref<128x384xf32, #tpu.memory_space<vmem>>) dst(%dma_wait3A_205 : memref<128x384xf32, #tpu.memory_space<hbm>>)
        tpu.yield
      }) : () -> ()
      %add3A_133 = arith.constant 2 : i32
      %add3A_134 = arith.addi %add3A_114, %add3A_133 : i32
      %min3A = arith.constant 39 : i32
      %min3A_135 = arith.minsi %add3A_134, %min3A : i32
      %mul3A_136 = arith.constant 128 : i32
      %mul3A_137 = arith.muli %min3A_135, %mul3A_136 : i32
      %dma_start3A_138 = arith.constant 0 : i32
      %dma_start3A_139 = arith.constant 0 : i32
      %dma_start3A_140 = arith.constant 0 : i32
      %dma_start3A_141 = tpu.memref_slice %arg8[%dma_start3A_138, %dma_start3A_139, %dma_start3A_140] : memref<2x128x384xf32, #tpu.memory_space<vmem>> -> memref<1x128x384xf32, #tpu.memory_space<vmem>>
      %dma_start3A_142 = tpu.memref_squeeze %dma_start3A_141 : memref<1x128x384xf32, #tpu.memory_space<vmem>> -> memref<128x384xf32, #tpu.memory_space<vmem>>
      %dma_start3A_143 = tpu.memref_slice %arg7[%mul3A_137] : memref<5120xi32, #tpu.memory_space<vmem>> -> memref<128xi32, #tpu.memory_space<vmem>>
      %dma_start3A_144 = arith.constant 0 : i32
      %dma_start3A_145 = arith.constant 0 : i32
      %dma_start3A_146 = tpu.memref_slice %arg4[%dma_start3A_144, %dma_start3A_145] : memref<10000x384xf32, #tpu.memory_space<hbm>> -> memref<10000x384xf32, #tpu.memory_space<hbm>>
      tpu.enqueue_indirect_dma source(%dma_start3A_146 : memref<10000x384xf32, #tpu.memory_space<hbm>>) target(%dma_start3A_142 : memref<128x384xf32, #tpu.memory_space<vmem>>) offsets(%dma_start3A_143 : memref<128xi32, #tpu.memory_space<vmem>>) semaphore(%arg9 : memref<!tpu.dma_semaphore, #tpu.memory_space<semaphore_mem>>)
      %mul3A_147 = arith.constant 2 : i32
      %mul3A_148 = arith.muli %mul3A_147, %scan3A_110 : i32
      %add3A_149 = arith.constant 1 : i32
      %add3A_150 = arith.addi %mul3A_148, %add3A_149 : i32
      %dma_wait3A_151 = arith.constant 1 : i32
      %dma_wait3A_152 = arith.constant 0 : i32
      %dma_wait3A_153 = arith.constant 0 : i32
      %dma_wait3A_154 = tpu.memref_slice %arg8[%dma_wait3A_151, %dma_wait3A_152, %dma_wait3A_153] : memref<2x128x384xf32, #tpu.memory_space<vmem>> -> memref<1x128x384xf32, #tpu.memory_space<vmem>>
      %dma_wait3A_155 = tpu.memref_squeeze %dma_wait3A_154 : memref<1x128x384xf32, #tpu.memory_space<vmem>> -> memref<128x384xf32, #tpu.memory_space<vmem>>
      %dma_wait3A_156 = arith.constant 0 : i32
      %dma_wait3A_157 = arith.constant 0 : i32
      %dma_wait3A_158 = tpu.memref_slice %arg4[%dma_wait3A_156, %dma_wait3A_157] : memref<10000x384xf32, #tpu.memory_space<hbm>> -> memref<128x384xf32, #tpu.memory_space<hbm>>
      %dma_wait3A_159 = arith.constant 0 : i32
      %dma_wait3A_160 = arith.constant 0 : i32
      %dma_wait3A_161 = tpu.memref_slice %arg8[%dma_wait3A_151, %dma_wait3A_159, %dma_wait3A_160] : memref<2x128x384xf32, #tpu.memory_space<vmem>> -> memref<1x128x384xf32, #tpu.memory_space<vmem>>
      %dma_wait3A_162 = tpu.memref_squeeze %dma_wait3A_161 : memref<1x128x384xf32, #tpu.memory_space<vmem>> -> memref<128x384xf32, #tpu.memory_space<vmem>>
      %dma_wait3A_163 = arith.constant 0 : i32
      %dma_wait3A_164 = arith.constant 0 : i32
      %dma_wait3A_165 = tpu.memref_slice %arg4[%dma_wait3A_163, %dma_wait3A_164] : memref<10000x384xf32, #tpu.memory_space<hbm>> -> memref<128x384xf32, #tpu.memory_space<hbm>>
      tpu.wait_dma2 semaphore(%arg10 : memref<!tpu.dma_semaphore, #tpu.memory_space<semaphore_mem>>) src(%dma_wait3A_165 : memref<128x384xf32, #tpu.memory_space<hbm>>) dst(%dma_wait3A_162 : memref<128x384xf32, #tpu.memory_space<vmem>>)
      %mul3A_166 = arith.constant 128 : i32
      %mul3A_167 = arith.muli %add3A_150, %mul3A_166 : i32
      %add3A_168 = arith.addi %mul3A_2, %mul3A_167 : i32
      %run_scoped3A_169 = arith.constant 1 : i32
      "tpu.region"() ({
        %run_scoped3A_185 = tpu.sem_alloc : memref<!tpu.dma_semaphore, #tpu.memory_space<semaphore_mem>>
        %dma_start3A_186 = arith.constant 0 : i32
        %dma_start3A_187 = arith.constant 0 : i32
        %dma_start3A_188 = tpu.memref_slice %arg8[%run_scoped3A_169, %dma_start3A_186, %dma_start3A_187] : memref<2x128x384xf32, #tpu.memory_space<vmem>> -> memref<1x128x384xf32, #tpu.memory_space<vmem>>
        %dma_start3A_189 = tpu.memref_squeeze %dma_start3A_188 : memref<1x128x384xf32, #tpu.memory_space<vmem>> -> memref<128x384xf32, #tpu.memory_space<vmem>>
        %dma_start3A_190 = arith.constant 0 : i32
        %dma_start3A_191 = tpu.memref_slice %arg6[%add3A_168, %dma_start3A_190] : memref<163840x384xf32, #tpu.memory_space<hbm>> -> memref<128x384xf32, #tpu.memory_space<hbm>>
        %dma_start3A_192 = arith.constant 0 : i32
        %dma_start3A_193 = tpu.memref_slice %arg6[%add3A_168, %dma_start3A_192] : memref<163840x384xf32, #tpu.memory_space<hbm>> -> memref<128x384xf32, #tpu.memory_space<hbm>>
        %dma_start3A_194 = arith.constant 0 : i32
        %dma_start3A_195 = arith.constant 0 : i32
        %dma_start3A_196 = tpu.memref_slice %arg8[%run_scoped3A_169, %dma_start3A_194, %dma_start3A_195] : memref<2x128x384xf32, #tpu.memory_space<vmem>> -> memref<1x128x384xf32, #tpu.memory_space<vmem>>
        %dma_start3A_197 = tpu.memref_squeeze %dma_start3A_196 : memref<1x128x384xf32, #tpu.memory_space<vmem>> -> memref<128x384xf32, #tpu.memory_space<vmem>>
        tpu.enqueue_dma source(%dma_start3A_197 : memref<128x384xf32, #tpu.memory_space<vmem>>) target(%dma_start3A_193 : memref<128x384xf32, #tpu.memory_space<hbm>>) target_semaphore(%run_scoped3A_185 : memref<!tpu.dma_semaphore, #tpu.memory_space<semaphore_mem>>)
        %dma_wait3A_198 = arith.constant 0 : i32
        %dma_wait3A_199 = arith.constant 0 : i32
        %dma_wait3A_200 = tpu.memref_slice %arg8[%run_scoped3A_169, %dma_wait3A_198, %dma_wait3A_199] : memref<2x128x384xf32, #tpu.memory_space<vmem>> -> memref<1x128x384xf32, #tpu.memory_space<vmem>>
        %dma_wait3A_201 = tpu.memref_squeeze %dma_wait3A_200 : memref<1x128x384xf32, #tpu.memory_space<vmem>> -> memref<128x384xf32, #tpu.memory_space<vmem>>
        %dma_wait3A_202 = arith.constant 0 : i32
        %dma_wait3A_203 = tpu.memref_slice %arg6[%add3A_168, %dma_wait3A_202] : memref<163840x384xf32, #tpu.memory_space<hbm>> -> memref<128x384xf32, #tpu.memory_space<hbm>>
        %dma_wait3A_204 = arith.constant 0 : i32
        %dma_wait3A_205 = tpu.memref_slice %arg6[%add3A_168, %dma_wait3A_204] : memref<163840x384xf32, #tpu.memory_space<hbm>> -> memref<128x384xf32, #tpu.memory_space<hbm>>
        %dma_wait3A_206 = arith.constant 0 : i32
        %dma_wait3A_207 = arith.constant 0 : i32
        %dma_wait3A_208 = tpu.memref_slice %arg8[%run_scoped3A_169, %dma_wait3A_206, %dma_wait3A_207] : memref<2x128x384xf32, #tpu.memory_space<vmem>> -> memref<1x128x384xf32, #tpu.memory_space<vmem>>
        %dma_wait3A_209 = tpu.memref_squeeze %dma_wait3A_208 : memref<1x128x384xf32, #tpu.memory_space<vmem>> -> memref<128x384xf32, #tpu.memory_space<vmem>>
        tpu.wait_dma2 semaphore(%run_scoped3A_185 : memref<!tpu.dma_semaphore, #tpu.memory_space<semaphore_mem>>) src(%dma_wait3A_209 : memref<128x384xf32, #tpu.memory_space<vmem>>) dst(%dma_wait3A_205 : memref<128x384xf32, #tpu.memory_space<hbm>>)
        tpu.yield
      }) : () -> ()
      %add3A_170 = arith.constant 2 : i32
      %add3A_171 = arith.addi %add3A_150, %add3A_170 : i32
      %min3A_172 = arith.constant 39 : i32
      %min3A_173 = arith.minsi %add3A_171, %min3A_172 : i32
      %mul3A_174 = arith.constant 128 : i32
      %mul3A_175 = arith.muli %min3A_173, %mul3A_174 : i32
      %dma_start3A_176 = arith.constant 1 : i32
      %dma_start3A_177 = arith.constant 0 : i32
      %dma_start3A_178 = arith.constant 0 : i32
      %dma_start3A_179 = tpu.memref_slice %arg8[%dma_start3A_176, %dma_start3A_177, %dma_start3A_178] : memref<2x128x384xf32, #tpu.memory_space<vmem>> -> memref<1x128x384xf32, #tpu.memory_space<vmem>>
      %dma_start3A_180 = tpu.memref_squeeze %dma_start3A_179 : memref<1x128x384xf32, #tpu.memory_space<vmem>> -> memref<128x384xf32, #tpu.memory_space<vmem>>
      %dma_start3A_181 = tpu.memref_slice %arg7[%mul3A_175] : memref<5120xi32, #tpu.memory_space<vmem>> -> memref<128xi32, #tpu.memory_space<vmem>>
      %dma_start3A_182 = arith.constant 0 : i32
      %dma_start3A_183 = arith.constant 0 : i32
      %dma_start3A_184 = tpu.memref_slice %arg4[%dma_start3A_182, %dma_start3A_183] : memref<10000x384xf32, #tpu.memory_space<hbm>> -> memref<10000x384xf32, #tpu.memory_space<hbm>>
      tpu.enqueue_indirect_dma source(%dma_start3A_184 : memref<10000x384xf32, #tpu.memory_space<hbm>>) target(%dma_start3A_180 : memref<128x384xf32, #tpu.memory_space<vmem>>) offsets(%dma_start3A_181 : memref<128xi32, #tpu.memory_space<vmem>>) semaphore(%arg10 : memref<!tpu.dma_semaphore, #tpu.memory_space<semaphore_mem>>)
    }
    %scan3A_79 = arith.constant 20 : i32
    %dma_wait3A_80 = arith.constant 0 : i32
    %dma_wait3A_81 = arith.constant 0 : i32
    %dma_wait3A_82 = arith.constant 0 : i32
    %dma_wait3A_83 = tpu.memref_slice %arg8[%dma_wait3A_80, %dma_wait3A_81, %dma_wait3A_82] : memref<2x128x384xf32, #tpu.memory_space<vmem>> -> memref<1x128x384xf32, #tpu.memory_space<vmem>>
    %dma_wait3A_84 = tpu.memref_squeeze %dma_wait3A_83 : memref<1x128x384xf32, #tpu.memory_space<vmem>> -> memref<128x384xf32, #tpu.memory_space<vmem>>
    %dma_wait3A_85 = arith.constant 0 : i32
    %dma_wait3A_86 = arith.constant 0 : i32
    %dma_wait3A_87 = tpu.memref_slice %arg4[%dma_wait3A_85, %dma_wait3A_86] : memref<10000x384xf32, #tpu.memory_space<hbm>> -> memref<128x384xf32, #tpu.memory_space<hbm>>
    %dma_wait3A_88 = arith.constant 0 : i32
    %dma_wait3A_89 = arith.constant 0 : i32
    %dma_wait3A_90 = tpu.memref_slice %arg8[%dma_wait3A_80, %dma_wait3A_88, %dma_wait3A_89] : memref<2x128x384xf32, #tpu.memory_space<vmem>> -> memref<1x128x384xf32, #tpu.memory_space<vmem>>
    %dma_wait3A_91 = tpu.memref_squeeze %dma_wait3A_90 : memref<1x128x384xf32, #tpu.memory_space<vmem>> -> memref<128x384xf32, #tpu.memory_space<vmem>>
    %dma_wait3A_92 = arith.constant 0 : i32
    %dma_wait3A_93 = arith.constant 0 : i32
    %dma_wait3A_94 = tpu.memref_slice %arg4[%dma_wait3A_92, %dma_wait3A_93] : memref<10000x384xf32, #tpu.memory_space<hbm>> -> memref<128x384xf32, #tpu.memory_space<hbm>>
    tpu.wait_dma2 semaphore(%arg9 : memref<!tpu.dma_semaphore, #tpu.memory_space<semaphore_mem>>) src(%dma_wait3A_94 : memref<128x384xf32, #tpu.memory_space<hbm>>) dst(%dma_wait3A_91 : memref<128x384xf32, #tpu.memory_space<vmem>>)
    %dma_wait3A_95 = arith.constant 1 : i32
    %dma_wait3A_96 = arith.constant 0 : i32
    %dma_wait3A_97 = arith.constant 0 : i32
    %dma_wait3A_98 = tpu.memref_slice %arg8[%dma_wait3A_95, %dma_wait3A_96, %dma_wait3A_97] : memref<2x128x384xf32, #tpu.memory_space<vmem>> -> memref<1x128x384xf32, #tpu.memory_space<vmem>>
    %dma_wait3A_99 = tpu.memref_squeeze %dma_wait3A_98 : memref<1x128x384xf32, #tpu.memory_space<vmem>> -> memref<128x384xf32, #tpu.memory_space<vmem>>
    %dma_wait3A_100 = arith.constant 0 : i32
    %dma_wait3A_101 = arith.constant 0 : i32
    %dma_wait3A_102 = tpu.memref_slice %arg4[%dma_wait3A_100, %dma_wait3A_101] : memref<10000x384xf32, #tpu.memory_space<hbm>> -> memref<128x384xf32, #tpu.memory_space<hbm>>
    %dma_wait3A_103 = arith.constant 0 : i32
    %dma_wait3A_104 = arith.constant 0 : i32
    %dma_wait3A_105 = tpu.memref_slice %arg8[%dma_wait3A_95, %dma_wait3A_103, %dma_wait3A_104] : memref<2x128x384xf32, #tpu.memory_space<vmem>> -> memref<1x128x384xf32, #tpu.memory_space<vmem>>
    %dma_wait3A_106 = tpu.memref_squeeze %dma_wait3A_105 : memref<1x128x384xf32, #tpu.memory_space<vmem>> -> memref<128x384xf32, #tpu.memory_space<vmem>>
    %dma_wait3A_107 = arith.constant 0 : i32
    %dma_wait3A_108 = arith.constant 0 : i32
    %dma_wait3A_109 = tpu.memref_slice %arg4[%dma_wait3A_107, %dma_wait3A_108] : memref<10000x384xf32, #tpu.memory_space<hbm>> -> memref<128x384xf32, #tpu.memory_space<hbm>>
    tpu.wait_dma2 semaphore(%arg10 : memref<!tpu.dma_semaphore, #tpu.memory_space<semaphore_mem>>) src(%dma_wait3A_109 : memref<128x384xf32, #tpu.memory_space<hbm>>) dst(%dma_wait3A_106 : memref<128x384xf32, #tpu.memory_space<vmem>>)
    return
  }
}

module attributes {stable_mosaic.version = 14 : i64} {
  func.func @_edge_body(%arg0: i32, %arg1: memref<1024x384xf32, #tpu.memory_space<vmem>>, %arg2: memref<1024x384xf32, #tpu.memory_space<vmem>>, %arg3: memref<256x512xf32, #tpu.memory_space<vmem>>, %arg4: memref<256x512xf32, #tpu.memory_space<vmem>>, %arg5: memref<1x512xf32, #tpu.memory_space<vmem>>, %arg6: memref<1x512xf32, #tpu.memory_space<vmem>>, %arg7: memref<512x512xf32, #tpu.memory_space<vmem>>, %arg8: memref<1x512xf32, #tpu.memory_space<vmem>>, %arg9: memref<512x512xf32, #tpu.memory_space<vmem>>, %arg10: memref<1x512xf32, #tpu.memory_space<vmem>>, %arg11: memref<1x512xf32, #tpu.memory_space<vmem>>, %arg12: memref<1024x512xf32, #tpu.memory_space<vmem>>, %arg13: memref<1024x128xf32, #tpu.memory_space<vmem>>) attributes {dimension_semantics = [#tpu.dimension_semantics<arbitrary>], iteration_bounds = array<i64: 160>, scalar_prefetch = 0 : i64, scratch_operands = 0 : i64, tpu.core_type = #tpu.core_type<tc>, window_params = [{transform_indices = @transform_0, window_bounds = array<i64: 1024, 384>}, {transform_indices = @transform_1, window_bounds = array<i64: 1024, 384>}, {pipeline_mode = #tpu.pipeline_mode<synchronous>, transform_indices = @transform_2, window_bounds = array<i64: 256, 512>}, {pipeline_mode = #tpu.pipeline_mode<synchronous>, transform_indices = @transform_3, window_bounds = array<i64: 256, 512>}, {pipeline_mode = #tpu.pipeline_mode<synchronous>, transform_indices = @transform_4, window_bounds = array<i64: 1, 512>}, {pipeline_mode = #tpu.pipeline_mode<synchronous>, transform_indices = @transform_5, window_bounds = array<i64: 1, 512>}, {pipeline_mode = #tpu.pipeline_mode<synchronous>, transform_indices = @transform_6, window_bounds = array<i64: 512, 512>}, {pipeline_mode = #tpu.pipeline_mode<synchronous>, transform_indices = @transform_7, window_bounds = array<i64: 1, 512>}, {pipeline_mode = #tpu.pipeline_mode<synchronous>, transform_indices = @transform_8, window_bounds = array<i64: 512, 512>}, {pipeline_mode = #tpu.pipeline_mode<synchronous>, transform_indices = @transform_9, window_bounds = array<i64: 1, 512>}, {pipeline_mode = #tpu.pipeline_mode<synchronous>, transform_indices = @transform_10, window_bounds = array<i64: 1, 512>}, {transform_indices = @transform_11, window_bounds = array<i64: 1024, 512>}, {transform_indices = @transform_12, window_bounds = array<i64: 1024, 128>}]} {
    %get3A = arith.constant 0 : index
    %get3A_0 = arith.constant 0 : index
    %get3A_1 = vector.load %arg1[%get3A, %get3A_0] : memref<1024x384xf32, #tpu.memory_space<vmem>>, vector<1024x256xf32>
    %get3A_2 = arith.constant 0 : index
    %get3A_3 = arith.constant 0 : index
    %get3A_4 = vector.load %arg2[%get3A_2, %get3A_3] : memref<1024x384xf32, #tpu.memory_space<vmem>>, vector<1024x256xf32>
    %get3A_5 = arith.constant 0 : index
    %get3A_6 = arith.constant 256 : index
    %get3A_7 = vector.load %arg1[%get3A_5, %get3A_6] : memref<1024x384xf32, #tpu.memory_space<vmem>>, vector<1024x128xf32>
    %get3A_8 = arith.constant 0 : index
    %get3A_9 = arith.constant 256 : index
    %get3A_10 = vector.load %arg2[%get3A_8, %get3A_9] : memref<1024x384xf32, #tpu.memory_space<vmem>>, vector<1024x128xf32>
    %sub3A = arith.subf %get3A_7, %get3A_10 : vector<1024x128xf32>
    %mul3A = arith.mulf %sub3A, %sub3A : vector<1024x128xf32>
    %reduce_sum3A = arith.constant dense<0.000000e+00> : vector<1024xf32>
    %reduce_sum3A_11 = vector.multi_reduction <add>, %mul3A, %reduce_sum3A [1] : vector<1024x128xf32> to vector<1024xf32>
    %broadcast_in_dim3A = vector.shape_cast %reduce_sum3A_11 : vector<1024xf32> to vector<1024x1xf32>
    %get3A_12 = arith.constant 0 : index
    %get3A_13 = arith.constant 0 : index
    %get3A_14 = vector.load %arg3[%get3A_12, %get3A_13] : memref<256x512xf32, #tpu.memory_space<vmem>>, vector<256x512xf32>
    %dot_general3A = arith.constant dense<0.000000e+00> : vector<1024x512xf32>
    %dot_general3A_15 = tpu.matmul %get3A_1, %get3A_14, %dot_general3A {dimension_numbers = #tpu.dot_dimension_numbers<[1], [0], [0], [1], [0, 0, 1, 1], [], []>, transpose_lhs_hint = false} : vector<1024x256xf32>, vector<256x512xf32>, vector<1024x512xf32> -> vector<1024x512xf32>
    %get3A_16 = arith.constant 0 : index
    %get3A_17 = arith.constant 0 : index
    %get3A_18 = vector.load %arg4[%get3A_16, %get3A_17] : memref<256x512xf32, #tpu.memory_space<vmem>>, vector<256x512xf32>
    %dot_general3A_19 = arith.constant dense<0.000000e+00> : vector<1024x512xf32>
    %dot_general3A_20 = tpu.matmul %get3A_4, %get3A_18, %dot_general3A_19 {dimension_numbers = #tpu.dot_dimension_numbers<[1], [0], [0], [1], [0, 0, 1, 1], [], []>, transpose_lhs_hint = false} : vector<1024x256xf32>, vector<256x512xf32>, vector<1024x512xf32> -> vector<1024x512xf32>
    %add3A = arith.addf %dot_general3A_15, %dot_general3A_20 : vector<1024x512xf32>
    %get3A_21 = arith.constant 0 : index
    %get3A_22 = arith.constant 0 : index
    %get3A_23 = vector.load %arg5[%get3A_21, %get3A_22] : memref<1x512xf32, #tpu.memory_space<vmem>>, vector<1x512xf32>
    %mul3A_24 = vector.broadcast %broadcast_in_dim3A : vector<1024x1xf32> to vector<1024x512xf32>
    %mul3A_25 = vector.broadcast %get3A_23 : vector<1x512xf32> to vector<1024x512xf32>
    %mul3A_26 = arith.mulf %mul3A_24, %mul3A_25 : vector<1024x512xf32>
    %add3A_27 = arith.addf %add3A, %mul3A_26 : vector<1024x512xf32>
    %get3A_28 = arith.constant 0 : index
    %get3A_29 = arith.constant 0 : index
    %get3A_30 = vector.load %arg6[%get3A_28, %get3A_29] : memref<1x512xf32, #tpu.memory_space<vmem>>, vector<1x512xf32>
    %add3A_31 = vector.broadcast %get3A_30 : vector<1x512xf32> to vector<1024x512xf32>
    %add3A_32 = arith.addf %add3A_27, %add3A_31 : vector<1024x512xf32>
    %max3A = arith.constant 0.000000e+00 : f32
    %max3A_33 = vector.broadcast %max3A : f32 to vector<1024x512xf32>
    %max3A_34 = arith.maximumf %add3A_32, %max3A_33 : vector<1024x512xf32>
    %get3A_35 = arith.constant 0 : index
    %get3A_36 = arith.constant 0 : index
    %get3A_37 = vector.load %arg7[%get3A_35, %get3A_36] : memref<512x512xf32, #tpu.memory_space<vmem>>, vector<512x512xf32>
    %dot_general3A_38 = arith.constant dense<0.000000e+00> : vector<1024x512xf32>
    %dot_general3A_39 = tpu.matmul %max3A_34, %get3A_37, %dot_general3A_38 {dimension_numbers = #tpu.dot_dimension_numbers<[1], [0], [0], [1], [0, 0, 1, 1], [], []>, transpose_lhs_hint = false} : vector<1024x512xf32>, vector<512x512xf32>, vector<1024x512xf32> -> vector<1024x512xf32>
    %get3A_40 = arith.constant 0 : index
    %get3A_41 = arith.constant 0 : index
    %get3A_42 = vector.load %arg8[%get3A_40, %get3A_41] : memref<1x512xf32, #tpu.memory_space<vmem>>, vector<1x512xf32>
    %add3A_43 = vector.broadcast %get3A_42 : vector<1x512xf32> to vector<1024x512xf32>
    %add3A_44 = arith.addf %dot_general3A_39, %add3A_43 : vector<1024x512xf32>
    %max3A_45 = arith.constant 0.000000e+00 : f32
    %max3A_46 = vector.broadcast %max3A_45 : f32 to vector<1024x512xf32>
    %max3A_47 = arith.maximumf %add3A_44, %max3A_46 : vector<1024x512xf32>
    %get3A_48 = arith.constant 0 : index
    %get3A_49 = arith.constant 0 : index
    %get3A_50 = vector.load %arg9[%get3A_48, %get3A_49] : memref<512x512xf32, #tpu.memory_space<vmem>>, vector<512x512xf32>
    %dot_general3A_51 = arith.constant dense<0.000000e+00> : vector<1024x512xf32>
    %dot_general3A_52 = tpu.matmul %max3A_47, %get3A_50, %dot_general3A_51 {dimension_numbers = #tpu.dot_dimension_numbers<[1], [0], [0], [1], [0, 0, 1, 1], [], []>, transpose_lhs_hint = false} : vector<1024x512xf32>, vector<512x512xf32>, vector<1024x512xf32> -> vector<1024x512xf32>
    %get3A_53 = arith.constant 0 : index
    %get3A_54 = arith.constant 0 : index
    %get3A_55 = vector.load %arg10[%get3A_53, %get3A_54] : memref<1x512xf32, #tpu.memory_space<vmem>>, vector<1x512xf32>
    %add3A_56 = vector.broadcast %get3A_55 : vector<1x512xf32> to vector<1024x512xf32>
    %add3A_57 = arith.addf %dot_general3A_52, %add3A_56 : vector<1024x512xf32>
    %max3A_58 = arith.constant 0.000000e+00 : f32
    %max3A_59 = vector.broadcast %max3A_58 : f32 to vector<1024x512xf32>
    %max3A_60 = arith.maximumf %add3A_57, %max3A_59 : vector<1024x512xf32>
    %get3A_61 = arith.constant 0 : index
    %get3A_62 = arith.constant 0 : index
    %get3A_63 = vector.load %arg11[%get3A_61, %get3A_62] : memref<1x512xf32, #tpu.memory_space<vmem>>, vector<1x512xf32>
    %mul3A_64 = vector.broadcast %get3A_63 : vector<1x512xf32> to vector<1024x512xf32>
    %mul3A_65 = arith.mulf %max3A_60, %mul3A_64 : vector<1024x512xf32>
    %reduce_sum3A_66 = arith.constant dense<0.000000e+00> : vector<1024xf32>
    %reduce_sum3A_67 = vector.multi_reduction <add>, %mul3A_65, %reduce_sum3A_66 [1] : vector<1024x512xf32> to vector<1024xf32>
    %broadcast_in_dim3A_68 = vector.shape_cast %reduce_sum3A_67 : vector<1024xf32> to vector<1024x1xf32>
    %mul3A_69 = vector.broadcast %broadcast_in_dim3A_68 : vector<1024x1xf32> to vector<1024x128xf32>
    %mul3A_70 = arith.mulf %sub3A, %mul3A_69 : vector<1024x128xf32>
    %jit3A = arith.constant -1.000000e+02 : f32
    %jit3A_71 = arith.constant 1.000000e+02 : f32
    %max3A_72 = vector.broadcast %jit3A : f32 to vector<1024x128xf32>
    %max3A_73 = arith.maximumf %max3A_72, %mul3A_70 : vector<1024x128xf32>
    %min3A = vector.broadcast %jit3A_71 : f32 to vector<1024x128xf32>
    %min3A_74 = arith.minimumf %min3A, %max3A_73 : vector<1024x128xf32>
    %iota3A = tpu.iota {dimensions = array<i32: 1>} : vector<1024x128xi32>
    %eq3A = arith.constant 3 : i32
    %eq3A_75 = vector.broadcast %eq3A : i32 to vector<1024x128xi32>
    %eq3A_76 = arith.cmpi eq, %iota3A, %eq3A_75 : vector<1024x128xi32>
    %jit3A_77 = arith.constant 1.000000e+00 : f32
    %broadcast_in_dim3A_78 = vector.broadcast %jit3A_77 : f32 to vector<1024x128xf32>
    %select_n3A = arith.select %eq3A_76, %broadcast_in_dim3A_78, %min3A_74 : vector<1024x128xi1>, vector<1024x128xf32>
    %swap3A = arith.constant 0 : index
    %swap3A_79 = arith.constant 0 : index
    %swap3A_80 = vector.load %arg13[%swap3A, %swap3A_79] : memref<1024x128xf32, #tpu.memory_space<vmem>>, vector<1024x128xf32>
    tpu.vector_store %arg13[%swap3A, %swap3A_79], %select_n3A {strides = array<i32>} : memref<1024x128xf32, #tpu.memory_space<vmem>>, vector<1024x128xf32>,
    %swap3A_81 = arith.constant 0 : index
    %swap3A_82 = arith.constant 0 : index
    %swap3A_83 = vector.load %arg12[%swap3A_81, %swap3A_82] : memref<1024x512xf32, #tpu.memory_space<vmem>>, vector<1024x512xf32>
    tpu.vector_store %arg12[%swap3A_81, %swap3A_82], %max3A_47 {strides = array<i32>} : memref<1024x512xf32, #tpu.memory_space<vmem>>, vector<1024x512xf32>,
    return
  }
  func.func @transform_0(%arg0: i32) -> (i32, i32) {
    %c0_i32 = arith.constant 0 : i32
    %c0_i32_0 = arith.constant 0 : i32
    return %arg0, %c0_i32 : i32, i32
  }
  func.func @transform_1(%arg0: i32) -> (i32, i32) {
    %c0_i32 = arith.constant 0 : i32
    %c0_i32_0 = arith.constant 0 : i32
    return %arg0, %c0_i32 : i32, i32
  }
  func.func @transform_2(%arg0: i32) -> (i32, i32) {
    %c0_i32 = arith.constant 0 : i32
    %c0_i32_0 = arith.constant 0 : i32
    %c0_i32_1 = arith.constant 0 : i32
    return %c0_i32, %c0_i32_0 : i32, i32
  }
  func.func @transform_3(%arg0: i32) -> (i32, i32) {
    %c0_i32 = arith.constant 0 : i32
    %c0_i32_0 = arith.constant 0 : i32
    %c0_i32_1 = arith.constant 0 : i32
    return %c0_i32, %c0_i32_0 : i32, i32
  }
  func.func @transform_4(%arg0: i32) -> (i32, i32) {
    %c0_i32 = arith.constant 0 : i32
    %c0_i32_0 = arith.constant 0 : i32
    %c0_i32_1 = arith.constant 0 : i32
    return %c0_i32, %c0_i32_0 : i32, i32
  }
  func.func @transform_5(%arg0: i32) -> (i32, i32) {
    %c0_i32 = arith.constant 0 : i32
    %c0_i32_0 = arith.constant 0 : i32
    %c0_i32_1 = arith.constant 0 : i32
    return %c0_i32, %c0_i32_0 : i32, i32
  }
  func.func @transform_6(%arg0: i32) -> (i32, i32) {
    %c0_i32 = arith.constant 0 : i32
    %c0_i32_0 = arith.constant 0 : i32
    %c0_i32_1 = arith.constant 0 : i32
    return %c0_i32, %c0_i32_0 : i32, i32
  }
  func.func @transform_7(%arg0: i32) -> (i32, i32) {
    %c0_i32 = arith.constant 0 : i32
    %c0_i32_0 = arith.constant 0 : i32
    %c0_i32_1 = arith.constant 0 : i32
    return %c0_i32, %c0_i32_0 : i32, i32
  }
  func.func @transform_8(%arg0: i32) -> (i32, i32) {
    %c0_i32 = arith.constant 0 : i32
    %c0_i32_0 = arith.constant 0 : i32
    %c0_i32_1 = arith.constant 0 : i32
    return %c0_i32, %c0_i32_0 : i32, i32
  }
  func.func @transform_9(%arg0: i32) -> (i32, i32) {
    %c0_i32 = arith.constant 0 : i32
    %c0_i32_0 = arith.constant 0 : i32
    %c0_i32_1 = arith.constant 0 : i32
    return %c0_i32, %c0_i32_0 : i32, i32
  }
  func.func @transform_10(%arg0: i32) -> (i32, i32) {
    %c0_i32 = arith.constant 0 : i32
    %c0_i32_0 = arith.constant 0 : i32
    %c0_i32_1 = arith.constant 0 : i32
    return %c0_i32, %c0_i32_0 : i32, i32
  }
  func.func @transform_11(%arg0: i32) -> (i32, i32) {
    %c0_i32 = arith.constant 0 : i32
    %c0_i32_0 = arith.constant 0 : i32
    return %arg0, %c0_i32 : i32, i32
  }
  func.func @transform_12(%arg0: i32) -> (i32, i32) {
    %c0_i32 = arith.constant 0 : i32
    %c0_i32_0 = arith.constant 0 : i32
    return %arg0, %c0_i32 : i32, i32
  }
}

module attributes {stable_mosaic.version = 14 : i64} {
  func.func @_node_body(%arg0: i32, %arg1: memref<512x256xf32, #tpu.memory_space<vmem>>, %arg2: memref<512x512xf32, #tpu.memory_space<vmem>>, %arg3: memref<512x128xf32, #tpu.memory_space<vmem>>, %arg4: memref<512x128xf32, #tpu.memory_space<vmem>>, %arg5: memref<256x512xf32, #tpu.memory_space<vmem>>, %arg6: memref<512x512xf32, #tpu.memory_space<vmem>>, %arg7: memref<1x512xf32, #tpu.memory_space<vmem>>, %arg8: memref<512x256xf32, #tpu.memory_space<vmem>>, %arg9: memref<1x256xf32, #tpu.memory_space<vmem>>, %arg10: memref<256x512xf32, #tpu.memory_space<vmem>>, %arg11: memref<1x512xf32, #tpu.memory_space<vmem>>, %arg12: memref<1x512xf32, #tpu.memory_space<vmem>>, %arg13: memref<1x8xf32, #tpu.memory_space<vmem>>, %arg14: memref<512x256xf32, #tpu.memory_space<vmem>>, %arg15: memref<512x8xf32, #tpu.memory_space<vmem>>, %arg16: memref<512x16xf32, #tpu.memory_space<vmem>>) attributes {dimension_semantics = [#tpu.dimension_semantics<arbitrary>], iteration_bounds = array<i64: 20>, scalar_prefetch = 0 : i64, scratch_operands = 0 : i64, tpu.core_type = #tpu.core_type<tc>, window_params = [{transform_indices = @transform_0, window_bounds = array<i64: 512, 256>}, {transform_indices = @transform_1, window_bounds = array<i64: 512, 512>}, {transform_indices = @transform_2, window_bounds = array<i64: 512, 128>}, {transform_indices = @transform_3, window_bounds = array<i64: 512, 128>}, {pipeline_mode = #tpu.pipeline_mode<synchronous>, transform_indices = @transform_4, window_bounds = array<i64: 256, 512>}, {pipeline_mode = #tpu.pipeline_mode<synchronous>, transform_indices = @transform_5, window_bounds = array<i64: 512, 512>}, {pipeline_mode = #tpu.pipeline_mode<synchronous>, transform_indices = @transform_6, window_bounds = array<i64: 1, 512>}, {pipeline_mode = #tpu.pipeline_mode<synchronous>, transform_indices = @transform_7, window_bounds = array<i64: 512, 256>}, {pipeline_mode = #tpu.pipeline_mode<synchronous>, transform_indices = @transform_8, window_bounds = array<i64: 1, 256>}, {pipeline_mode = #tpu.pipeline_mode<synchronous>, transform_indices = @transform_9, window_bounds = array<i64: 256, 512>}, {pipeline_mode = #tpu.pipeline_mode<synchronous>, transform_indices = @transform_10, window_bounds = array<i64: 1, 512>}, {pipeline_mode = #tpu.pipeline_mode<synchronous>, transform_indices = @transform_11, window_bounds = array<i64: 1, 512>}, {pipeline_mode = #tpu.pipeline_mode<synchronous>, transform_indices = @transform_12, window_bounds = array<i64: 1, 8>}, {transform_indices = @transform_13, window_bounds = array<i64: 512, 256>}, {transform_indices = @transform_14, window_bounds = array<i64: 512, 8>}, {transform_indices = @transform_15, window_bounds = array<i64: 512, 16>}]} {
    %get3A = arith.constant 0 : index
    %get3A_0 = arith.constant 0 : index
    %get3A_1 = vector.load %arg1[%get3A, %get3A_0] : memref<512x256xf32, #tpu.memory_space<vmem>>, vector<512x256xf32>
    %get3A_2 = arith.constant 0 : index
    %get3A_3 = arith.constant 0 : index
    %get3A_4 = vector.load %arg5[%get3A_2, %get3A_3] : memref<256x512xf32, #tpu.memory_space<vmem>>, vector<256x512xf32>
    %dot_general3A = arith.constant dense<0.000000e+00> : vector<512x512xf32>
    %dot_general3A_5 = tpu.matmul %get3A_1, %get3A_4, %dot_general3A {dimension_numbers = #tpu.dot_dimension_numbers<[1], [0], [0], [1], [0, 0, 1, 1], [], []>, transpose_lhs_hint = false} : vector<512x256xf32>, vector<256x512xf32>, vector<512x512xf32> -> vector<512x512xf32>
    %get3A_6 = arith.constant 0 : index
    %get3A_7 = arith.constant 0 : index
    %get3A_8 = vector.load %arg2[%get3A_6, %get3A_7] : memref<512x512xf32, #tpu.memory_space<vmem>>, vector<512x512xf32>
    %get3A_9 = arith.constant 0 : index
    %get3A_10 = arith.constant 0 : index
    %get3A_11 = vector.load %arg6[%get3A_9, %get3A_10] : memref<512x512xf32, #tpu.memory_space<vmem>>, vector<512x512xf32>
    %dot_general3A_12 = arith.constant dense<0.000000e+00> : vector<512x512xf32>
    %dot_general3A_13 = tpu.matmul %get3A_8, %get3A_11, %dot_general3A_12 {dimension_numbers = #tpu.dot_dimension_numbers<[1], [0], [0], [1], [0, 0, 1, 1], [], []>, transpose_lhs_hint = false} : vector<512x512xf32>, vector<512x512xf32>, vector<512x512xf32> -> vector<512x512xf32>
    %add3A = arith.addf %dot_general3A_5, %dot_general3A_13 : vector<512x512xf32>
    %get3A_14 = arith.constant 0 : index
    %get3A_15 = arith.constant 0 : index
    %get3A_16 = vector.load %arg7[%get3A_14, %get3A_15] : memref<1x512xf32, #tpu.memory_space<vmem>>, vector<1x512xf32>
    %add3A_17 = vector.broadcast %get3A_16 : vector<1x512xf32> to vector<512x512xf32>
    %add3A_18 = arith.addf %add3A, %add3A_17 : vector<512x512xf32>
    %max3A = arith.constant 0.000000e+00 : f32
    %max3A_19 = vector.broadcast %max3A : f32 to vector<512x512xf32>
    %max3A_20 = arith.maximumf %add3A_18, %max3A_19 : vector<512x512xf32>
    %get3A_21 = arith.constant 0 : index
    %get3A_22 = arith.constant 0 : index
    %get3A_23 = vector.load %arg8[%get3A_21, %get3A_22] : memref<512x256xf32, #tpu.memory_space<vmem>>, vector<512x256xf32>
    %dot_general3A_24 = arith.constant dense<0.000000e+00> : vector<512x256xf32>
    %dot_general3A_25 = tpu.matmul %max3A_20, %get3A_23, %dot_general3A_24 {dimension_numbers = #tpu.dot_dimension_numbers<[1], [0], [0], [1], [0, 0, 1, 1], [], []>, transpose_lhs_hint = false} : vector<512x512xf32>, vector<512x256xf32>, vector<512x256xf32> -> vector<512x256xf32>
    %get3A_26 = arith.constant 0 : index
    %get3A_27 = arith.constant 0 : index
    %get3A_28 = vector.load %arg9[%get3A_26, %get3A_27] : memref<1x256xf32, #tpu.memory_space<vmem>>, vector<1x256xf32>
    %add3A_29 = vector.broadcast %get3A_28 : vector<1x256xf32> to vector<512x256xf32>
    %add3A_30 = arith.addf %dot_general3A_25, %add3A_29 : vector<512x256xf32>
    %swap3A = arith.constant 0 : index
    %swap3A_31 = arith.constant 0 : index
    %swap3A_32 = vector.load %arg14[%swap3A, %swap3A_31] : memref<512x256xf32, #tpu.memory_space<vmem>>, vector<512x256xf32>
    tpu.vector_store %arg14[%swap3A, %swap3A_31], %add3A_30 {strides = array<i32>} : memref<512x256xf32, #tpu.memory_space<vmem>>, vector<512x256xf32>,
    %get3A_33 = arith.constant 0 : index
    %get3A_34 = arith.constant 0 : index
    %get3A_35 = vector.load %arg10[%get3A_33, %get3A_34] : memref<256x512xf32, #tpu.memory_space<vmem>>, vector<256x512xf32>
    %dot_general3A_36 = arith.constant dense<0.000000e+00> : vector<512x512xf32>
    %dot_general3A_37 = tpu.matmul %get3A_1, %get3A_35, %dot_general3A_36 {dimension_numbers = #tpu.dot_dimension_numbers<[1], [0], [0], [1], [0, 0, 1, 1], [], []>, transpose_lhs_hint = false} : vector<512x256xf32>, vector<256x512xf32>, vector<512x512xf32> -> vector<512x512xf32>
    %get3A_38 = arith.constant 0 : index
    %get3A_39 = arith.constant 0 : index
    %get3A_40 = vector.load %arg11[%get3A_38, %get3A_39] : memref<1x512xf32, #tpu.memory_space<vmem>>, vector<1x512xf32>
    %add3A_41 = vector.broadcast %get3A_40 : vector<1x512xf32> to vector<512x512xf32>
    %add3A_42 = arith.addf %dot_general3A_37, %add3A_41 : vector<512x512xf32>
    %max3A_43 = arith.constant 0.000000e+00 : f32
    %max3A_44 = vector.broadcast %max3A_43 : f32 to vector<512x512xf32>
    %max3A_45 = arith.maximumf %add3A_42, %max3A_44 : vector<512x512xf32>
    %get3A_46 = arith.constant 0 : index
    %get3A_47 = arith.constant 0 : index
    %get3A_48 = vector.load %arg12[%get3A_46, %get3A_47] : memref<1x512xf32, #tpu.memory_space<vmem>>, vector<1x512xf32>
    %mul3A = vector.broadcast %get3A_48 : vector<1x512xf32> to vector<512x512xf32>
    %mul3A_49 = arith.mulf %max3A_45, %mul3A : vector<512x512xf32>
    %reduce_sum3A = arith.constant dense<0.000000e+00> : vector<512xf32>
    %reduce_sum3A_50 = vector.multi_reduction <add>, %mul3A_49, %reduce_sum3A [1] : vector<512x512xf32> to vector<512xf32>
    %broadcast_in_dim3A = vector.shape_cast %reduce_sum3A_50 : vector<512xf32> to vector<512x1xf32>
    %broadcast_in_dim3A_51 = vector.shape_cast %broadcast_in_dim3A : vector<512x1xf32> to vector<512x1xf32>
    %broadcast_in_dim3A_52 = vector.broadcast %broadcast_in_dim3A_51 : vector<512x1xf32> to vector<512x8xf32>
    %get3A_53 = arith.constant 0 : index
    %get3A_54 = arith.constant 0 : index
    %get3A_55 = vector.load %arg13[%get3A_53, %get3A_54] : memref<1x8xf32, #tpu.memory_space<vmem>>, vector<1x8xf32>
    %add3A_56 = vector.broadcast %get3A_55 : vector<1x8xf32> to vector<512x8xf32>
    %add3A_57 = arith.addf %broadcast_in_dim3A_52, %add3A_56 : vector<512x8xf32>
    %swap3A_58 = arith.constant 0 : index
    %swap3A_59 = arith.constant 0 : index
    %swap3A_60 = vector.load %arg15[%swap3A_58, %swap3A_59] : memref<512x8xf32, #tpu.memory_space<vmem>>, vector<512x8xf32>
    tpu.vector_store %arg15[%swap3A_58, %swap3A_59], %add3A_57 {strides = array<i32>} : memref<512x8xf32, #tpu.memory_space<vmem>>, vector<512x8xf32>,
    %get3A_61 = arith.constant 0 : index
    %get3A_62 = arith.constant 0 : index
    %get3A_63 = vector.load %arg3[%get3A_61, %get3A_62] : memref<512x128xf32, #tpu.memory_space<vmem>>, vector<512x128xf32>
    %get3A_64 = arith.constant 0 : index
    %get3A_65 = arith.constant 0 : index
    %get3A_66 = vector.load %arg4[%get3A_64, %get3A_65] : memref<512x128xf32, #tpu.memory_space<vmem>>, vector<512x128xf32>
    %add3A_67 = arith.addf %get3A_63, %get3A_66 : vector<512x128xf32>
    %slice3A = vector.extract_strided_slice %add3A_67 {offsets = [0, 3], sizes = [512, 1], strides = [1, 1]} : vector<512x128xf32> to vector<512x1xf32>
    %max3A_68 = arith.constant 1.000000e+00 : f32
    %max3A_69 = vector.broadcast %max3A_68 : f32 to vector<512x1xf32>
    %max3A_70 = arith.maximumf %slice3A, %max3A_69 : vector<512x1xf32>
    %slice3A_71 = vector.extract_strided_slice %add3A_67 {offsets = [0, 0], sizes = [512, 16], strides = [1, 1]} : vector<512x128xf32> to vector<512x16xf32>
    %div3A = arith.constant 1.000000e+00 : f32
    %div3A_72 = vector.broadcast %div3A : f32 to vector<512x1xf32>
    %div3A_73 = arith.divf %div3A_72, %max3A_70 : vector<512x1xf32>
    %mul3A_74 = vector.broadcast %div3A_73 : vector<512x1xf32> to vector<512x16xf32>
    %mul3A_75 = arith.mulf %slice3A_71, %mul3A_74 : vector<512x16xf32>
    %swap3A_76 = arith.constant 0 : index
    %swap3A_77 = arith.constant 0 : index
    %swap3A_78 = vector.load %arg16[%swap3A_76, %swap3A_77] : memref<512x16xf32, #tpu.memory_space<vmem>>, vector<512x16xf32>
    tpu.vector_store %arg16[%swap3A_76, %swap3A_77], %mul3A_75 {strides = array<i32>} : memref<512x16xf32, #tpu.memory_space<vmem>>, vector<512x16xf32>,
    return
  }
  func.func @transform_0(%arg0: i32) -> (i32, i32) {
    %c0_i32 = arith.constant 0 : i32
    %c0_i32_0 = arith.constant 0 : i32
    return %arg0, %c0_i32 : i32, i32
  }
  func.func @transform_1(%arg0: i32) -> (i32, i32) {
    %c0_i32 = arith.constant 0 : i32
    %c0_i32_0 = arith.constant 0 : i32
    return %arg0, %c0_i32 : i32, i32
  }
  func.func @transform_2(%arg0: i32) -> (i32, i32) {
    %c0_i32 = arith.constant 0 : i32
    %c0_i32_0 = arith.constant 0 : i32
    return %arg0, %c0_i32 : i32, i32
  }
  func.func @transform_3(%arg0: i32) -> (i32, i32) {
    %add3A = arith.constant 20 : i32
    %add3A_0 = arith.addi %add3A, %arg0 : i32
    %c0_i32 = arith.constant 0 : i32
    %c0_i32_1 = arith.constant 0 : i32
    return %add3A_0, %c0_i32 : i32, i32
  }
  func.func @transform_4(%arg0: i32) -> (i32, i32) {
    %c0_i32 = arith.constant 0 : i32
    %c0_i32_0 = arith.constant 0 : i32
    %c0_i32_1 = arith.constant 0 : i32
    return %c0_i32, %c0_i32_0 : i32, i32
  }
  func.func @transform_5(%arg0: i32) -> (i32, i32) {
    %c0_i32 = arith.constant 0 : i32
    %c0_i32_0 = arith.constant 0 : i32
    %c0_i32_1 = arith.constant 0 : i32
    return %c0_i32, %c0_i32_0 : i32, i32
  }
  func.func @transform_6(%arg0: i32) -> (i32, i32) {
    %c0_i32 = arith.constant 0 : i32
    %c0_i32_0 = arith.constant 0 : i32
    %c0_i32_1 = arith.constant 0 : i32
    return %c0_i32, %c0_i32_0 : i32, i32
  }
  func.func @transform_7(%arg0: i32) -> (i32, i32) {
    %c0_i32 = arith.constant 0 : i32
    %c0_i32_0 = arith.constant 0 : i32
    %c0_i32_1 = arith.constant 0 : i32
    return %c0_i32, %c0_i32_0 : i32, i32
  }
  func.func @transform_8(%arg0: i32) -> (i32, i32) {
    %c0_i32 = arith.constant 0 : i32
    %c0_i32_0 = arith.constant 0 : i32
    %c0_i32_1 = arith.constant 0 : i32
    return %c0_i32, %c0_i32_0 : i32, i32
  }
  func.func @transform_9(%arg0: i32) -> (i32, i32) {
    %c0_i32 = arith.constant 0 : i32
    %c0_i32_0 = arith.constant 0 : i32
    %c0_i32_1 = arith.constant 0 : i32
    return %c0_i32, %c0_i32_0 : i32, i32
  }
  func.func @transform_10(%arg0: i32) -> (i32, i32) {
    %c0_i32 = arith.constant 0 : i32
    %c0_i32_0 = arith.constant 0 : i32
    %c0_i32_1 = arith.constant 0 : i32
    return %c0_i32, %c0_i32_0 : i32, i32
  }
  func.func @transform_11(%arg0: i32) -> (i32, i32) {
    %c0_i32 = arith.constant 0 : i32
    %c0_i32_0 = arith.constant 0 : i32
    %c0_i32_1 = arith.constant 0 : i32
    return %c0_i32, %c0_i32_0 : i32, i32
  }
  func.func @transform_12(%arg0: i32) -> (i32, i32) {
    %c0_i32 = arith.constant 0 : i32
    %c0_i32_0 = arith.constant 0 : i32
    %c0_i32_1 = arith.constant 0 : i32
    return %c0_i32, %c0_i32_0 : i32, i32
  }
  func.func @transform_13(%arg0: i32) -> (i32, i32) {
    %c0_i32 = arith.constant 0 : i32
    %c0_i32_0 = arith.constant 0 : i32
    return %arg0, %c0_i32 : i32, i32
  }
  func.func @transform_14(%arg0: i32) -> (i32, i32) {
    %c0_i32 = arith.constant 0 : i32
    %c0_i32_0 = arith.constant 0 : i32
    return %arg0, %c0_i32 : i32, i32
  }
  func.func @transform_15(%arg0: i32) -> (i32, i32) {
    %c0_i32 = arith.constant 0 : i32
    %c0_i32_0 = arith.constant 0 : i32
    return %arg0, %c0_i32 : i32, i32
  }
}

</mosaic_0001>

<sc_bundles>
// kernel: kernel.6.cloned.1.call-start
scs
__scs_entry_jumppad:
0x0: {  	(pc) =	sbr.rel $0x88, $3  }
0x1: {  	(tag) =	ssettag $0x0;
	lr =	simm.s32 $0x1  }
0x2: {  	[smem:$0x3F8F] =	sst lr;
	_ =	strace $0xD0000000  }
0x3: {  	_ = 	snop  }
0x4: {  	_ = 	snop  }
0x5: {  	_ = 	snop  }
0x6: {  	_ = 	snop  }
0x7: {  	_ = 	snop  }
__scs_overlays_trampoline_lowered:
0x8: {  	[smem:$0x3F9E] =	sst s0  }
0x9: {  	[smem:$0x3F9F] =	sst s1  }
0xa: {  	[smem:$0x3FA0] =	sst s2  }
0xb: {  	[smem:$0x3FA1] =	sst s3  }
0xc: {  	[smem:$0x3FA2] =	sst s4  }
0xd: {  	[smem:$0x3FA3] =	sst s5  }
0xe: {  	[smem:$0x3FA4] =	sst s6  }
0xf: {  	[smem:$0x3FA5] =	sst s7  }
0x10: {  	[smem:$0x3FA6] =	sst s8  }
0x11: {  	[smem:$0x3FA7] =	sst s9;
	s0 =	simm.s32 @!p0 $0x0  }
0x12: {  	s1 =	sld [smem:$0x3F8D];
	s0 =	simm.s32 @p0 $0x1  }
0x13: {  	[smem:$0x3FA8] =	sst s0;
	s0 =	simm.s32 @!p1 $0x0  }
0x14: {  	s2 =	sld [smem:$0x3F8C];
	s0 =	simm.s32 @p1 $0x1  }
0x15: {  	[smem:$0x3FA9] =	sst s0;
	s0 =	simm.s32 @!p2 $0x0  }
0x16: {  	s3 =	sld [smem:$0x3FDB];
	s0 =	simm.s32 @p2 $0x1  }
0x17: {  	s4 =	simm.s32 $0x1BF5;
	[smem:$0x3FAB] =	sst s0  }
0x18: {  	s0 =	sld [smem:$0x3F8E];
	_ =	swait.ge [sflag:s4], $0x0  }
0x19: {  	s7 =	sld [smem:$0x3F8F]  }
0x1a: {  	s8 =	sadd.s32 $0xFFFFE003, lr  }
0x1b: {  	s9 =	sadd.s32 $0xFFFFFEF7, lr;
	s5 =	simm.s32 $0xFFFFFFFF;
	p2 =	slt.u32 s8, $0xFFFFF086  }
0x1c: {  	p1 =	slt.u32 s9, $0xF7A;
	s5 =	simm.s32 @!p2 $0x0  }
0x1d: {  	s5 =	simm.s32 @p1 $0x1;
	p0 =	seq.s32 s7, s2  }
0x1e: {  	s7 =	smul.u32 @!p0 $0xF7A, s2;
	p2 =	seq.s32 @!p0 s5, $0x0  }
0x1f: {  	s9 =	smul.u32 $0xF7A, s1;
	s8 =	simm.s32 @!p0 $0x1BF5;
	p2 =	por !p2, p0  }
0x20: {  	[sflag:s8] =	ssyncset.s32 @!p0 $0xFFFFF086;
	s6 =	sadd.s32 @!p0 s3, s7;
	s7 =	simm.s32 @!p0 $0x108  }
0x21: {  	s3 =	sadd.s32 s3, s9;
	s6 =	sadd.s32 @!p0 $0x88, s6;
	s7 =	simm.s32 @p2 $0x1082  }
0x22: {  	[simem:s7], [sflag:s8] =	dma.local @!p0 [hbm:s6], $0xF7A  }
0x23: {  	s9 =	sor.u32 $0xD0000000, s2;
	s6 =	simm.s32 $0x108;
	_ =	swait.ge @!p0 [sflag:s8], $0x0  }
0x24: {  	s3 =	sadd.s32 $0x88, s3;
	s6 =	simm.s32 @!p1 $0x1082;
	[sflag:s4] =	ssyncset.s32 $0xFFFFF086  }
0x25: {  	[simem:s6], [sflag:s4] =	dma.local [hbm:s3], $0xF7A  }
0x26: {  	[smem:$0x3F8F] =	sst s1;
	(tag) =	ssettag s2;
	_ =	strace s9  }
0x27: {  	s1 =	sld [smem:$0x3F9F]  }
0x28: {  	s2 =	sld [smem:$0x3FA0]  }
0x29: {  	s4 =	sld [smem:$0x3FA2]  }
0x2a: {  	p0 =	seq.s32 s5, $0x0;
	s5 =	sld [smem:$0x3FA3]  }
0x2b: {  	s6 =	sld [smem:$0x3FA4]  }
0x2c: {  	s7 =	sld [smem:$0x3FA5]  }
0x2d: {  	s3 =	simm.s32 $0x108;
	s8 =	sld [smem:$0x3FA6]  }
0x2e: {  	s3 =	simm.s32 @!p0 $0x1082;
	s9 =	sld [smem:$0x3FA7]  }
0x2f: {  	lr =	sadd.s32 s0, s3;
	s0 =	sld [smem:$0x3F9E]  }
0x30: {  	s3 =	sld [smem:$0x3FA1]  }
0x31: {  	[smem:$0x3FAA] =	sst s10  }
0x32: {  	s10 =	sld [smem:$0x3FA8];
	_ =	sdelay $0x3  }
0x33: {  	p0 =	seq.s32 s10, $0x1;
	s10 =	sld [smem:$0x3FAA];
	_ =	sdelay $0x3  }
0x34: {  	[smem:$0x3FAA] =	sst s10  }
0x35: {  	s10 =	sld [smem:$0x3FA9];
	_ =	sdelay $0x3  }
0x36: {  	p1 =	seq.s32 s10, $0x1;
	s10 =	sld [smem:$0x3FAA];
	_ =	sdelay $0x3  }
0x37: {  	[smem:$0x3FAA] =	sst s10  }
0x38: {  	s10 =	sld [smem:$0x3FAB]  }
0x39: {  	_ = 	snop;
	(pc) =	sbr.ind lr, $3  }
0x3a: {  	_ = 	snop  }
0x3b: {  	_ = 	snop  }
0x3c: {  	p2 =	seq.s32 s10, $0x1;
	s10 =	sld [smem:$0x3FAA]  }
0x3d: {  	_ =	shalt  }
0x3e: {  	_ =	shalt  }
0x3f: {  	_ =	shalt  }
0x40: {  	_ =	shalt  }
0x41: {  	_ =	shalt  }
0x42: {  	_ =	shalt  }
0x43: {  	_ =	shalt  }
0x44: {  	_ =	shalt  }
0x45: {  	_ =	shalt  }
0x46: {  	_ =	shalt  }
0x47: {  	_ =	shalt  }
0x48: {  	_ =	shalt  }
0x49: {  	_ =	shalt  }
0x4a: {  	_ =	shalt  }
0x4b: {  	_ =	shalt  }
0x4c: {  	_ =	shalt  }
0x4d: {  	_ =	shalt  }
0x4e: {  	_ =	shalt  }
0x4f: {  	_ =	shalt  }
0x50: {  	_ =	shalt  }
0x51: {  	_ =	shalt  }
0x52: {  	_ =	shalt  }
0x53: {  	_ =	shalt  }
0x54: {  	_ =	shalt  }
0x55: {  	_ =	shalt  }
0x56: {  	_ =	shalt  }
0x57: {  	_ =	shalt  }
0x58: {  	_ =	shalt  }
0x59: {  	_ =	shalt  }
0x5a: {  	_ =	shalt  }
0x5b: {  	_ =	shalt  }
0x5c: {  	_ =	shalt  }
0x5d: {  	_ =	shalt  }
0x5e: {  	_ =	shalt  }
0x5f: {  	_ =	shalt  }
0x60: {  	_ =	shalt  }
0x61: {  	_ =	shalt  }
0x62: {  	_ =	shalt  }
0x63: {  	_ =	shalt  }
0x64: {  	_ =	shalt  }
0x65: {  	_ =	shalt  }
0x66: {  	_ =	shalt  }
0x67: {  	_ =	shalt  }
0x68: {  	_ =	shalt  }
0x69: {  	_ =	shalt  }
0x6a: {  	_ =	shalt  }
0x6b: {  	_ =	shalt  }
0x6c: {  	_ =	shalt  }
0x6d: {  	_ =	shalt  }
0x6e: {  	_ =	shalt  }
0x6f: {  	_ =	shalt  }
0x70: {  	_ =	shalt  }
0x71: {  	_ =	shalt  }
0x72: {  	_ =	shalt  }
0x73: {  	_ =	shalt  }
0x74: {  	_ =	shalt  }
0x75: {  	_ =	shalt  }
0x76: {  	_ =	shalt  }
0x77: {  	_ =	shalt  }
0x78: {  	_ =	shalt  }
0x79: {  	_ =	shalt  }
0x7a: {  	_ =	shalt  }
0x7b: {  	_ =	shalt  }
0x7c: {  	_ =	shalt  }
0x7d: {  	_ =	shalt  }
0x7e: {  	_ =	shalt  }
0x7f: {  	_ =	shalt  }
0x80: {  	_ =	shalt  }
0x81: {  	_ =	shalt  }
0x82: {  	_ =	shalt  }
0x83: {  	_ =	shalt  }
0x84: {  	_ =	shalt  }
0x85: {  	_ =	shalt  }
0x86: {  	_ =	shalt  }
0x87: {  	_ =	shalt  }
.Lfunc_end0:
.L_simem_size_0:
called_computation_lowered:
.L_overlay_start_0:
0x88: {  	s2 =	sld [smem:$0x3FD9]  }
0x89: {  	s3 =	sld [smem:$0x3FFE];
	_ =	sdelay $0x1  }
0x8a: {  	s1 =	srdreg.scid  }
0x8b: {  	s0 =	sand.u32 $0x1, s1  }
0x8c: {  	s14 =	sshll.u32 s0, $0xA;
	s2 =	sadd.s32 s3, s2  }
0x8d: {  	s2 =	sadd.s32 s2, s14  }
0x8e: {  	[smem:$0x3FB6] =	sst s2  }
0x8f: {  	_ = 	snop  }
0x90: {  	s2 =	sld [smem:$0x3FD0];
	_ =	sdelay $0x2  }
0x91: {  	s15 =	simm.s32 $0xA;
	s4 =	simm.s32 $0x10  }
0x92: {  	[smem:s4], [sflag:s15] =	dma.local [hbm:s2], $0x1  }
0x93: {  	_ =	swait.eq [sflag:s15], $0x1  }
0x94: {  	[sflag:s15] =	ssyncset.done $0x0  }
0x95: {  	[sflag:s15] =	ssyncadd.s32 $0xFFFFFFFF  }
0x96: {  	s16 =	sld [smem:$0x12];
	(tm) =	ssettm $0x1  }
0x97: {  	s17 =	sld [smem:$0x3FFB];
	_ =	sdelay $0x3  }
0x98: {  	_ =	strace s17  }
0x99: {  	s3 =	sld [smem:$0x3FFC];
	_ =	sdelay $0x3  }
0x9a: {  	_ =	strace s3  }
0x9b: {  	s3 =	sld [smem:$0x3FFD];
	_ =	sdelay $0x3  }
0x9c: {  	_ =	strace s3  }
0x9d: {  	_ =	strace $0x8FFFFFFF  }
0x9e: {  	s18 =	sld [smem:$0x3FDB];
	_ =	sdelay $0x1  }
0x9f: {  	s19 =	simm.s32 $_scs_section_size  }
0xa0: {  	s5 =	simm.s32 $_size__tile_overlayer_lowered;
	s6 =	simm.s32 $_tile_overlayer_lowered  }
0xa1: {  	s22 =	simm.s32 $0x1BFF;
	s21 =	sshll.u32 s6, $0x1;
	s3 =	sadd.s32 s19, s18  }
0xa2: {  	s7 =	simm.s32 $0x0;
	s20 =	sshll.u32 s5, $0x1;
	s5 =	sadd.s32 s21, s3  }
0xa3: {  	[timem:s7], [sflag:s22] =	dma.local [hbm:s5], s20  }
0xa4: {  	_ =	swait.ge [sflag:s22], s20  }
0xa5: {  	s4 =	ssub.s32 $0x0, s20;
	[sflag:s22] =	ssyncset.done $0x0  }
0xa6: {  	[sflag:s22] =	ssyncadd.s32 s4;
	_ =	sdelay $0x1  }
0xa7: {  	s23 =	simm.s32 $0x1B8B  }
0xa8: {  	_ =	swait.ge [sflag:s23], $0x1  }
0xa9: {  	[sflag:s23] =	ssyncset.done $0x0  }
0xaa: {  	s25 =	simm.s32 $0x1B8E;
	s24 =	sld [smem:$0x3FFE];
	[sflag:s23] =	ssyncadd.s32 $0xFFFFFFFF  }
0xab: {  	s26 =	simm.s32 $execute0_lowered;
	[smem:$0x3FD2] =	sst s25  }
0xac: {  	s5 =	sshll.u32 s26, $0x1;
	_ =	strace $0x80000046;
	[dreg:$0x1] =	wrdreg $0xFFFFFFFF  }
0xad: {  	s28 =	simm.s32 $_size_execute0_lowered;
	s3 =	sadd.s32 s3, s5;
	[dreg:$0x0] =	wrdreg $0x0  }
0xae: {  	s5 =	sshll.u32 s28, $0x1;
	[dreg:$0x2] =	wrdreg s3  }
0xaf: {  	[dreg:$0x3] =	wrdreg s5  }
0xb0: {  	[dreg:$0x4] =	wrdreg $0xC0  }
0xb1: {  	_ =	task [dreg:s7], $0x5FFFF  }
0xb2: {  	[dreg:$0x1] =	wrdreg $0xFFFFFFFF  }
0xb3: {  	[dreg:$0x0] =	wrdreg $0x60  }
0xb4: {  	[dreg:$0x2] =	wrdreg s16  }
0xb5: {  	[dreg:$0x3] =	wrdreg s24  }
0xb6: {  	[dreg:$0x4] =	wrdreg $0x9  }
0xb7: {  	_ =	task.clear_ibuf [dreg:s7], $0x5FFFF;
	_ =	strace $0x90000046  }
0xb8: {  	s29 =	simm.s32 $0x9;
	_ =	strace $0x80000048  }
0xb9: {  	_ =	swait.ge [sflag:s29], $0x1  }
0xba: {  	[sflag:s29] =	ssyncadd.s32 $0xFFFFFFFF  }
0xbb: {  	_ =	strace $0x90000048  }
0xbc: {  	_ =	sfence  }
0xbd: {  	s30 =	sld [smem:$0x0];
	_ =	sdelay $0x2  }
0xbe: {  	s31 =	sshll.u32 s1, $0xD;
	s1 =	sshrl.u32 s1, $0x2  }
0xbf: {  	s3 =	sand.u32 $0x4000, s31;
	s1 =	sadd.s32 s1, s30  }
0xc0: {  	s0 =	sor.u32 s3, s0;
	s1 =	sshll.u32 s1, $0x11  }
0xc1: {  	s0 =	sor.u32 s1, s0  }
0xc2: {  	s0 =	sadd.s32 $0x8F2B, s0  }
0xc3: {  	[sflag:s0] =	ssyncadd.remote.s32 $0x1  }
0xc4: {  	_ =	sfence.sel $0xFFFF  }
0xc5: {  	[dreg:$0x0] =	wrdreg $0xFFFFFFFF;
	(pc) =	sbr.abs _section_cstart, $3  }
0xc6: {  	[dreg:$0x1] =	wrdreg $0xFFFFFFFF  }
0xc7: {  	_ =	task.clear_ibuf [dreg:s7], $0x2FFFF;
	_ =	strace $0x9FFFFFFF  }
0xc8: {  	(tm) =	ssettm $0x7FFFFFFF  }
0xc9: {  	_ =	shalt  }
tec
execute0_lowered:
.L_overlay_start_1:
0x0: {  	(tag) =	ssettag $0x1  }
0x1: {  	s0 =	srdreg.scid;
	s4 =	rddreg [dreg:$0x0]  }
0x2: {  	s2 =	stileid.u32;
	s5 =	rddreg [dreg:$0x1];
	s12 =	simm.s32 $0x3  }
0x3: {  	s13 =	simm.s32 $0x1400;
	s14 =	simm.s32 $0x4C00;
	s15 =	simm.s32 $0x5000  }
0x4: {  	s16 =	simm.s32 $0x5800;
	s17 =	simm.s32 $0x5C00;
	s18 =	simm.s32 $0x6400  }
0x5: {  	s20 =	simm.s32 $0x6800;
	s29 =	simm.s32 $0x8C00;
	s30 =	simm.s32 $0x9400  }
0x6: {  	s31 =	simm.s32 $0x9800;
	s19 =	simm.s32 $0xD400;
	s28 =	simm.s32 $0x2  }
0x7: {  	s0 =	sand.u32 $0x1, s0;
	s1 =	sshll.u32 s2, $0x1;
	s3 =	smul.u32 $0x2800, s2  }
0x8: {  	s2 =	simm.s32 $0x0;
	s8 =	sadd.s32 $0x82400, s5;
	s10 =	sadd.s32 $0x802400, s5  }
0x9: {  	s1 =	sor.u32 s0, s1;
	s6 =	smul.u32 $0x1400, s0;
	[smem:$0x7FF] =	sst s2  }
0xa: {  	s0 =	ssub.s32 $0x2, s0;
	s1 =	smul.u32 $0x1400, s1;
	_ =	strace $0x80000047  }
0xb: {  	s11 =	sshrl.u32 s0, $0x1;
	s6 =	sadd.s32 s6, s3;
	s3 =	sadd.s32 $0xD000, s5  }
0xc: {  	s0 =	ssub.s32 s0, s11;
	s11 =	simm.s32 $0x4400;
	s1 =	sshrl.u32 s1, $0x3  }
0xd: {  	s9 =	sor.u32 $0x80, s6;
	s6 =	sshrl.u32 s6, $0x3;
	s0 =	smax.u32 s0, $0x1  }
0xe: {  	s7 =	sadd.s32 s1, s5;
	s9 =	sshrl.u32 s9, $0x3;
	s1 =	sadd.s32 s4, s1  }
0xf: {  	s21 =	smul.u32 $0x180, s6;
	s5 =	sadd.s32 $0xD100, s5;
	[dreg:$0x5] =	wrdreg s0  }
0x10: {  	s0 =	simm.s32 $0x1C00;
	s4 =	simm.s32 $0x2000;
	s6 =	simm.s32 $0x2800  }
0x11: {  	s9 =	smul.u32 $0x180, s9;
	[dreg:$0x3] =	wrdreg s1;
	s22 =	sadd.s32 $0x8000, s7  }
0x12: {  	s7 =	simm.s32 $0x2C00;
	s1 =	simm.s32 $0x0;
	[dreg:$0x4] =	wrdreg s22  }
0x13: {  	s24 =	sadd.s32 s21, s8;
	s26 =	sadd.s32 s21, s10;
	[dreg:$0xa] =	wrdreg s1  }
0x14: {  	s21 =	simm.s32 $0x7000;
	s22 =	simm.s32 $0x7400;
	[dreg:$0x7] =	wrdreg s24  }
0x15: {  	s23 =	sadd.s32 s9, s8;
	s25 =	sadd.s32 s9, s10;
	[dreg:$0x9] =	wrdreg s26  }
0x16: {  	v2 =	vlaneseq.u32;
	s8 =	simm.s32 $0x3400;
	s9 =	simm.s32 $0x3800;
	s10 =	simm.s32 $0x4000  }
0x17: {  	vm0 =	vmmov $0xffff;
	vm1 =	vmmov $0xff;
	v1 =	vshrl.u32 v2, $0x3;
	s24 =	simm.s32 $0x8000;
	s26 =	simm.s32 $0x1;
	[dreg:$0x6] =	wrdreg s23  }
0x18: {  	v0 =	vand.u32 $0x7, v2;
	v2 =	vor.u32 $0x8, v2;
	v1 =	vmul.u32 $0x8, v1;
	[dreg:$0x8] =	wrdreg s25;
	s23 =	simm.s32 $0x7C00;
	s25 =	simm.s32 $0x8800  }
.LBB2_1:
0x19: {  	s1 =	rddreg [dreg:$0x3]  }
0x1a: {  	[tilespmem:s2], [sflag:$0x3] =	stream.linear.gather [hbm4b:s1+s2], $0x1400, $0x38;
	[tilespmem:$0x19400] =	vst v63  }
0x1b: {  	_ =	swait.ge [sflag:s12], $0x1400  }
0x1c: {  	[sflag:s12] =	ssyncset.done $0x0  }
0x1d: {  	[sflag:s12] =	ssyncadd.s32 $0xFFFFEC00  }
0x1e: {  	v3 =	vld [tilespmem:$0x0];
	_ =	sdelay $0x4  }
0x1f: {  	v4 =	vshrl.u32 v3, $0x3  }
0x20: {  	v4 =	vmul.u32 $0x18, v4  }
0x21: {  	v3 =	vand.u32 $0x7, v3  }
0x22: {  	v3 =	vor.u32 v3, v4  }
0x23: {  	v4 =	vperm.xlane v3, v0;
	_ =	sdelay $0x1  }
0x24: {  	v4 =	vadd.s32 v1, v4;
	_ =	sdelay $0x1  }
0x25: {  	v3 =	vperm.xlane v3, v2;
	_ =	sdelay $0x1  }
0x26: {  	v3 =	vadd.s32 v1, v3  }
0x27: {  	[tilespmem:s13], [sflag:$0x1] =	stream.indirect_vreg.gather [hbm4b:s3+s2], $0x80, v4, vm0, $0xb8;
	[tilespmem:$0x19400] =	vst v63  }
0x28: {  	_ = 	snop  }
0x29: {  	[tilespmem:s0], [sflag:$0x1] =	stream.indirect_vreg.gather [hbm4b:s5+s2], $0x80, v4, vm1, $0xb8;
	[tilespmem:$0x19400] =	vst v63  }
0x2a: {  	_ = 	snop  }
0x2b: {  	[tilespmem:s4], [sflag:$0x1] =	stream.indirect_vreg.gather [hbm4b:s3+s2], $0x80, v3, vm0, $0xb8;
	[tilespmem:$0x19400] =	vst v63  }
0x2c: {  	_ = 	snop  }
0x2d: {  	[tilespmem:s6], [sflag:$0x1] =	stream.indirect_vreg.gather [hbm4b:s5+s2], $0x80, v3, vm1, $0xb8;
	[tilespmem:$0x19400] =	vst v63  }
0x2e: {  	v3 =	vld [tilespmem:$0x10];
	_ =	sdelay $0x4  }
0x2f: {  	v49 =	vshrl.u32 v3, $0x3  }
0x30: {  	v4 =	vmul.u32 $0x18, v49  }
0x31: {  	v3 =	vand.u32 $0x7, v3  }
0x32: {  	v3 =	vor.u32 v3, v4  }
0x33: {  	v4 =	vperm.xlane v3, v0;
	_ =	sdelay $0x1  }
0x34: {  	v4 =	vadd.s32 v1, v4;
	_ =	sdelay $0x1  }
0x35: {  	v3 =	vperm.xlane v3, v2;
	_ =	sdelay $0x1  }
0x36: {  	v3 =	vadd.s32 v1, v3  }
0x37: {  	[tilespmem:s7], [sflag:$0x1] =	stream.indirect_vreg.gather [hbm4b:s3+s2], $0x80, v4, vm0, $0xb8;
	[tilespmem:$0x19400] =	vst v63  }
0x38: {  	_ = 	snop  }
0x39: {  	[tilespmem:s8], [sflag:$0x1] =	stream.indirect_vreg.gather [hbm4b:s5+s2], $0x80, v4, vm1, $0xb8;
	[tilespmem:$0x19400] =	vst v63  }
0x3a: {  	_ = 	snop  }
0x3b: {  	[tilespmem:s9], [sflag:$0x1] =	stream.indirect_vreg.gather [hbm4b:s3+s2], $0x80, v3, vm0, $0xb8;
	[tilespmem:$0x19400] =	vst v63  }
0x3c: {  	_ = 	snop  }
0x3d: {  	[tilespmem:s10], [sflag:$0x1] =	stream.indirect_vreg.gather [hbm4b:s5+s2], $0x80, v3, vm1, $0xb8;
	[tilespmem:$0x19400] =	vst v63  }
0x3e: {  	v3 =	vld [tilespmem:$0x20];
	_ =	sdelay $0x4  }
0x3f: {  	v50 =	vshrl.u32 v3, $0x3  }
0x40: {  	v4 =	vmul.u32 $0x18, v50  }
0x41: {  	v3 =	vand.u32 $0x7, v3  }
0x42: {  	v3 =	vor.u32 v3, v4  }
0x43: {  	v4 =	vperm.xlane v3, v0;
	_ =	sdelay $0x1  }
0x44: {  	v4 =	vadd.s32 v1, v4;
	_ =	sdelay $0x1  }
0x45: {  	v3 =	vperm.xlane v3, v2;
	_ =	sdelay $0x1  }
0x46: {  	v3 =	vadd.s32 v1, v3  }
0x47: {  	[tilespmem:s11], [sflag:$0x1] =	stream.indirect_vreg.gather [hbm4b:s3+s2], $0x80, v4, vm0, $0xb8;
	[tilespmem:$0x19400] =	vst v63  }
0x48: {  	_ = 	snop  }
0x49: {  	[tilespmem:s14], [sflag:$0x1] =	stream.indirect_vreg.gather [hbm4b:s5+s2], $0x80, v4, vm1, $0xb8;
	[tilespmem:$0x19400] =	vst v63  }
0x4a: {  	_ = 	snop  }
0x4b: {  	[tilespmem:s15], [sflag:$0x1] =	stream.indirect_vreg.gather [hbm4b:s3+s2], $0x80, v3, vm0, $0xb8;
	[tilespmem:$0x19400] =	vst v63  }
0x4c: {  	_ = 	snop  }
0x4d: {  	[tilespmem:s16], [sflag:$0x1] =	stream.indirect_vreg.gather [hbm4b:s5+s2], $0x80, v3, vm1, $0xb8;
	[tilespmem:$0x19400] =	vst v63  }
0x4e: {  	v3 =	vld [tilespmem:$0x30];
	_ =	sdelay $0x4  }
0x4f: {  	v51 =	vshrl.u32 v3, $0x3  }
0x50: {  	v4 =	vmul.u32 $0x18, v51  }
0x51: {  	v3 =	vand.u32 $0x7, v3  }
0x52: {  	v3 =	vor.u32 v3, v4  }
0x53: {  	v4 =	vperm.xlane v3, v0;
	_ =	sdelay $0x1  }
0x54: {  	v4 =	vadd.s32 v1, v4;
	_ =	sdelay $0x1  }
0x55: {  	v3 =	vperm.xlane v3, v2;
	_ =	sdelay $0x1  }
0x56: {  	v3 =	vadd.s32 v1, v3  }
0x57: {  	[tilespmem:s17], [sflag:$0x1] =	stream.indirect_vreg.gather [hbm4b:s3+s2], $0x80, v4, vm0, $0xb8;
	[tilespmem:$0x19400] =	vst v63  }
0x58: {  	_ = 	snop  }
0x59: {  	[tilespmem:s18], [sflag:$0x1] =	stream.indirect_vreg.gather [hbm4b:s5+s2], $0x80, v4, vm1, $0xb8;
	[tilespmem:$0x19400] =	vst v63  }
0x5a: {  	_ = 	snop  }
0x5b: {  	[tilespmem:s20], [sflag:$0x1] =	stream.indirect_vreg.gather [hbm4b:s3+s2], $0x80, v3, vm0, $0xb8;
	[tilespmem:$0x19400] =	vst v63  }
0x5c: {  	_ = 	snop  }
0x5d: {  	[tilespmem:s21], [sflag:$0x1] =	stream.indirect_vreg.gather [hbm4b:s5+s2], $0x80, v3, vm1, $0xb8;
	[tilespmem:$0x19400] =	vst v63  }
0x5e: {  	v3 =	vld [tilespmem:$0x40];
	_ =	sdelay $0x4  }
0x5f: {  	v52 =	vshrl.u32 v3, $0x3  }
0x60: {  	v4 =	vmul.u32 $0x18, v52  }
0x61: {  	v3 =	vand.u32 $0x7, v3  }
0x62: {  	v3 =	vor.u32 v3, v4  }
0x63: {  	v4 =	vperm.xlane v3, v0;
	_ =	sdelay $0x1  }
0x64: {  	v4 =	vadd.s32 v1, v4;
	_ =	sdelay $0x1  }
0x65: {  	v3 =	vperm.xlane v3, v2;
	_ =	sdelay $0x1  }
0x66: {  	v3 =	vadd.s32 v1, v3  }
0x67: {  	[tilespmem:s22], [sflag:$0x1] =	stream.indirect_vreg.gather [hbm4b:s3+s2], $0x80, v4, vm0, $0xb8;
	[tilespmem:$0x19400] =	vst v63  }
0x68: {  	_ = 	snop  }
0x69: {  	[tilespmem:s23], [sflag:$0x1] =	stream.indirect_vreg.gather [hbm4b:s5+s2], $0x80, v4, vm1, $0xb8;
	[tilespmem:$0x19400] =	vst v63  }
0x6a: {  	_ = 	snop  }
0x6b: {  	[tilespmem:s24], [sflag:$0x1] =	stream.indirect_vreg.gather [hbm4b:s3+s2], $0x80, v3, vm0, $0xb8;
	[tilespmem:$0x19400] =	vst v63  }
0x6c: {  	_ = 	snop  }
0x6d: {  	[tilespmem:s25], [sflag:$0x1] =	stream.indirect_vreg.gather [hbm4b:s5+s2], $0x80, v3, vm1, $0xb8;
	[tilespmem:$0x19400] =	vst v63  }
0x6e: {  	v3 =	vld [tilespmem:$0x50];
	_ =	sdelay $0x4  }
0x6f: {  	v53 =	vshrl.u32 v3, $0x3  }
0x70: {  	v4 =	vmul.u32 $0x18, v53  }
0x71: {  	v3 =	vand.u32 $0x7, v3  }
0x72: {  	v3 =	vor.u32 v3, v4  }
0x73: {  	v4 =	vperm.xlane v3, v0;
	_ =	sdelay $0x1  }
0x74: {  	v4 =	vadd.s32 v1, v4;
	_ =	sdelay $0x1  }
0x75: {  	v3 =	vperm.xlane v3, v2;
	_ =	sdelay $0x1  }
0x76: {  	v3 =	vadd.s32 v1, v3  }
0x77: {  	[tilespmem:s29], [sflag:$0x1] =	stream.indirect_vreg.gather [hbm4b:s3+s2], $0x80, v4, vm0, $0xb8;
	[tilespmem:$0x19400] =	vst v63  }
0x78: {  	_ = 	snop  }
0x79: {  	[tilespmem:s30], [sflag:$0x1] =	stream.indirect_vreg.gather [hbm4b:s5+s2], $0x80, v4, vm1, $0xb8;
	[tilespmem:$0x19400] =	vst v63  }
0x7a: {  	_ = 	snop  }
0x7b: {  	[tilespmem:s31], [sflag:$0x1] =	stream.indirect_vreg.gather [hbm4b:s3+s2], $0x80, v3, vm0, $0xb8;
	[tilespmem:$0x19400] =	vst v63  }
0x7c: {  	s6 =	simm.s32 $0xA000  }
0x7d: {  	[tilespmem:s6], [sflag:$0x1] =	stream.indirect_vreg.gather [hbm4b:s5+s2], $0x80, v3, vm1, $0xb8;
	[tilespmem:$0x19400] =	vst v63  }
0x7e: {  	v3 =	vld [tilespmem:$0x60];
	_ =	sdelay $0x4  }
0x7f: {  	v54 =	vshrl.u32 v3, $0x3  }
0x80: {  	v4 =	vmul.u32 $0x18, v54  }
0x81: {  	v3 =	vand.u32 $0x7, v3  }
0x82: {  	v3 =	vor.u32 v3, v4  }
0x83: {  	v4 =	vperm.xlane v3, v0;
	_ =	sdelay $0x1  }
0x84: {  	v4 =	vadd.s32 v1, v4;
	_ =	sdelay $0x1  }
0x85: {  	v3 =	vperm.xlane v3, v2;
	_ =	sdelay $0x1  }
0x86: {  	s7 =	simm.s32 $0xA400;
	v3 =	vadd.s32 v1, v3  }
0x87: {  	[tilespmem:s7], [sflag:$0x1] =	stream.indirect_vreg.gather [hbm4b:s3+s2], $0x80, v4, vm0, $0xb8;
	[tilespmem:$0x19400] =	vst v63  }
0x88: {  	s8 =	simm.s32 $0xAC00  }
0x89: {  	[tilespmem:s8], [sflag:$0x1] =	stream.indirect_vreg.gather [hbm4b:s5+s2], $0x80, v4, vm1, $0xb8;
	[tilespmem:$0x19400] =	vst v63  }
0x8a: {  	s9 =	simm.s32 $0xB000  }
0x8b: {  	[tilespmem:s9], [sflag:$0x1] =	stream.indirect_vreg.gather [hbm4b:s3+s2], $0x80, v3, vm0, $0xb8;
	[tilespmem:$0x19400] =	vst v63  }
0x8c: {  	s10 =	simm.s32 $0xB800  }
0x8d: {  	[tilespmem:s10], [sflag:$0x1] =	stream.indirect_vreg.gather [hbm4b:s5+s2], $0x80, v3, vm1, $0xb8;
	[tilespmem:$0x19400] =	vst v63  }
0x8e: {  	v3 =	vld [tilespmem:$0x70];
	_ =	sdelay $0x4  }
0x8f: {  	v55 =	vshrl.u32 v3, $0x3  }
0x90: {  	v4 =	vmul.u32 $0x18, v55  }
0x91: {  	v3 =	vand.u32 $0x7, v3  }
0x92: {  	v3 =	vor.u32 v3, v4  }
0x93: {  	v4 =	vperm.xlane v3, v0;
	_ =	sdelay $0x1  }
0x94: {  	v4 =	vadd.s32 v1, v4;
	_ =	sdelay $0x1  }
0x95: {  	v3 =	vperm.xlane v3, v2;
	_ =	sdelay $0x1  }
0x96: {  	s11 =	simm.s32 $0xBC00;
	v3 =	vadd.s32 v1, v3  }
0x97: {  	[tilespmem:s11], [sflag:$0x1] =	stream.indirect_vreg.gather [hbm4b:s3+s2], $0x80, v4, vm0, $0xb8;
	[tilespmem:$0x19400] =	vst v63  }
0x98: {  	s14 =	simm.s32 $0xC400  }
0x99: {  	[tilespmem:s14], [sflag:$0x1] =	stream.indirect_vreg.gather [hbm4b:s5+s2], $0x80, v4, vm1, $0xb8;
	[tilespmem:$0x19400] =	vst v63  }
0x9a: {  	s15 =	simm.s32 $0xC800  }
0x9b: {  	[tilespmem:s15], [sflag:$0x1] =	stream.indirect_vreg.gather [hbm4b:s3+s2], $0x80, v3, vm0, $0xb8;
	[tilespmem:$0x19400] =	vst v63  }
0x9c: {  	s16 =	simm.s32 $0xD000  }
0x9d: {  	[tilespmem:s16], [sflag:$0x1] =	stream.indirect_vreg.gather [hbm4b:s5+s2], $0x80, v3, vm1, $0xb8;
	[tilespmem:$0x19400] =	vst v63  }
0x9e: {  	v3 =	vld [tilespmem:$0x80];
	_ =	sdelay $0x4  }
0x9f: {  	v56 =	vshrl.u32 v3, $0x3  }
0xa0: {  	v4 =	vmul.u32 $0x18, v56  }
0xa1: {  	v3 =	vand.u32 $0x7, v3  }
0xa2: {  	v3 =	vor.u32 v3, v4  }
0xa3: {  	v4 =	vperm.xlane v3, v0;
	_ =	sdelay $0x1  }
0xa4: {  	v4 =	vadd.s32 v1, v4;
	_ =	sdelay $0x1  }
0xa5: {  	v3 =	vperm.xlane v3, v2;
	_ =	sdelay $0x1  }
0xa6: {  	v3 =	vadd.s32 v1, v3  }
0xa7: {  	[tilespmem:s19], [sflag:$0x2] =	stream.indirect_vreg.gather [hbm4b:s3+s2], $0x80, v4, vm0, $0xb8;
	[tilespmem:$0x19400] =	vst v63  }
0xa8: {  	s17 =	simm.s32 $0xDC00  }
0xa9: {  	[tilespmem:s17], [sflag:$0x2] =	stream.indirect_vreg.gather [hbm4b:s5+s2], $0x80, v4, vm1, $0xb8;
	[tilespmem:$0x19400] =	vst v63  }
0xaa: {  	s18 =	simm.s32 $0xE000  }
0xab: {  	[tilespmem:s18], [sflag:$0x2] =	stream.indirect_vreg.gather [hbm4b:s3+s2], $0x80, v3, vm0, $0xb8;
	[tilespmem:$0x19400] =	vst v63  }
0xac: {  	s20 =	simm.s32 $0xE800  }
0xad: {  	[tilespmem:s20], [sflag:$0x2] =	stream.indirect_vreg.gather [hbm4b:s5+s2], $0x80, v3, vm1, $0xb8;
	[tilespmem:$0x19400] =	vst v63  }
0xae: {  	v3 =	vld [tilespmem:$0x90];
	_ =	sdelay $0x4  }
0xaf: {  	v57 =	vshrl.u32 v3, $0x3  }
0xb0: {  	v4 =	vmul.u32 $0x18, v57  }
0xb1: {  	v3 =	vand.u32 $0x7, v3  }
0xb2: {  	v3 =	vor.u32 v3, v4  }
0xb3: {  	v4 =	vperm.xlane v3, v0;
	_ =	sdelay $0x1  }
0xb4: {  	v4 =	vadd.s32 v1, v4;
	_ =	sdelay $0x1  }
0xb5: {  	v3 =	vperm.xlane v3, v2;
	_ =	sdelay $0x1  }
0xb6: {  	s21 =	simm.s32 $0xEC00;
	v3 =	vadd.s32 v1, v3  }
0xb7: {  	[tilespmem:s21], [sflag:$0x2] =	stream.indirect_vreg.gather [hbm4b:s3+s2], $0x80, v4, vm0, $0xb8;
	[tilespmem:$0x19400] =	vst v63  }
0xb8: {  	s22 =	simm.s32 $0xF400  }
0xb9: {  	[tilespmem:s22], [sflag:$0x2] =	stream.indirect_vreg.gather [hbm4b:s5+s2], $0x80, v4, vm1, $0xb8;
	[tilespmem:$0x19400] =	vst v63  }
0xba: {  	s23 =	simm.s32 $0xF800  }
0xbb: {  	[tilespmem:s23], [sflag:$0x2] =	stream.indirect_vreg.gather [hbm4b:s3+s2], $0x80, v3, vm0, $0xb8;
	[tilespmem:$0x19400] =	vst v63  }
0xbc: {  	s24 =	simm.s32 $0x10000  }
0xbd: {  	[tilespmem:s24], [sflag:$0x2] =	stream.indirect_vreg.gather [hbm4b:s5+s2], $0x80, v3, vm1, $0xb8;
	[tilespmem:$0x19400] =	vst v63  }
0xbe: {  	v3 =	vld [tilespmem:$0xA0];
	_ =	sdelay $0x4  }
0xbf: {  	v58 =	vshrl.u32 v3, $0x3  }
0xc0: {  	v4 =	vmul.u32 $0x18, v58  }
0xc1: {  	v3 =	vand.u32 $0x7, v3  }
0xc2: {  	v3 =	vor.u32 v3, v4  }
0xc3: {  	v4 =	vperm.xlane v3, v0;
	_ =	sdelay $0x1  }
0xc4: {  	v4 =	vadd.s32 v1, v4;
	_ =	sdelay $0x1  }
0xc5: {  	v3 =	vperm.xlane v3, v2;
	_ =	sdelay $0x1  }
0xc6: {  	s25 =	simm.s32 $0x10400;
	v3 =	vadd.s32 v1, v3  }
0xc7: {  	[tilespmem:s25], [sflag:$0x2] =	stream.indirect_vreg.gather [hbm4b:s3+s2], $0x80, v4, vm0, $0xb8;
	[tilespmem:$0x19400] =	vst v63  }
0xc8: {  	s1 =	simm.s32 $0x10C00  }
0xc9: {  	[tilespmem:s1], [sflag:$0x2] =	stream.indirect_vreg.gather [hbm4b:s5+s2], $0x80, v4, vm1, $0xb8;
	[tilespmem:$0x19400] =	vst v63  }
0xca: {  	s4 =	simm.s32 $0x11000  }
0xcb: {  	[tilespmem:s4], [sflag:$0x2] =	stream.indirect_vreg.gather [hbm4b:s3+s2], $0x80, v3, vm0, $0xb8;
	[tilespmem:$0x19400] =	vst v63  }
0xcc: {  	s6 =	simm.s32 $0x11800  }
0xcd: {  	[tilespmem:s6], [sflag:$0x2] =	stream.indirect_vreg.gather [hbm4b:s5+s2], $0x80, v3, vm1, $0xb8;
	[tilespmem:$0x19400] =	vst v63  }
0xce: {  	v3 =	vld [tilespmem:$0xB0];
	_ =	sdelay $0x4  }
0xcf: {  	v59 =	vshrl.u32 v3, $0x3  }
0xd0: {  	v4 =	vmul.u32 $0x18, v59  }
0xd1: {  	v3 =	vand.u32 $0x7, v3  }
0xd2: {  	v3 =	vor.u32 v3, v4  }
0xd3: {  	v4 =	vperm.xlane v3, v0;
	_ =	sdelay $0x1  }
0xd4: {  	v4 =	vadd.s32 v1, v4;
	_ =	sdelay $0x1  }
0xd5: {  	v3 =	vperm.xlane v3, v2;
	_ =	sdelay $0x1  }
0xd6: {  	s7 =	simm.s32 $0x11C00;
	v3 =	vadd.s32 v1, v3  }
0xd7: {  	[tilespmem:s7], [sflag:$0x2] =	stream.indirect_vreg.gather [hbm4b:s3+s2], $0x80, v4, vm0, $0xb8;
	[tilespmem:$0x19400] =	vst v63  }
0xd8: {  	s8 =	simm.s32 $0x12400  }
0xd9: {  	[tilespmem:s8], [sflag:$0x2] =	stream.indirect_vreg.gather [hbm4b:s5+s2], $0x80, v4, vm1, $0xb8;
	[tilespmem:$0x19400] =	vst v63  }
0xda: {  	s9 =	simm.s32 $0x12800  }
0xdb: {  	[tilespmem:s9], [sflag:$0x2] =	stream.indirect_vreg.gather [hbm4b:s3+s2], $0x80, v3, vm0, $0xb8;
	[tilespmem:$0x19400] =	vst v63  }
0xdc: {  	s10 =	simm.s32 $0x13000  }
0xdd: {  	[tilespmem:s10], [sflag:$0x2] =	stream.indirect_vreg.gather [hbm4b:s5+s2], $0x80, v3, vm1, $0xb8;
	[tilespmem:$0x19400] =	vst v63  }
0xde: {  	v3 =	vld [tilespmem:$0xC0];
	_ =	sdelay $0x4  }
0xdf: {  	v60 =	vshrl.u32 v3, $0x3  }
0xe0: {  	v4 =	vmul.u32 $0x18, v60  }
0xe1: {  	v3 =	vand.u32 $0x7, v3  }
0xe2: {  	v3 =	vor.u32 v3, v4  }
0xe3: {  	v4 =	vperm.xlane v3, v0;
	_ =	sdelay $0x1  }
0xe4: {  	v4 =	vadd.s32 v1, v4;
	_ =	sdelay $0x1  }
0xe5: {  	v3 =	vperm.xlane v3, v2;
	_ =	sdelay $0x1  }
0xe6: {  	s11 =	simm.s32 $0x13400;
	v3 =	vadd.s32 v1, v3  }
0xe7: {  	[tilespmem:s11], [sflag:$0x2] =	stream.indirect_vreg.gather [hbm4b:s3+s2], $0x80, v4, vm0, $0xb8;
	[tilespmem:$0x19400] =	vst v63  }
0xe8: {  	s14 =	simm.s32 $0x13C00  }
0xe9: {  	[tilespmem:s14], [sflag:$0x2] =	stream.indirect_vreg.gather [hbm4b:s5+s2], $0x80, v4, vm1, $0xb8;
	[tilespmem:$0x19400] =	vst v63  }
0xea: {  	s15 =	simm.s32 $0x14000  }
0xeb: {  	[tilespmem:s15], [sflag:$0x2] =	stream.indirect_vreg.gather [hbm4b:s3+s2], $0x80, v3, vm0, $0xb8;
	[tilespmem:$0x19400] =	vst v63  }
0xec: {  	s16 =	simm.s32 $0x14800  }
0xed: {  	[tilespmem:s16], [sflag:$0x2] =	stream.indirect_vreg.gather [hbm4b:s5+s2], $0x80, v3, vm1, $0xb8;
	[tilespmem:$0x19400] =	vst v63  }
0xee: {  	v3 =	vld [tilespmem:$0xD0];
	_ =	sdelay $0x4  }
0xef: {  	v61 =	vshrl.u32 v3, $0x3  }
0xf0: {  	v4 =	vmul.u32 $0x18, v61  }
0xf1: {  	v3 =	vand.u32 $0x7, v3  }
0xf2: {  	v3 =	vor.u32 v3, v4  }
0xf3: {  	v4 =	vperm.xlane v3, v0;
	_ =	sdelay $0x1  }
0xf4: {  	v4 =	vadd.s32 v1, v4;
	_ =	sdelay $0x1  }
0xf5: {  	v3 =	vperm.xlane v3, v2;
	_ =	sdelay $0x1  }
0xf6: {  	s17 =	simm.s32 $0x14C00;
	v3 =	vadd.s32 v1, v3  }
0xf7: {  	[tilespmem:s17], [sflag:$0x2] =	stream.indirect_vreg.gather [hbm4b:s3+s2], $0x80, v4, vm0, $0xb8;
	[tilespmem:$0x19400] =	vst v63  }
0xf8: {  	s18 =	simm.s32 $0x15400  }
0xf9: {  	[tilespmem:s18], [sflag:$0x2] =	stream.indirect_vreg.gather [hbm4b:s5+s2], $0x80, v4, vm1, $0xb8;
	[tilespmem:$0x19400] =	vst v63  }
0xfa: {  	s20 =	simm.s32 $0x15800  }
0xfb: {  	[tilespmem:s20], [sflag:$0x2] =	stream.indirect_vreg.gather [hbm4b:s3+s2], $0x80, v3, vm0, $0xb8;
	[tilespmem:$0x19400] =	vst v63  }
0xfc: {  	s21 =	simm.s32 $0x16000  }
0xfd: {  	[tilespmem:s21], [sflag:$0x2] =	stream.indirect_vreg.gather [hbm4b:s5+s2], $0x80, v3, vm1, $0xb8;
	[tilespmem:$0x19400] =	vst v63  }
0xfe: {  	v3 =	vld [tilespmem:$0xE0];
	_ =	sdelay $0x4  }
0xff: {  	v62 =	vshrl.u32 v3, $0x3  }
0x100: {  	v4 =	vmul.u32 $0x18, v62  }
0x101: {  	v3 =	vand.u32 $0x7, v3  }
0x102: {  	v3 =	vor.u32 v3, v4  }
0x103: {  	v4 =	vperm.xlane v3, v0;
	_ =	sdelay $0x1  }
0x104: {  	v4 =	vadd.s32 v1, v4;
	_ =	sdelay $0x1  }
0x105: {  	v3 =	vperm.xlane v3, v2;
	_ =	sdelay $0x1  }
0x106: {  	s22 =	simm.s32 $0x16400;
	v3 =	vadd.s32 v1, v3  }
0x107: {  	[tilespmem:s22], [sflag:$0x2] =	stream.indirect_vreg.gather [hbm4b:s3+s2], $0x80, v4, vm0, $0xb8;
	[tilespmem:$0x19400] =	vst v63  }
0x108: {  	s23 =	simm.s32 $0x16C00  }
0x109: {  	[tilespmem:s23], [sflag:$0x2] =	stream.indirect_vreg.gather [hbm4b:s5+s2], $0x80, v4, vm1, $0xb8;
	[tilespmem:$0x19400] =	vst v63  }
0x10a: {  	s24 =	simm.s32 $0x17000  }
0x10b: {  	[tilespmem:s24], [sflag:$0x2] =	stream.indirect_vreg.gather [hbm4b:s3+s2], $0x80, v3, vm0, $0xb8;
	[tilespmem:$0x19400] =	vst v63  }
0x10c: {  	s25 =	simm.s32 $0x17800  }
0x10d: {  	[tilespmem:s25], [sflag:$0x2] =	stream.indirect_vreg.gather [hbm4b:s5+s2], $0x80, v3, vm1, $0xb8;
	[tilespmem:$0x19400] =	vst v63  }
0x10e: {  	v3 =	vld [tilespmem:$0xF0];
	_ =	sdelay $0x4  }
0x10f: {  	v63 =	vshrl.u32 v3, $0x3  }
0x110: {  	v4 =	vmul.u32 $0x18, v63  }
0x111: {  	v3 =	vand.u32 $0x7, v3  }
0x112: {  	v3 =	vor.u32 v3, v4  }
0x113: {  	v4 =	vperm.xlane v3, v0;
	_ =	sdelay $0x1  }
0x114: {  	s29 =	rddreg [dreg:$0x7];
	v4 =	vadd.s32 v1, v4  }
0x115: {  	s0 =	simm.s32 $0x8C00;
	s30 =	rddreg [dreg:$0x6]  }
0x116: {  	s31 =	simm.s32 $0x0;
	s4 =	simm.s32 $0x9400;
	s6 =	simm.s32 $0x9800;
	v3 =	vperm.xlane v3, v2  }
0x117: {  	s7 =	simm.s32 $0x17C00;
	s8 =	simm.s32 $0x18400;
	s9 =	simm.s32 $0x18800  }
0x118: {  	s10 =	simm.s32 $0x19000;
	s14 =	simm.s32 $0x4C00;
	s15 =	simm.s32 $0x5000;
	v3 =	vadd.s32 v1, v3  }
0x119: {  	[tilespmem:s7], [sflag:$0x2] =	stream.indirect_vreg.gather [hbm4b:s3+s2], $0x80, v4, vm0, $0xb8;
	[tilespmem:$0x19400] =	vst v63  }
0x11a: {  	s16 =	simm.s32 $0x5800;
	s17 =	simm.s32 $0x5C00;
	s18 =	simm.s32 $0x6400  }
0x11b: {  	[tilespmem:s8], [sflag:$0x2] =	stream.indirect_vreg.gather [hbm4b:s5+s2], $0x80, v4, vm1, $0xb8;
	[tilespmem:$0x19400] =	vst v63  }
0x11c: {  	s20 =	simm.s32 $0x6800;
	s21 =	simm.s32 $0x7000;
	s22 =	simm.s32 $0x7400  }
0x11d: {  	[tilespmem:s9], [sflag:$0x2] =	stream.indirect_vreg.gather [hbm4b:s3+s2], $0x80, v3, vm0, $0xb8;
	[tilespmem:$0x19400] =	vst v63  }
0x11e: {  	s23 =	simm.s32 $0x7C00;
	s24 =	simm.s32 $0x8000;
	s25 =	simm.s32 $0x8800  }
0x11f: {  	[tilespmem:s10], [sflag:$0x2] =	stream.indirect_vreg.gather [hbm4b:s5+s2], $0x80, v3, vm1, $0xb8;
	[tilespmem:$0x19400] =	vst v63  }
.LBB2_2:
0x120: {  	_ =	swait.ge [sflag:s26], $0xC000  }
0x121: {  	[sflag:s26] =	ssyncset.done $0x0  }
0x122: {  	[sflag:s26] =	ssyncadd.s32 $0xFFFF4000  }
0x123: {  	[hbm4b:s29+s2] =	stream.linear.scatter [tilespmem:s13], [sflag:$0x3], $0xC000, $0x38;
	[tilespmem:$0x19400] =	vst v63  }
0x124: {  	_ =	swait.ge [sflag:s12], $0xC000  }
0x125: {  	s1 =	smin.u32 s31, $0x25;
	[sflag:s12] =	ssyncset.done $0x0  }
0x126: {  	s1 =	sshll.u32 s1, $0x7;
	[sflag:s12] =	ssyncadd.s32 $0xFFFF4000  }
0x127: {  	v3 =	vld [tilespmem:s1+$0x100];
	_ =	sdelay $0x4  }
0x128: {  	v4 =	vshrl.u32 v3, $0x3  }
0x129: {  	v4 =	vmul.u32 $0x18, v4  }
0x12a: {  	v3 =	vand.u32 $0x7, v3  }
0x12b: {  	v3 =	vor.u32 v3, v4  }
0x12c: {  	v4 =	vperm.xlane v3, v0;
	_ =	sdelay $0x1  }
0x12d: {  	v4 =	vadd.s32 v1, v4;
	_ =	sdelay $0x1  }
0x12e: {  	v3 =	vperm.xlane v3, v2;
	_ =	sdelay $0x1  }
0x12f: {  	v3 =	vadd.s32 v1, v3  }
0x130: {  	[tilespmem:s13], [sflag:$0x1] =	stream.indirect_vreg.gather [hbm4b:s3+s2], $0x80, v4, vm0, $0xb8;
	[tilespmem:$0x19400] =	vst v63  }
0x131: {  	s11 =	simm.s32 $0x1C00  }
0x132: {  	[tilespmem:s11], [sflag:$0x1] =	stream.indirect_vreg.gather [hbm4b:s5+s2], $0x80, v4, vm1, $0xb8;
	[tilespmem:$0x19400] =	vst v63  }
0x133: {  	s11 =	simm.s32 $0x2000  }
0x134: {  	[tilespmem:s11], [sflag:$0x1] =	stream.indirect_vreg.gather [hbm4b:s3+s2], $0x80, v3, vm0, $0xb8;
	[tilespmem:$0x19400] =	vst v63  }
0x135: {  	s11 =	simm.s32 $0x2800  }
0x136: {  	[tilespmem:s11], [sflag:$0x1] =	stream.indirect_vreg.gather [hbm4b:s5+s2], $0x80, v3, vm1, $0xb8;
	[tilespmem:$0x19400] =	vst v63  }
0x137: {  	v3 =	vld [tilespmem:s1+$0x110];
	_ =	sdelay $0x4  }
0x138: {  	v49 =	vshrl.u32 v3, $0x3  }
0x139: {  	v4 =	vmul.u32 $0x18, v49  }
0x13a: {  	v3 =	vand.u32 $0x7, v3  }
0x13b: {  	v3 =	vor.u32 v3, v4  }
0x13c: {  	v4 =	vperm.xlane v3, v0;
	_ =	sdelay $0x1  }
0x13d: {  	v4 =	vadd.s32 v1, v4;
	_ =	sdelay $0x1  }
0x13e: {  	v3 =	vperm.xlane v3, v2;
	_ =	sdelay $0x1  }
0x13f: {  	s11 =	simm.s32 $0x2C00;
	v3 =	vadd.s32 v1, v3  }
0x140: {  	[tilespmem:s11], [sflag:$0x1] =	stream.indirect_vreg.gather [hbm4b:s3+s2], $0x80, v4, vm0, $0xb8;
	[tilespmem:$0x19400] =	vst v63  }
0x141: {  	s11 =	simm.s32 $0x3400  }
0x142: {  	[tilespmem:s11], [sflag:$0x1] =	stream.indirect_vreg.gather [hbm4b:s5+s2], $0x80, v4, vm1, $0xb8;
	[tilespmem:$0x19400] =	vst v63  }
0x143: {  	s11 =	simm.s32 $0x3800  }
0x144: {  	[tilespmem:s11], [sflag:$0x1] =	stream.indirect_vreg.gather [hbm4b:s3+s2], $0x80, v3, vm0, $0xb8;
	[tilespmem:$0x19400] =	vst v63  }
0x145: {  	s11 =	simm.s32 $0x4000  }
0x146: {  	[tilespmem:s11], [sflag:$0x1] =	stream.indirect_vreg.gather [hbm4b:s5+s2], $0x80, v3, vm1, $0xb8;
	[tilespmem:$0x19400] =	vst v63  }
0x147: {  	v3 =	vld [tilespmem:s1+$0x120];
	_ =	sdelay $0x4  }
0x148: {  	v50 =	vshrl.u32 v3, $0x3  }
0x149: {  	v4 =	vmul.u32 $0x18, v50  }
0x14a: {  	v3 =	vand.u32 $0x7, v3  }
0x14b: {  	v3 =	vor.u32 v3, v4  }
0x14c: {  	v4 =	vperm.xlane v3, v0;
	_ =	sdelay $0x1  }
0x14d: {  	v4 =	vadd.s32 v1, v4;
	_ =	sdelay $0x1  }
0x14e: {  	v3 =	vperm.xlane v3, v2;
	_ =	sdelay $0x1  }
0x14f: {  	s11 =	simm.s32 $0x4400;
	v3 =	vadd.s32 v1, v3  }
0x150: {  	[tilespmem:s11], [sflag:$0x1] =	stream.indirect_vreg.gather [hbm4b:s3+s2], $0x80, v4, vm0, $0xb8;
	[tilespmem:$0x19400] =	vst v63  }
0x151: {  	_ = 	snop  }
0x152: {  	[tilespmem:s14], [sflag:$0x1] =	stream.indirect_vreg.gather [hbm4b:s5+s2], $0x80, v4, vm1, $0xb8;
	[tilespmem:$0x19400] =	vst v63  }
0x153: {  	_ = 	snop  }
0x154: {  	[tilespmem:s15], [sflag:$0x1] =	stream.indirect_vreg.gather [hbm4b:s3+s2], $0x80, v3, vm0, $0xb8;
	[tilespmem:$0x19400] =	vst v63  }
0x155: {  	_ = 	snop  }
0x156: {  	[tilespmem:s16], [sflag:$0x1] =	stream.indirect_vreg.gather [hbm4b:s5+s2], $0x80, v3, vm1, $0xb8;
	[tilespmem:$0x19400] =	vst v63  }
0x157: {  	v3 =	vld [tilespmem:s1+$0x130];
	_ =	sdelay $0x4  }
0x158: {  	v51 =	vshrl.u32 v3, $0x3  }
0x159: {  	v4 =	vmul.u32 $0x18, v51  }
0x15a: {  	v3 =	vand.u32 $0x7, v3  }
0x15b: {  	v3 =	vor.u32 v3, v4  }
0x15c: {  	v4 =	vperm.xlane v3, v0;
	_ =	sdelay $0x1  }
0x15d: {  	v4 =	vadd.s32 v1, v4;
	_ =	sdelay $0x1  }
0x15e: {  	v3 =	vperm.xlane v3, v2;
	_ =	sdelay $0x1  }
0x15f: {  	v3 =	vadd.s32 v1, v3  }
0x160: {  	[tilespmem:s17], [sflag:$0x1] =	stream.indirect_vreg.gather [hbm4b:s3+s2], $0x80, v4, vm0, $0xb8;
	[tilespmem:$0x19400] =	vst v63  }
0x161: {  	_ = 	snop  }
0x162: {  	[tilespmem:s18], [sflag:$0x1] =	stream.indirect_vreg.gather [hbm4b:s5+s2], $0x80, v4, vm1, $0xb8;
	[tilespmem:$0x19400] =	vst v63  }
0x163: {  	_ = 	snop  }
0x164: {  	[tilespmem:s20], [sflag:$0x1] =	stream.indirect_vreg.gather [hbm4b:s3+s2], $0x80, v3, vm0, $0xb8;
	[tilespmem:$0x19400] =	vst v63  }
0x165: {  	_ = 	snop  }
0x166: {  	[tilespmem:s21], [sflag:$0x1] =	stream.indirect_vreg.gather [hbm4b:s5+s2], $0x80, v3, vm1, $0xb8;
	[tilespmem:$0x19400] =	vst v63  }
0x167: {  	v3 =	vld [tilespmem:s1+$0x140];
	_ =	sdelay $0x4  }
0x168: {  	v52 =	vshrl.u32 v3, $0x3  }
0x169: {  	v4 =	vmul.u32 $0x18, v52  }
0x16a: {  	v3 =	vand.u32 $0x7, v3  }
0x16b: {  	v3 =	vor.u32 v3, v4  }
0x16c: {  	v4 =	vperm.xlane v3, v0;
	_ =	sdelay $0x1  }
0x16d: {  	v4 =	vadd.s32 v1, v4;
	_ =	sdelay $0x1  }
0x16e: {  	v3 =	vperm.xlane v3, v2;
	_ =	sdelay $0x1  }
0x16f: {  	v3 =	vadd.s32 v1, v3  }
0x170: {  	[tilespmem:s22], [sflag:$0x1] =	stream.indirect_vreg.gather [hbm4b:s3+s2], $0x80, v4, vm0, $0xb8;
	[tilespmem:$0x19400] =	vst v63  }
0x171: {  	_ = 	snop  }
0x172: {  	[tilespmem:s23], [sflag:$0x1] =	stream.indirect_vreg.gather [hbm4b:s5+s2], $0x80, v4, vm1, $0xb8;
	[tilespmem:$0x19400] =	vst v63  }
0x173: {  	_ = 	snop  }
0x174: {  	[tilespmem:s24], [sflag:$0x1] =	stream.indirect_vreg.gather [hbm4b:s3+s2], $0x80, v3, vm0, $0xb8;
	[tilespmem:$0x19400] =	vst v63  }
0x175: {  	_ = 	snop  }
0x176: {  	[tilespmem:s25], [sflag:$0x1] =	stream.indirect_vreg.gather [hbm4b:s5+s2], $0x80, v3, vm1, $0xb8;
	[tilespmem:$0x19400] =	vst v63  }
0x177: {  	v3 =	vld [tilespmem:s1+$0x150];
	_ =	sdelay $0x4  }
0x178: {  	v53 =	vshrl.u32 v3, $0x3  }
0x179: {  	v4 =	vmul.u32 $0x18, v53  }
0x17a: {  	v3 =	vand.u32 $0x7, v3  }
0x17b: {  	v3 =	vor.u32 v3, v4  }
0x17c: {  	v4 =	vperm.xlane v3, v0;
	_ =	sdelay $0x1  }
0x17d: {  	v4 =	vadd.s32 v1, v4;
	_ =	sdelay $0x1  }
0x17e: {  	v3 =	vperm.xlane v3, v2;
	_ =	sdelay $0x1  }
0x17f: {  	v3 =	vadd.s32 v1, v3  }
0x180: {  	[tilespmem:s0], [sflag:$0x1] =	stream.indirect_vreg.gather [hbm4b:s3+s2], $0x80, v4, vm0, $0xb8;
	[tilespmem:$0x19400] =	vst v63  }
0x181: {  	_ = 	snop  }
0x182: {  	[tilespmem:s4], [sflag:$0x1] =	stream.indirect_vreg.gather [hbm4b:s5+s2], $0x80, v4, vm1, $0xb8;
	[tilespmem:$0x19400] =	vst v63  }
0x183: {  	_ = 	snop  }
0x184: {  	[tilespmem:s6], [sflag:$0x1] =	stream.indirect_vreg.gather [hbm4b:s3+s2], $0x80, v3, vm0, $0xb8;
	[tilespmem:$0x19400] =	vst v63  }
0x185: {  	s11 =	simm.s32 $0xA000  }
0x186: {  	[tilespmem:s11], [sflag:$0x1] =	stream.indirect_vreg.gather [hbm4b:s5+s2], $0x80, v3, vm1, $0xb8;
	[tilespmem:$0x19400] =	vst v63  }
0x187: {  	v3 =	vld [tilespmem:s1+$0x160];
	_ =	sdelay $0x4  }
0x188: {  	v54 =	vshrl.u32 v3, $0x3  }
0x189: {  	v4 =	vmul.u32 $0x18, v54  }
0x18a: {  	v3 =	vand.u32 $0x7, v3  }
0x18b: {  	v3 =	vor.u32 v3, v4  }
0x18c: {  	v4 =	vperm.xlane v3, v0;
	_ =	sdelay $0x1  }
0x18d: {  	v4 =	vadd.s32 v1, v4;
	_ =	sdelay $0x1  }
0x18e: {  	v3 =	vperm.xlane v3, v2;
	_ =	sdelay $0x1  }
0x18f: {  	s11 =	simm.s32 $0xA400;
	v3 =	vadd.s32 v1, v3  }
0x190: {  	[tilespmem:s11], [sflag:$0x1] =	stream.indirect_vreg.gather [hbm4b:s3+s2], $0x80, v4, vm0, $0xb8;
	[tilespmem:$0x19400] =	vst v63  }
0x191: {  	s11 =	simm.s32 $0xAC00  }
0x192: {  	[tilespmem:s11], [sflag:$0x1] =	stream.indirect_vreg.gather [hbm4b:s5+s2], $0x80, v4, vm1, $0xb8;
	[tilespmem:$0x19400] =	vst v63  }
0x193: {  	s11 =	simm.s32 $0xB000  }
0x194: {  	[tilespmem:s11], [sflag:$0x1] =	stream.indirect_vreg.gather [hbm4b:s3+s2], $0x80, v3, vm0, $0xb8;
	[tilespmem:$0x19400] =	vst v63  }
0x195: {  	s11 =	simm.s32 $0xB800  }
0x196: {  	[tilespmem:s11], [sflag:$0x1] =	stream.indirect_vreg.gather [hbm4b:s5+s2], $0x80, v3, vm1, $0xb8;
	[tilespmem:$0x19400] =	vst v63  }
0x197: {  	v3 =	vld [tilespmem:s1+$0x170];
	_ =	sdelay $0x4  }
0x198: {  	v55 =	vshrl.u32 v3, $0x3  }
0x199: {  	v4 =	vmul.u32 $0x18, v55  }
0x19a: {  	v3 =	vand.u32 $0x7, v3  }
0x19b: {  	v3 =	vor.u32 v3, v4  }
0x19c: {  	v4 =	vperm.xlane v3, v0;
	_ =	sdelay $0x1  }
0x19d: {  	v4 =	vadd.s32 v1, v4;
	_ =	sdelay $0x1  }
0x19e: {  	v3 =	vperm.xlane v3, v2;
	_ =	sdelay $0x1  }
0x19f: {  	s11 =	simm.s32 $0xBC00;
	v3 =	vadd.s32 v1, v3  }
0x1a0: {  	[tilespmem:s11], [sflag:$0x1] =	stream.indirect_vreg.gather [hbm4b:s3+s2], $0x80, v4, vm0, $0xb8;
	[tilespmem:$0x19400] =	vst v63  }
0x1a1: {  	s11 =	simm.s32 $0xC400  }
0x1a2: {  	[tilespmem:s11], [sflag:$0x1] =	stream.indirect_vreg.gather [hbm4b:s5+s2], $0x80, v4, vm1, $0xb8;
	[tilespmem:$0x19400] =	vst v63  }
0x1a3: {  	s11 =	simm.s32 $0xC800  }
0x1a4: {  	[tilespmem:s11], [sflag:$0x1] =	stream.indirect_vreg.gather [hbm4b:s3+s2], $0x80, v3, vm0, $0xb8;
	[tilespmem:$0x19400] =	vst v63  }
0x1a5: {  	s11 =	simm.s32 $0xD000  }
0x1a6: {  	[tilespmem:s11], [sflag:$0x1] =	stream.indirect_vreg.gather [hbm4b:s5+s2], $0x80, v3, vm1, $0xb8;
	[tilespmem:$0x19400] =	vst v63  }
0x1a7: {  	_ =	swait.ge [sflag:s28], $0xC000  }
0x1a8: {  	[sflag:s28] =	ssyncset.done $0x0  }
0x1a9: {  	[sflag:s28] =	ssyncadd.s32 $0xFFFF4000  }
0x1aa: {  	[hbm4b:s30+s2] =	stream.linear.scatter [tilespmem:s19], [sflag:$0x3], $0xC000, $0x38;
	[tilespmem:$0x19400] =	vst v63  }
0x1ab: {  	_ =	swait.ge [sflag:s12], $0xC000  }
0x1ac: {  	s11 =	smin.u32 s31, $0x24;
	[sflag:s12] =	ssyncset.done $0x0  }
0x1ad: {  	s1 =	sshll.u32 s11, $0x7;
	[sflag:s12] =	ssyncadd.s32 $0xFFFF4000  }
0x1ae: {  	v3 =	vld [tilespmem:s1+$0x180];
	_ =	sdelay $0x4  }
0x1af: {  	v56 =	vshrl.u32 v3, $0x3  }
0x1b0: {  	v4 =	vmul.u32 $0x18, v56  }
0x1b1: {  	v3 =	vand.u32 $0x7, v3  }
0x1b2: {  	v3 =	vor.u32 v3, v4  }
0x1b3: {  	v4 =	vperm.xlane v3, v0;
	_ =	sdelay $0x1  }
0x1b4: {  	v4 =	vadd.s32 v1, v4;
	_ =	sdelay $0x1  }
0x1b5: {  	v3 =	vperm.xlane v3, v2;
	_ =	sdelay $0x1  }
0x1b6: {  	v3 =	vadd.s32 v1, v3  }
0x1b7: {  	[tilespmem:s19], [sflag:$0x2] =	stream.indirect_vreg.gather [hbm4b:s3+s2], $0x80, v4, vm0, $0xb8;
	[tilespmem:$0x19400] =	vst v63  }
0x1b8: {  	s11 =	simm.s32 $0xDC00  }
0x1b9: {  	[tilespmem:s11], [sflag:$0x2] =	stream.indirect_vreg.gather [hbm4b:s5+s2], $0x80, v4, vm1, $0xb8;
	[tilespmem:$0x19400] =	vst v63  }
0x1ba: {  	s11 =	simm.s32 $0xE000  }
0x1bb: {  	[tilespmem:s11], [sflag:$0x2] =	stream.indirect_vreg.gather [hbm4b:s3+s2], $0x80, v3, vm0, $0xb8;
	[tilespmem:$0x19400] =	vst v63  }
0x1bc: {  	s11 =	simm.s32 $0xE800  }
0x1bd: {  	[tilespmem:s11], [sflag:$0x2] =	stream.indirect_vreg.gather [hbm4b:s5+s2], $0x80, v3, vm1, $0xb8;
	[tilespmem:$0x19400] =	vst v63  }
0x1be: {  	v3 =	vld [tilespmem:s1+$0x190];
	_ =	sdelay $0x4  }
0x1bf: {  	v57 =	vshrl.u32 v3, $0x3  }
0x1c0: {  	v4 =	vmul.u32 $0x18, v57  }
0x1c1: {  	v3 =	vand.u32 $0x7, v3  }
0x1c2: {  	v3 =	vor.u32 v3, v4  }
0x1c3: {  	v4 =	vperm.xlane v3, v0;
	_ =	sdelay $0x1  }
0x1c4: {  	v4 =	vadd.s32 v1, v4;
	_ =	sdelay $0x1  }
0x1c5: {  	v3 =	vperm.xlane v3, v2;
	_ =	sdelay $0x1  }
0x1c6: {  	s11 =	simm.s32 $0xEC00;
	v3 =	vadd.s32 v1, v3  }
0x1c7: {  	[tilespmem:s11], [sflag:$0x2] =	stream.indirect_vreg.gather [hbm4b:s3+s2], $0x80, v4, vm0, $0xb8;
	[tilespmem:$0x19400] =	vst v63  }
0x1c8: {  	s11 =	simm.s32 $0xF400  }
0x1c9: {  	[tilespmem:s11], [sflag:$0x2] =	stream.indirect_vreg.gather [hbm4b:s5+s2], $0x80, v4, vm1, $0xb8;
	[tilespmem:$0x19400] =	vst v63  }
0x1ca: {  	s11 =	simm.s32 $0xF800  }
0x1cb: {  	[tilespmem:s11], [sflag:$0x2] =	stream.indirect_vreg.gather [hbm4b:s3+s2], $0x80, v3, vm0, $0xb8;
	[tilespmem:$0x19400] =	vst v63  }
0x1cc: {  	s11 =	simm.s32 $0x10000  }
0x1cd: {  	[tilespmem:s11], [sflag:$0x2] =	stream.indirect_vreg.gather [hbm4b:s5+s2], $0x80, v3, vm1, $0xb8;
	[tilespmem:$0x19400] =	vst v63  }
0x1ce: {  	v3 =	vld [tilespmem:s1+$0x1A0];
	_ =	sdelay $0x4  }
0x1cf: {  	v58 =	vshrl.u32 v3, $0x3  }
0x1d0: {  	v4 =	vmul.u32 $0x18, v58  }
0x1d1: {  	v3 =	vand.u32 $0x7, v3  }
0x1d2: {  	v3 =	vor.u32 v3, v4  }
0x1d3: {  	v4 =	vperm.xlane v3, v0;
	_ =	sdelay $0x1  }
0x1d4: {  	v4 =	vadd.s32 v1, v4;
	_ =	sdelay $0x1  }
0x1d5: {  	v3 =	vperm.xlane v3, v2;
	_ =	sdelay $0x1  }
0x1d6: {  	s11 =	simm.s32 $0x10400;
	v3 =	vadd.s32 v1, v3  }
0x1d7: {  	[tilespmem:s11], [sflag:$0x2] =	stream.indirect_vreg.gather [hbm4b:s3+s2], $0x80, v4, vm0, $0xb8;
	[tilespmem:$0x19400] =	vst v63  }
0x1d8: {  	s11 =	simm.s32 $0x10C00  }
0x1d9: {  	[tilespmem:s11], [sflag:$0x2] =	stream.indirect_vreg.gather [hbm4b:s5+s2], $0x80, v4, vm1, $0xb8;
	[tilespmem:$0x19400] =	vst v63  }
0x1da: {  	s11 =	simm.s32 $0x11000  }
0x1db: {  	[tilespmem:s11], [sflag:$0x2] =	stream.indirect_vreg.gather [hbm4b:s3+s2], $0x80, v3, vm0, $0xb8;
	[tilespmem:$0x19400] =	vst v63  }
0x1dc: {  	s11 =	simm.s32 $0x11800  }
0x1dd: {  	[tilespmem:s11], [sflag:$0x2] =	stream.indirect_vreg.gather [hbm4b:s5+s2], $0x80, v3, vm1, $0xb8;
	[tilespmem:$0x19400] =	vst v63  }
0x1de: {  	v3 =	vld [tilespmem:s1+$0x1B0];
	_ =	sdelay $0x4  }
0x1df: {  	v59 =	vshrl.u32 v3, $0x3  }
0x1e0: {  	v4 =	vmul.u32 $0x18, v59  }
0x1e1: {  	v3 =	vand.u32 $0x7, v3  }
0x1e2: {  	v3 =	vor.u32 v3, v4  }
0x1e3: {  	v4 =	vperm.xlane v3, v0;
	_ =	sdelay $0x1  }
0x1e4: {  	v4 =	vadd.s32 v1, v4;
	_ =	sdelay $0x1  }
0x1e5: {  	v3 =	vperm.xlane v3, v2;
	_ =	sdelay $0x1  }
0x1e6: {  	s11 =	simm.s32 $0x11C00;
	v3 =	vadd.s32 v1, v3  }
0x1e7: {  	[tilespmem:s11], [sflag:$0x2] =	stream.indirect_vreg.gather [hbm4b:s3+s2], $0x80, v4, vm0, $0xb8;
	[tilespmem:$0x19400] =	vst v63  }
0x1e8: {  	s11 =	simm.s32 $0x12400  }
0x1e9: {  	[tilespmem:s11], [sflag:$0x2] =	stream.indirect_vreg.gather [hbm4b:s5+s2], $0x80, v4, vm1, $0xb8;
	[tilespmem:$0x19400] =	vst v63  }
0x1ea: {  	s11 =	simm.s32 $0x12800  }
0x1eb: {  	[tilespmem:s11], [sflag:$0x2] =	stream.indirect_vreg.gather [hbm4b:s3+s2], $0x80, v3, vm0, $0xb8;
	[tilespmem:$0x19400] =	vst v63  }
0x1ec: {  	s11 =	simm.s32 $0x13000  }
0x1ed: {  	[tilespmem:s11], [sflag:$0x2] =	stream.indirect_vreg.gather [hbm4b:s5+s2], $0x80, v3, vm1, $0xb8;
	[tilespmem:$0x19400] =	vst v63  }
0x1ee: {  	v3 =	vld [tilespmem:s1+$0x1C0];
	_ =	sdelay $0x4  }
0x1ef: {  	v60 =	vshrl.u32 v3, $0x3  }
0x1f0: {  	v4 =	vmul.u32 $0x18, v60  }
0x1f1: {  	v3 =	vand.u32 $0x7, v3  }
0x1f2: {  	v3 =	vor.u32 v3, v4  }
0x1f3: {  	v4 =	vperm.xlane v3, v0;
	_ =	sdelay $0x1  }
0x1f4: {  	v4 =	vadd.s32 v1, v4;
	_ =	sdelay $0x1  }
0x1f5: {  	v3 =	vperm.xlane v3, v2;
	_ =	sdelay $0x1  }
0x1f6: {  	s11 =	simm.s32 $0x13400;
	v3 =	vadd.s32 v1, v3  }
0x1f7: {  	[tilespmem:s11], [sflag:$0x2] =	stream.indirect_vreg.gather [hbm4b:s3+s2], $0x80, v4, vm0, $0xb8;
	[tilespmem:$0x19400] =	vst v63  }
0x1f8: {  	s11 =	simm.s32 $0x13C00  }
0x1f9: {  	[tilespmem:s11], [sflag:$0x2] =	stream.indirect_vreg.gather [hbm4b:s5+s2], $0x80, v4, vm1, $0xb8;
	[tilespmem:$0x19400] =	vst v63  }
0x1fa: {  	s11 =	simm.s32 $0x14000  }
0x1fb: {  	[tilespmem:s11], [sflag:$0x2] =	stream.indirect_vreg.gather [hbm4b:s3+s2], $0x80, v3, vm0, $0xb8;
	[tilespmem:$0x19400] =	vst v63  }
0x1fc: {  	s11 =	simm.s32 $0x14800  }
0x1fd: {  	[tilespmem:s11], [sflag:$0x2] =	stream.indirect_vreg.gather [hbm4b:s5+s2], $0x80, v3, vm1, $0xb8;
	[tilespmem:$0x19400] =	vst v63  }
0x1fe: {  	v3 =	vld [tilespmem:s1+$0x1D0];
	_ =	sdelay $0x4  }
0x1ff: {  	v61 =	vshrl.u32 v3, $0x3  }
0x200: {  	v4 =	vmul.u32 $0x18, v61  }
0x201: {  	v3 =	vand.u32 $0x7, v3  }
0x202: {  	v3 =	vor.u32 v3, v4  }
0x203: {  	v4 =	vperm.xlane v3, v0;
	_ =	sdelay $0x1  }
0x204: {  	v4 =	vadd.s32 v1, v4;
	_ =	sdelay $0x1  }
0x205: {  	v3 =	vperm.xlane v3, v2;
	_ =	sdelay $0x1  }
0x206: {  	s11 =	simm.s32 $0x14C00;
	v3 =	vadd.s32 v1, v3  }
0x207: {  	[tilespmem:s11], [sflag:$0x2] =	stream.indirect_vreg.gather [hbm4b:s3+s2], $0x80, v4, vm0, $0xb8;
	[tilespmem:$0x19400] =	vst v63  }
0x208: {  	s11 =	simm.s32 $0x15400  }
0x209: {  	[tilespmem:s11], [sflag:$0x2] =	stream.indirect_vreg.gather [hbm4b:s5+s2], $0x80, v4, vm1, $0xb8;
	[tilespmem:$0x19400] =	vst v63  }
0x20a: {  	s11 =	simm.s32 $0x15800  }
0x20b: {  	[tilespmem:s11], [sflag:$0x2] =	stream.indirect_vreg.gather [hbm4b:s3+s2], $0x80, v3, vm0, $0xb8;
	[tilespmem:$0x19400] =	vst v63  }
0x20c: {  	s11 =	simm.s32 $0x16000  }
0x20d: {  	[tilespmem:s11], [sflag:$0x2] =	stream.indirect_vreg.gather [hbm4b:s5+s2], $0x80, v3, vm1, $0xb8;
	[tilespmem:$0x19400] =	vst v63  }
0x20e: {  	v3 =	vld [tilespmem:s1+$0x1E0];
	_ =	sdelay $0x4  }
0x20f: {  	v62 =	vshrl.u32 v3, $0x3  }
0x210: {  	v4 =	vmul.u32 $0x18, v62  }
0x211: {  	v3 =	vand.u32 $0x7, v3  }
0x212: {  	v3 =	vor.u32 v3, v4  }
0x213: {  	v4 =	vperm.xlane v3, v0;
	_ =	sdelay $0x1  }
0x214: {  	v4 =	vadd.s32 v1, v4;
	_ =	sdelay $0x1  }
0x215: {  	v3 =	vperm.xlane v3, v2;
	_ =	sdelay $0x1  }
0x216: {  	s11 =	simm.s32 $0x16400;
	v3 =	vadd.s32 v1, v3  }
0x217: {  	[tilespmem:s11], [sflag:$0x2] =	stream.indirect_vreg.gather [hbm4b:s3+s2], $0x80, v4, vm0, $0xb8;
	[tilespmem:$0x19400] =	vst v63  }
0x218: {  	s11 =	simm.s32 $0x16C00  }
0x219: {  	[tilespmem:s11], [sflag:$0x2] =	stream.indirect_vreg.gather [hbm4b:s5+s2], $0x80, v4, vm1, $0xb8;
	[tilespmem:$0x19400] =	vst v63  }
0x21a: {  	s11 =	simm.s32 $0x17000  }
0x21b: {  	[tilespmem:s11], [sflag:$0x2] =	stream.indirect_vreg.gather [hbm4b:s3+s2], $0x80, v3, vm0, $0xb8;
	[tilespmem:$0x19400] =	vst v63  }
0x21c: {  	s11 =	simm.s32 $0x17800  }
0x21d: {  	[tilespmem:s11], [sflag:$0x2] =	stream.indirect_vreg.gather [hbm4b:s5+s2], $0x80, v3, vm1, $0xb8;
	[tilespmem:$0x19400] =	vst v63  }
0x21e: {  	v3 =	vld [tilespmem:s1+$0x1F0];
	_ =	sdelay $0x4  }
0x21f: {  	v63 =	vshrl.u32 v3, $0x3  }
0x220: {  	v4 =	vmul.u32 $0x18, v63  }
0x221: {  	v3 =	vand.u32 $0x7, v3  }
0x222: {  	v3 =	vor.u32 v3, v4  }
0x223: {  	v4 =	vperm.xlane v3, v0;
	_ =	sdelay $0x1  }
0x224: {  	v4 =	vadd.s32 v1, v4;
	_ =	sdelay $0x2  }
0x225: {  	v3 =	vperm.xlane v3, v2;
	_ =	sdelay $0x1  }
0x226: {  	v3 =	vadd.s32 v1, v3;
	[tilespmem:s7], [sflag:$0x2] =	stream.indirect_vreg.gather [hbm4b:s3+s2], $0x80, v4, vm0, $0xb8;
	[tilespmem:$0x19400] =	vst v63  }
0x227: {  	p0 =	sne.s32 s31, $0x26  }
0x228: {  	[tilespmem:s8], [sflag:$0x2] =	stream.indirect_vreg.gather [hbm4b:s5+s2], $0x80, v4, vm1, $0xb8;
	[tilespmem:$0x19400] =	vst v63  }
.Ltmp0:
0x229: {  	_ = 	snop;
	(pc) =	sbr.rel @p0 .LBB2_2-.Ltmp0, $4  }
0x22a: {  	_ = 	snop  }
0x22b: {  	[tilespmem:s9], [sflag:$0x2] =	stream.indirect_vreg.gather [hbm4b:s3+s2], $0x80, v3, vm0, $0xb8;
	[tilespmem:$0x19400] =	vst v63  }
0x22c: {  	s29 =	sadd.s32 $0x3000, s29;
	s31 =	sadd.s32 $0x2, s31;
	s30 =	sadd.s32 $0x3000, s30  }
0x22d: {  	[tilespmem:s10], [sflag:$0x2] =	stream.indirect_vreg.gather [hbm4b:s5+s2], $0x80, v3, vm1, $0xb8;
	[tilespmem:$0x19400] =	vst v63  }
0x22e: {  	_ =	swait.ge [sflag:s26], $0xC000  }
0x22f: {  	[sflag:s26] =	ssyncset.done $0x0  }
0x230: {  	[sflag:s26] =	ssyncadd.s32 $0xFFFF4000  }
0x231: {  	_ =	swait.ge [sflag:s28], $0xC000  }
0x232: {  	[sflag:s28] =	ssyncset.done $0x0  }
0x233: {  	s29 =	simm.s32 $0x0;
	s1 =	rddreg [dreg:$0x4];
	[sflag:s28] =	ssyncadd.s32 $0xFFFF4000  }
0x234: {  	[tilespmem:s29], [sflag:$0x3] =	stream.linear.gather [hbm4b:s1+s29], $0x1400, $0x38;
	[tilespmem:$0x19400] =	vst v63  }
0x235: {  	_ =	swait.ge [sflag:s12], $0x1400  }
0x236: {  	[sflag:s12] =	ssyncset.done $0x0  }
0x237: {  	[sflag:s12] =	ssyncadd.s32 $0xFFFFEC00  }
0x238: {  	v3 =	vld [tilespmem:$0x0];
	_ =	sdelay $0x4  }
0x239: {  	v4 =	vshrl.u32 v3, $0x3  }
0x23a: {  	v4 =	vmul.u32 $0x18, v4  }
0x23b: {  	v3 =	vand.u32 $0x7, v3  }
0x23c: {  	v3 =	vor.u32 v3, v4  }
0x23d: {  	v4 =	vperm.xlane v3, v0;
	_ =	sdelay $0x1  }
0x23e: {  	v4 =	vadd.s32 v1, v4;
	_ =	sdelay $0x1  }
0x23f: {  	v3 =	vperm.xlane v3, v2;
	_ =	sdelay $0x1  }
0x240: {  	v3 =	vadd.s32 v1, v3  }
0x241: {  	[tilespmem:s13], [sflag:$0x1] =	stream.indirect_vreg.gather [hbm4b:s3+s29], $0x80, v4, vm0, $0xb8;
	[tilespmem:$0x19400] =	vst v63  }
0x242: {  	s11 =	simm.s32 $0x1C00  }
0x243: {  	[tilespmem:s11], [sflag:$0x1] =	stream.indirect_vreg.gather [hbm4b:s5+s29], $0x80, v4, vm1, $0xb8;
	[tilespmem:$0x19400] =	vst v63  }
0x244: {  	s11 =	simm.s32 $0x2000  }
0x245: {  	[tilespmem:s11], [sflag:$0x1] =	stream.indirect_vreg.gather [hbm4b:s3+s29], $0x80, v3, vm0, $0xb8;
	[tilespmem:$0x19400] =	vst v63  }
0x246: {  	s11 =	simm.s32 $0x2800  }
0x247: {  	[tilespmem:s11], [sflag:$0x1] =	stream.indirect_vreg.gather [hbm4b:s5+s29], $0x80, v3, vm1, $0xb8;
	[tilespmem:$0x19400] =	vst v63  }
0x248: {  	v3 =	vld [tilespmem:$0x10];
	_ =	sdelay $0x4  }
0x249: {  	v49 =	vshrl.u32 v3, $0x3  }
0x24a: {  	v4 =	vmul.u32 $0x18, v49  }
0x24b: {  	v3 =	vand.u32 $0x7, v3  }
0x24c: {  	v3 =	vor.u32 v3, v4  }
0x24d: {  	v4 =	vperm.xlane v3, v0;
	_ =	sdelay $0x1  }
0x24e: {  	v4 =	vadd.s32 v1, v4;
	_ =	sdelay $0x1  }
0x24f: {  	v3 =	vperm.xlane v3, v2;
	_ =	sdelay $0x1  }
0x250: {  	s11 =	simm.s32 $0x2C00;
	v3 =	vadd.s32 v1, v3  }
0x251: {  	[tilespmem:s11], [sflag:$0x1] =	stream.indirect_vreg.gather [hbm4b:s3+s29], $0x80, v4, vm0, $0xb8;
	[tilespmem:$0x19400] =	vst v63  }
0x252: {  	s11 =	simm.s32 $0x3400  }
0x253: {  	[tilespmem:s11], [sflag:$0x1] =	stream.indirect_vreg.gather [hbm4b:s5+s29], $0x80, v4, vm1, $0xb8;
	[tilespmem:$0x19400] =	vst v63  }
0x254: {  	s11 =	simm.s32 $0x3800  }
0x255: {  	[tilespmem:s11], [sflag:$0x1] =	stream.indirect_vreg.gather [hbm4b:s3+s29], $0x80, v3, vm0, $0xb8;
	[tilespmem:$0x19400] =	vst v63  }
0x256: {  	s11 =	simm.s32 $0x4000  }
0x257: {  	[tilespmem:s11], [sflag:$0x1] =	stream.indirect_vreg.gather [hbm4b:s5+s29], $0x80, v3, vm1, $0xb8;
	[tilespmem:$0x19400] =	vst v63  }
0x258: {  	v3 =	vld [tilespmem:$0x20];
	_ =	sdelay $0x4  }
0x259: {  	v50 =	vshrl.u32 v3, $0x3  }
0x25a: {  	v4 =	vmul.u32 $0x18, v50  }
0x25b: {  	v3 =	vand.u32 $0x7, v3  }
0x25c: {  	v3 =	vor.u32 v3, v4  }
0x25d: {  	v4 =	vperm.xlane v3, v0;
	_ =	sdelay $0x1  }
0x25e: {  	v4 =	vadd.s32 v1, v4;
	_ =	sdelay $0x1  }
0x25f: {  	v3 =	vperm.xlane v3, v2;
	_ =	sdelay $0x1  }
0x260: {  	s11 =	simm.s32 $0x4400;
	v3 =	vadd.s32 v1, v3  }
0x261: {  	[tilespmem:s11], [sflag:$0x1] =	stream.indirect_vreg.gather [hbm4b:s3+s29], $0x80, v4, vm0, $0xb8;
	[tilespmem:$0x19400] =	vst v63  }
0x262: {  	_ = 	snop  }
0x263: {  	[tilespmem:s14], [sflag:$0x1] =	stream.indirect_vreg.gather [hbm4b:s5+s29], $0x80, v4, vm1, $0xb8;
	[tilespmem:$0x19400] =	vst v63  }
0x264: {  	_ = 	snop  }
0x265: {  	[tilespmem:s15], [sflag:$0x1] =	stream.indirect_vreg.gather [hbm4b:s3+s29], $0x80, v3, vm0, $0xb8;
	[tilespmem:$0x19400] =	vst v63  }
0x266: {  	_ = 	snop  }
0x267: {  	[tilespmem:s16], [sflag:$0x1] =	stream.indirect_vreg.gather [hbm4b:s5+s29], $0x80, v3, vm1, $0xb8;
	[tilespmem:$0x19400] =	vst v63  }
0x268: {  	v3 =	vld [tilespmem:$0x30];
	_ =	sdelay $0x4  }
0x269: {  	v51 =	vshrl.u32 v3, $0x3  }
0x26a: {  	v4 =	vmul.u32 $0x18, v51  }
0x26b: {  	v3 =	vand.u32 $0x7, v3  }
0x26c: {  	v3 =	vor.u32 v3, v4  }
0x26d: {  	v4 =	vperm.xlane v3, v0;
	_ =	sdelay $0x1  }
0x26e: {  	v4 =	vadd.s32 v1, v4;
	_ =	sdelay $0x1  }
0x26f: {  	v3 =	vperm.xlane v3, v2;
	_ =	sdelay $0x1  }
0x270: {  	v3 =	vadd.s32 v1, v3  }
0x271: {  	[tilespmem:s17], [sflag:$0x1] =	stream.indirect_vreg.gather [hbm4b:s3+s29], $0x80, v4, vm0, $0xb8;
	[tilespmem:$0x19400] =	vst v63  }
0x272: {  	_ = 	snop  }
0x273: {  	[tilespmem:s18], [sflag:$0x1] =	stream.indirect_vreg.gather [hbm4b:s5+s29], $0x80, v4, vm1, $0xb8;
	[tilespmem:$0x19400] =	vst v63  }
0x274: {  	_ = 	snop  }
0x275: {  	[tilespmem:s20], [sflag:$0x1] =	stream.indirect_vreg.gather [hbm4b:s3+s29], $0x80, v3, vm0, $0xb8;
	[tilespmem:$0x19400] =	vst v63  }
0x276: {  	_ = 	snop  }
0x277: {  	[tilespmem:s21], [sflag:$0x1] =	stream.indirect_vreg.gather [hbm4b:s5+s29], $0x80, v3, vm1, $0xb8;
	[tilespmem:$0x19400] =	vst v63  }
0x278: {  	v3 =	vld [tilespmem:$0x40];
	_ =	sdelay $0x4  }
0x279: {  	v52 =	vshrl.u32 v3, $0x3  }
0x27a: {  	v4 =	vmul.u32 $0x18, v52  }
0x27b: {  	v3 =	vand.u32 $0x7, v3  }
0x27c: {  	v3 =	vor.u32 v3, v4  }
0x27d: {  	v4 =	vperm.xlane v3, v0;
	_ =	sdelay $0x1  }
0x27e: {  	v4 =	vadd.s32 v1, v4;
	_ =	sdelay $0x1  }
0x27f: {  	v3 =	vperm.xlane v3, v2;
	_ =	sdelay $0x1  }
0x280: {  	v3 =	vadd.s32 v1, v3  }
0x281: {  	[tilespmem:s22], [sflag:$0x1] =	stream.indirect_vreg.gather [hbm4b:s3+s29], $0x80, v4, vm0, $0xb8;
	[tilespmem:$0x19400] =	vst v63  }
0x282: {  	_ = 	snop  }
0x283: {  	[tilespmem:s23], [sflag:$0x1] =	stream.indirect_vreg.gather [hbm4b:s5+s29], $0x80, v4, vm1, $0xb8;
	[tilespmem:$0x19400] =	vst v63  }
0x284: {  	_ = 	snop  }
0x285: {  	[tilespmem:s24], [sflag:$0x1] =	stream.indirect_vreg.gather [hbm4b:s3+s29], $0x80, v3, vm0, $0xb8;
	[tilespmem:$0x19400] =	vst v63  }
0x286: {  	_ = 	snop  }
0x287: {  	[tilespmem:s25], [sflag:$0x1] =	stream.indirect_vreg.gather [hbm4b:s5+s29], $0x80, v3, vm1, $0xb8;
	[tilespmem:$0x19400] =	vst v63  }
0x288: {  	v3 =	vld [tilespmem:$0x50];
	_ =	sdelay $0x4  }
0x289: {  	v53 =	vshrl.u32 v3, $0x3  }
0x28a: {  	v4 =	vmul.u32 $0x18, v53  }
0x28b: {  	v3 =	vand.u32 $0x7, v3  }
0x28c: {  	v3 =	vor.u32 v3, v4  }
0x28d: {  	v4 =	vperm.xlane v3, v0;
	_ =	sdelay $0x1  }
0x28e: {  	v4 =	vadd.s32 v1, v4;
	_ =	sdelay $0x1  }
0x28f: {  	v3 =	vperm.xlane v3, v2;
	_ =	sdelay $0x1  }
0x290: {  	v3 =	vadd.s32 v1, v3  }
0x291: {  	[tilespmem:s0], [sflag:$0x1] =	stream.indirect_vreg.gather [hbm4b:s3+s29], $0x80, v4, vm0, $0xb8;
	[tilespmem:$0x19400] =	vst v63  }
0x292: {  	_ = 	snop  }
0x293: {  	[tilespmem:s4], [sflag:$0x1] =	stream.indirect_vreg.gather [hbm4b:s5+s29], $0x80, v4, vm1, $0xb8;
	[tilespmem:$0x19400] =	vst v63  }
0x294: {  	_ = 	snop  }
0x295: {  	[tilespmem:s6], [sflag:$0x1] =	stream.indirect_vreg.gather [hbm4b:s3+s29], $0x80, v3, vm0, $0xb8;
	[tilespmem:$0x19400] =	vst v63  }
0x296: {  	s11 =	simm.s32 $0xA000  }
0x297: {  	[tilespmem:s11], [sflag:$0x1] =	stream.indirect_vreg.gather [hbm4b:s5+s29], $0x80, v3, vm1, $0xb8;
	[tilespmem:$0x19400] =	vst v63  }
0x298: {  	v3 =	vld [tilespmem:$0x60];
	_ =	sdelay $0x4  }
0x299: {  	v54 =	vshrl.u32 v3, $0x3  }
0x29a: {  	v4 =	vmul.u32 $0x18, v54  }
0x29b: {  	v3 =	vand.u32 $0x7, v3  }
0x29c: {  	v3 =	vor.u32 v3, v4  }
0x29d: {  	v4 =	vperm.xlane v3, v0;
	_ =	sdelay $0x1  }
0x29e: {  	v4 =	vadd.s32 v1, v4;
	_ =	sdelay $0x1  }
0x29f: {  	v3 =	vperm.xlane v3, v2;
	_ =	sdelay $0x1  }
0x2a0: {  	s11 =	simm.s32 $0xA400;
	v3 =	vadd.s32 v1, v3  }
0x2a1: {  	[tilespmem:s11], [sflag:$0x1] =	stream.indirect_vreg.gather [hbm4b:s3+s29], $0x80, v4, vm0, $0xb8;
	[tilespmem:$0x19400] =	vst v63  }
0x2a2: {  	s11 =	simm.s32 $0xAC00  }
0x2a3: {  	[tilespmem:s11], [sflag:$0x1] =	stream.indirect_vreg.gather [hbm4b:s5+s29], $0x80, v4, vm1, $0xb8;
	[tilespmem:$0x19400] =	vst v63  }
0x2a4: {  	s11 =	simm.s32 $0xB000  }
0x2a5: {  	[tilespmem:s11], [sflag:$0x1] =	stream.indirect_vreg.gather [hbm4b:s3+s29], $0x80, v3, vm0, $0xb8;
	[tilespmem:$0x19400] =	vst v63  }
0x2a6: {  	s11 =	simm.s32 $0xB800  }
0x2a7: {  	[tilespmem:s11], [sflag:$0x1] =	stream.indirect_vreg.gather [hbm4b:s5+s29], $0x80, v3, vm1, $0xb8;
	[tilespmem:$0x19400] =	vst v63  }
0x2a8: {  	v3 =	vld [tilespmem:$0x70];
	_ =	sdelay $0x4  }
0x2a9: {  	v55 =	vshrl.u32 v3, $0x3  }
0x2aa: {  	v4 =	vmul.u32 $0x18, v55  }
0x2ab: {  	v3 =	vand.u32 $0x7, v3  }
0x2ac: {  	v3 =	vor.u32 v3, v4  }
0x2ad: {  	v4 =	vperm.xlane v3, v0;
	_ =	sdelay $0x1  }
0x2ae: {  	v4 =	vadd.s32 v1, v4;
	_ =	sdelay $0x1  }
0x2af: {  	v3 =	vperm.xlane v3, v2;
	_ =	sdelay $0x1  }
0x2b0: {  	s11 =	simm.s32 $0xBC00;
	v3 =	vadd.s32 v1, v3  }
0x2b1: {  	[tilespmem:s11], [sflag:$0x1] =	stream.indirect_vreg.gather [hbm4b:s3+s29], $0x80, v4, vm0, $0xb8;
	[tilespmem:$0x19400] =	vst v63  }
0x2b2: {  	s11 =	simm.s32 $0xC400  }
0x2b3: {  	[tilespmem:s11], [sflag:$0x1] =	stream.indirect_vreg.gather [hbm4b:s5+s29], $0x80, v4, vm1, $0xb8;
	[tilespmem:$0x19400] =	vst v63  }
0x2b4: {  	s11 =	simm.s32 $0xC800  }
0x2b5: {  	[tilespmem:s11], [sflag:$0x1] =	stream.indirect_vreg.gather [hbm4b:s3+s29], $0x80, v3, vm0, $0xb8;
	[tilespmem:$0x19400] =	vst v63  }
0x2b6: {  	s11 =	simm.s32 $0xD000  }
0x2b7: {  	[tilespmem:s11], [sflag:$0x1] =	stream.indirect_vreg.gather [hbm4b:s5+s29], $0x80, v3, vm1, $0xb8;
	[tilespmem:$0x19400] =	vst v63  }
0x2b8: {  	v3 =	vld [tilespmem:$0x80];
	_ =	sdelay $0x4  }
0x2b9: {  	v56 =	vshrl.u32 v3, $0x3  }
0x2ba: {  	v4 =	vmul.u32 $0x18, v56  }
0x2bb: {  	v3 =	vand.u32 $0x7, v3  }
0x2bc: {  	v3 =	vor.u32 v3, v4  }
0x2bd: {  	v4 =	vperm.xlane v3, v0;
	_ =	sdelay $0x1  }
0x2be: {  	v4 =	vadd.s32 v1, v4;
	_ =	sdelay $0x1  }
0x2bf: {  	v3 =	vperm.xlane v3, v2;
	_ =	sdelay $0x1  }
0x2c0: {  	v3 =	vadd.s32 v1, v3  }
0x2c1: {  	[tilespmem:s19], [sflag:$0x2] =	stream.indirect_vreg.gather [hbm4b:s3+s29], $0x80, v4, vm0, $0xb8;
	[tilespmem:$0x19400] =	vst v63  }
0x2c2: {  	s11 =	simm.s32 $0xDC00  }
0x2c3: {  	[tilespmem:s11], [sflag:$0x2] =	stream.indirect_vreg.gather [hbm4b:s5+s29], $0x80, v4, vm1, $0xb8;
	[tilespmem:$0x19400] =	vst v63  }
0x2c4: {  	s11 =	simm.s32 $0xE000  }
0x2c5: {  	[tilespmem:s11], [sflag:$0x2] =	stream.indirect_vreg.gather [hbm4b:s3+s29], $0x80, v3, vm0, $0xb8;
	[tilespmem:$0x19400] =	vst v63  }
0x2c6: {  	s11 =	simm.s32 $0xE800  }
0x2c7: {  	[tilespmem:s11], [sflag:$0x2] =	stream.indirect_vreg.gather [hbm4b:s5+s29], $0x80, v3, vm1, $0xb8;
	[tilespmem:$0x19400] =	vst v63  }
0x2c8: {  	v3 =	vld [tilespmem:$0x90];
	_ =	sdelay $0x4  }
0x2c9: {  	v57 =	vshrl.u32 v3, $0x3  }
0x2ca: {  	v4 =	vmul.u32 $0x18, v57  }
0x2cb: {  	v3 =	vand.u32 $0x7, v3  }
0x2cc: {  	v3 =	vor.u32 v3, v4  }
0x2cd: {  	v4 =	vperm.xlane v3, v0;
	_ =	sdelay $0x1  }
0x2ce: {  	v4 =	vadd.s32 v1, v4;
	_ =	sdelay $0x1  }
0x2cf: {  	v3 =	vperm.xlane v3, v2;
	_ =	sdelay $0x1  }
0x2d0: {  	s11 =	simm.s32 $0xEC00;
	v3 =	vadd.s32 v1, v3  }
0x2d1: {  	[tilespmem:s11], [sflag:$0x2] =	stream.indirect_vreg.gather [hbm4b:s3+s29], $0x80, v4, vm0, $0xb8;
	[tilespmem:$0x19400] =	vst v63  }
0x2d2: {  	s11 =	simm.s32 $0xF400  }
0x2d3: {  	[tilespmem:s11], [sflag:$0x2] =	stream.indirect_vreg.gather [hbm4b:s5+s29], $0x80, v4, vm1, $0xb8;
	[tilespmem:$0x19400] =	vst v63  }
0x2d4: {  	s11 =	simm.s32 $0xF800  }
0x2d5: {  	[tilespmem:s11], [sflag:$0x2] =	stream.indirect_vreg.gather [hbm4b:s3+s29], $0x80, v3, vm0, $0xb8;
	[tilespmem:$0x19400] =	vst v63  }
0x2d6: {  	s11 =	simm.s32 $0x10000  }
0x2d7: {  	[tilespmem:s11], [sflag:$0x2] =	stream.indirect_vreg.gather [hbm4b:s5+s29], $0x80, v3, vm1, $0xb8;
	[tilespmem:$0x19400] =	vst v63  }
0x2d8: {  	v3 =	vld [tilespmem:$0xA0];
	_ =	sdelay $0x4  }
0x2d9: {  	v58 =	vshrl.u32 v3, $0x3  }
0x2da: {  	v4 =	vmul.u32 $0x18, v58  }
0x2db: {  	v3 =	vand.u32 $0x7, v3  }
0x2dc: {  	v3 =	vor.u32 v3, v4  }
0x2dd: {  	v4 =	vperm.xlane v3, v0;
	_ =	sdelay $0x1  }
0x2de: {  	v4 =	vadd.s32 v1, v4;
	_ =	sdelay $0x1  }
0x2df: {  	v3 =	vperm.xlane v3, v2;
	_ =	sdelay $0x1  }
0x2e0: {  	s11 =	simm.s32 $0x10400;
	v3 =	vadd.s32 v1, v3  }
0x2e1: {  	[tilespmem:s11], [sflag:$0x2] =	stream.indirect_vreg.gather [hbm4b:s3+s29], $0x80, v4, vm0, $0xb8;
	[tilespmem:$0x19400] =	vst v63  }
0x2e2: {  	s11 =	simm.s32 $0x10C00  }
0x2e3: {  	[tilespmem:s11], [sflag:$0x2] =	stream.indirect_vreg.gather [hbm4b:s5+s29], $0x80, v4, vm1, $0xb8;
	[tilespmem:$0x19400] =	vst v63  }
0x2e4: {  	s11 =	simm.s32 $0x11000  }
0x2e5: {  	[tilespmem:s11], [sflag:$0x2] =	stream.indirect_vreg.gather [hbm4b:s3+s29], $0x80, v3, vm0, $0xb8;
	[tilespmem:$0x19400] =	vst v63  }
0x2e6: {  	s11 =	simm.s32 $0x11800  }
0x2e7: {  	[tilespmem:s11], [sflag:$0x2] =	stream.indirect_vreg.gather [hbm4b:s5+s29], $0x80, v3, vm1, $0xb8;
	[tilespmem:$0x19400] =	vst v63  }
0x2e8: {  	v3 =	vld [tilespmem:$0xB0];
	_ =	sdelay $0x4  }
0x2e9: {  	v59 =	vshrl.u32 v3, $0x3  }
0x2ea: {  	v4 =	vmul.u32 $0x18, v59  }
0x2eb: {  	v3 =	vand.u32 $0x7, v3  }
0x2ec: {  	v3 =	vor.u32 v3, v4  }
0x2ed: {  	v4 =	vperm.xlane v3, v0;
	_ =	sdelay $0x1  }
0x2ee: {  	v4 =	vadd.s32 v1, v4;
	_ =	sdelay $0x1  }
0x2ef: {  	v3 =	vperm.xlane v3, v2;
	_ =	sdelay $0x1  }
0x2f0: {  	s11 =	simm.s32 $0x11C00;
	v3 =	vadd.s32 v1, v3  }
0x2f1: {  	[tilespmem:s11], [sflag:$0x2] =	stream.indirect_vreg.gather [hbm4b:s3+s29], $0x80, v4, vm0, $0xb8;
	[tilespmem:$0x19400] =	vst v63  }
0x2f2: {  	s11 =	simm.s32 $0x12400  }
0x2f3: {  	[tilespmem:s11], [sflag:$0x2] =	stream.indirect_vreg.gather [hbm4b:s5+s29], $0x80, v4, vm1, $0xb8;
	[tilespmem:$0x19400] =	vst v63  }
0x2f4: {  	s11 =	simm.s32 $0x12800  }
0x2f5: {  	[tilespmem:s11], [sflag:$0x2] =	stream.indirect_vreg.gather [hbm4b:s3+s29], $0x80, v3, vm0, $0xb8;
	[tilespmem:$0x19400] =	vst v63  }
0x2f6: {  	s11 =	simm.s32 $0x13000  }
0x2f7: {  	[tilespmem:s11], [sflag:$0x2] =	stream.indirect_vreg.gather [hbm4b:s5+s29], $0x80, v3, vm1, $0xb8;
	[tilespmem:$0x19400] =	vst v63  }
0x2f8: {  	v3 =	vld [tilespmem:$0xC0];
	_ =	sdelay $0x4  }
0x2f9: {  	v60 =	vshrl.u32 v3, $0x3  }
0x2fa: {  	v4 =	vmul.u32 $0x18, v60  }
0x2fb: {  	v3 =	vand.u32 $0x7, v3  }
0x2fc: {  	v3 =	vor.u32 v3, v4  }
0x2fd: {  	v4 =	vperm.xlane v3, v0;
	_ =	sdelay $0x1  }
0x2fe: {  	v4 =	vadd.s32 v1, v4;
	_ =	sdelay $0x1  }
0x2ff: {  	v3 =	vperm.xlane v3, v2;
	_ =	sdelay $0x1  }
0x300: {  	s11 =	simm.s32 $0x13400;
	v3 =	vadd.s32 v1, v3  }
0x301: {  	[tilespmem:s11], [sflag:$0x2] =	stream.indirect_vreg.gather [hbm4b:s3+s29], $0x80, v4, vm0, $0xb8;
	[tilespmem:$0x19400] =	vst v63  }
0x302: {  	s11 =	simm.s32 $0x13C00  }
0x303: {  	[tilespmem:s11], [sflag:$0x2] =	stream.indirect_vreg.gather [hbm4b:s5+s29], $0x80, v4, vm1, $0xb8;
	[tilespmem:$0x19400] =	vst v63  }
0x304: {  	s11 =	simm.s32 $0x14000  }
0x305: {  	[tilespmem:s11], [sflag:$0x2] =	stream.indirect_vreg.gather [hbm4b:s3+s29], $0x80, v3, vm0, $0xb8;
	[tilespmem:$0x19400] =	vst v63  }
0x306: {  	s11 =	simm.s32 $0x14800  }
0x307: {  	[tilespmem:s11], [sflag:$0x2] =	stream.indirect_vreg.gather [hbm4b:s5+s29], $0x80, v3, vm1, $0xb8;
	[tilespmem:$0x19400] =	vst v63  }
0x308: {  	v3 =	vld [tilespmem:$0xD0];
	_ =	sdelay $0x4  }
0x309: {  	v61 =	vshrl.u32 v3, $0x3  }
0x30a: {  	v4 =	vmul.u32 $0x18, v61  }
0x30b: {  	v3 =	vand.u32 $0x7, v3  }
0x30c: {  	v3 =	vor.u32 v3, v4  }
0x30d: {  	v4 =	vperm.xlane v3, v0;
	_ =	sdelay $0x1  }
0x30e: {  	v4 =	vadd.s32 v1, v4;
	_ =	sdelay $0x1  }
0x30f: {  	v3 =	vperm.xlane v3, v2;
	_ =	sdelay $0x1  }
0x310: {  	s11 =	simm.s32 $0x14C00;
	v3 =	vadd.s32 v1, v3  }
0x311: {  	[tilespmem:s11], [sflag:$0x2] =	stream.indirect_vreg.gather [hbm4b:s3+s29], $0x80, v4, vm0, $0xb8;
	[tilespmem:$0x19400] =	vst v63  }
0x312: {  	s11 =	simm.s32 $0x15400  }
0x313: {  	[tilespmem:s11], [sflag:$0x2] =	stream.indirect_vreg.gather [hbm4b:s5+s29], $0x80, v4, vm1, $0xb8;
	[tilespmem:$0x19400] =	vst v63  }
0x314: {  	s11 =	simm.s32 $0x15800  }
0x315: {  	[tilespmem:s11], [sflag:$0x2] =	stream.indirect_vreg.gather [hbm4b:s3+s29], $0x80, v3, vm0, $0xb8;
	[tilespmem:$0x19400] =	vst v63  }
0x316: {  	s11 =	simm.s32 $0x16000  }
0x317: {  	[tilespmem:s11], [sflag:$0x2] =	stream.indirect_vreg.gather [hbm4b:s5+s29], $0x80, v3, vm1, $0xb8;
	[tilespmem:$0x19400] =	vst v63  }
0x318: {  	v3 =	vld [tilespmem:$0xE0];
	_ =	sdelay $0x4  }
0x319: {  	v62 =	vshrl.u32 v3, $0x3  }
0x31a: {  	v4 =	vmul.u32 $0x18, v62  }
0x31b: {  	v3 =	vand.u32 $0x7, v3  }
0x31c: {  	v3 =	vor.u32 v3, v4  }
0x31d: {  	v4 =	vperm.xlane v3, v0;
	_ =	sdelay $0x1  }
0x31e: {  	v4 =	vadd.s32 v1, v4;
	_ =	sdelay $0x1  }
0x31f: {  	v3 =	vperm.xlane v3, v2;
	_ =	sdelay $0x1  }
0x320: {  	s11 =	simm.s32 $0x16400;
	v3 =	vadd.s32 v1, v3  }
0x321: {  	[tilespmem:s11], [sflag:$0x2] =	stream.indirect_vreg.gather [hbm4b:s3+s29], $0x80, v4, vm0, $0xb8;
	[tilespmem:$0x19400] =	vst v63  }
0x322: {  	s11 =	simm.s32 $0x16C00  }
0x323: {  	[tilespmem:s11], [sflag:$0x2] =	stream.indirect_vreg.gather [hbm4b:s5+s29], $0x80, v4, vm1, $0xb8;
	[tilespmem:$0x19400] =	vst v63  }
0x324: {  	s11 =	simm.s32 $0x17000  }
0x325: {  	[tilespmem:s11], [sflag:$0x2] =	stream.indirect_vreg.gather [hbm4b:s3+s29], $0x80, v3, vm0, $0xb8;
	[tilespmem:$0x19400] =	vst v63  }
0x326: {  	s11 =	simm.s32 $0x17800  }
0x327: {  	[tilespmem:s11], [sflag:$0x2] =	stream.indirect_vreg.gather [hbm4b:s5+s29], $0x80, v3, vm1, $0xb8;
	[tilespmem:$0x19400] =	vst v63  }
0x328: {  	v3 =	vld [tilespmem:$0xF0];
	_ =	sdelay $0x4  }
0x329: {  	v63 =	vshrl.u32 v3, $0x3  }
0x32a: {  	v4 =	vmul.u32 $0x18, v63  }
0x32b: {  	v3 =	vand.u32 $0x7, v3  }
0x32c: {  	v3 =	vor.u32 v3, v4  }
0x32d: {  	v4 =	vperm.xlane v3, v0;
	_ =	sdelay $0x1  }
0x32e: {  	v4 =	vadd.s32 v1, v4;
	_ =	sdelay $0x1  }
0x32f: {  	v3 =	vperm.xlane v3, v2;
	_ =	sdelay $0x1  }
0x330: {  	v3 =	vadd.s32 v1, v3  }
0x331: {  	[tilespmem:s7], [sflag:$0x2] =	stream.indirect_vreg.gather [hbm4b:s3+s29], $0x80, v4, vm0, $0xb8;
	[tilespmem:$0x19400] =	vst v63  }
0x332: {  	_ = 	snop  }
0x333: {  	[tilespmem:s8], [sflag:$0x2] =	stream.indirect_vreg.gather [hbm4b:s5+s29], $0x80, v4, vm1, $0xb8;
	[tilespmem:$0x19400] =	vst v63  }
0x334: {  	s30 =	rddreg [dreg:$0x9]  }
0x335: {  	[tilespmem:s9], [sflag:$0x2] =	stream.indirect_vreg.gather [hbm4b:s3+s29], $0x80, v3, vm0, $0xb8;
	[tilespmem:$0x19400] =	vst v63  }
0x336: {  	s31 =	rddreg [dreg:$0x8]  }
0x337: {  	[tilespmem:s10], [sflag:$0x2] =	stream.indirect_vreg.gather [hbm4b:s5+s29], $0x80, v3, vm1, $0xb8;
	[tilespmem:$0x19400] =	vst v63  }
.LBB2_4:
0x338: {  	_ =	swait.ge [sflag:s26], $0xC000  }
0x339: {  	[sflag:s26] =	ssyncset.done $0x0  }
0x33a: {  	[sflag:s26] =	ssyncadd.s32 $0xFFFF4000  }
0x33b: {  	[hbm4b:s30+s2] =	stream.linear.scatter [tilespmem:s13], [sflag:$0x3], $0xC000, $0x38;
	[tilespmem:$0x19400] =	vst v63  }
0x33c: {  	_ =	swait.ge [sflag:s12], $0xC000  }
0x33d: {  	s1 =	smin.u32 s29, $0x25;
	[sflag:s12] =	ssyncset.done $0x0  }
0x33e: {  	s1 =	sshll.u32 s1, $0x7;
	[sflag:s12] =	ssyncadd.s32 $0xFFFF4000  }
0x33f: {  	v3 =	vld [tilespmem:s1+$0x100];
	_ =	sdelay $0x4  }
0x340: {  	v4 =	vshrl.u32 v3, $0x3  }
0x341: {  	v4 =	vmul.u32 $0x18, v4  }
0x342: {  	v3 =	vand.u32 $0x7, v3  }
0x343: {  	v3 =	vor.u32 v3, v4  }
0x344: {  	v4 =	vperm.xlane v3, v0;
	_ =	sdelay $0x1  }
0x345: {  	v4 =	vadd.s32 v1, v4;
	_ =	sdelay $0x1  }
0x346: {  	v3 =	vperm.xlane v3, v2;
	_ =	sdelay $0x1  }
0x347: {  	v3 =	vadd.s32 v1, v3  }
0x348: {  	[tilespmem:s13], [sflag:$0x1] =	stream.indirect_vreg.gather [hbm4b:s3+s2], $0x80, v4, vm0, $0xb8;
	[tilespmem:$0x19400] =	vst v63  }
0x349: {  	s11 =	simm.s32 $0x1C00  }
0x34a: {  	[tilespmem:s11], [sflag:$0x1] =	stream.indirect_vreg.gather [hbm4b:s5+s2], $0x80, v4, vm1, $0xb8;
	[tilespmem:$0x19400] =	vst v63  }
0x34b: {  	s11 =	simm.s32 $0x2000  }
0x34c: {  	[tilespmem:s11], [sflag:$0x1] =	stream.indirect_vreg.gather [hbm4b:s3+s2], $0x80, v3, vm0, $0xb8;
	[tilespmem:$0x19400] =	vst v63  }
0x34d: {  	s11 =	simm.s32 $0x2800  }
0x34e: {  	[tilespmem:s11], [sflag:$0x1] =	stream.indirect_vreg.gather [hbm4b:s5+s2], $0x80, v3, vm1, $0xb8;
	[tilespmem:$0x19400] =	vst v63  }
0x34f: {  	v3 =	vld [tilespmem:s1+$0x110];
	_ =	sdelay $0x4  }
0x350: {  	v49 =	vshrl.u32 v3, $0x3  }
0x351: {  	v4 =	vmul.u32 $0x18, v49  }
0x352: {  	v3 =	vand.u32 $0x7, v3  }
0x353: {  	v3 =	vor.u32 v3, v4  }
0x354: {  	v4 =	vperm.xlane v3, v0;
	_ =	sdelay $0x1  }
0x355: {  	v4 =	vadd.s32 v1, v4;
	_ =	sdelay $0x1  }
0x356: {  	v3 =	vperm.xlane v3, v2;
	_ =	sdelay $0x1  }
0x357: {  	s11 =	simm.s32 $0x2C00;
	v3 =	vadd.s32 v1, v3  }
0x358: {  	[tilespmem:s11], [sflag:$0x1] =	stream.indirect_vreg.gather [hbm4b:s3+s2], $0x80, v4, vm0, $0xb8;
	[tilespmem:$0x19400] =	vst v63  }
0x359: {  	s11 =	simm.s32 $0x3400  }
0x35a: {  	[tilespmem:s11], [sflag:$0x1] =	stream.indirect_vreg.gather [hbm4b:s5+s2], $0x80, v4, vm1, $0xb8;
	[tilespmem:$0x19400] =	vst v63  }
0x35b: {  	s11 =	simm.s32 $0x3800  }
0x35c: {  	[tilespmem:s11], [sflag:$0x1] =	stream.indirect_vreg.gather [hbm4b:s3+s2], $0x80, v3, vm0, $0xb8;
	[tilespmem:$0x19400] =	vst v63  }
0x35d: {  	s11 =	simm.s32 $0x4000  }
0x35e: {  	[tilespmem:s11], [sflag:$0x1] =	stream.indirect_vreg.gather [hbm4b:s5+s2], $0x80, v3, vm1, $0xb8;
	[tilespmem:$0x19400] =	vst v63  }
0x35f: {  	v3 =	vld [tilespmem:s1+$0x120];
	_ =	sdelay $0x4  }
0x360: {  	v50 =	vshrl.u32 v3, $0x3  }
0x361: {  	v4 =	vmul.u32 $0x18, v50  }
0x362: {  	v3 =	vand.u32 $0x7, v3  }
0x363: {  	v3 =	vor.u32 v3, v4  }
0x364: {  	v4 =	vperm.xlane v3, v0;
	_ =	sdelay $0x1  }
0x365: {  	v4 =	vadd.s32 v1, v4;
	_ =	sdelay $0x1  }
0x366: {  	v3 =	vperm.xlane v3, v2;
	_ =	sdelay $0x1  }
0x367: {  	s11 =	simm.s32 $0x4400;
	v3 =	vadd.s32 v1, v3  }
0x368: {  	[tilespmem:s11], [sflag:$0x1] =	stream.indirect_vreg.gather [hbm4b:s3+s2], $0x80, v4, vm0, $0xb8;
	[tilespmem:$0x19400] =	vst v63  }
0x369: {  	_ = 	snop  }
0x36a: {  	[tilespmem:s14], [sflag:$0x1] =	stream.indirect_vreg.gather [hbm4b:s5+s2], $0x80, v4, vm1, $0xb8;
	[tilespmem:$0x19400] =	vst v63  }
0x36b: {  	_ = 	snop  }
0x36c: {  	[tilespmem:s15], [sflag:$0x1] =	stream.indirect_vreg.gather [hbm4b:s3+s2], $0x80, v3, vm0, $0xb8;
	[tilespmem:$0x19400] =	vst v63  }
0x36d: {  	_ = 	snop  }
0x36e: {  	[tilespmem:s16], [sflag:$0x1] =	stream.indirect_vreg.gather [hbm4b:s5+s2], $0x80, v3, vm1, $0xb8;
	[tilespmem:$0x19400] =	vst v63  }
0x36f: {  	v3 =	vld [tilespmem:s1+$0x130];
	_ =	sdelay $0x4  }
0x370: {  	v51 =	vshrl.u32 v3, $0x3  }
0x371: {  	v4 =	vmul.u32 $0x18, v51  }
0x372: {  	v3 =	vand.u32 $0x7, v3  }
0x373: {  	v3 =	vor.u32 v3, v4  }
0x374: {  	v4 =	vperm.xlane v3, v0;
	_ =	sdelay $0x1  }
0x375: {  	v4 =	vadd.s32 v1, v4;
	_ =	sdelay $0x1  }
0x376: {  	v3 =	vperm.xlane v3, v2;
	_ =	sdelay $0x1  }
0x377: {  	v3 =	vadd.s32 v1, v3  }
0x378: {  	[tilespmem:s17], [sflag:$0x1] =	stream.indirect_vreg.gather [hbm4b:s3+s2], $0x80, v4, vm0, $0xb8;
	[tilespmem:$0x19400] =	vst v63  }
0x379: {  	_ = 	snop  }
0x37a: {  	[tilespmem:s18], [sflag:$0x1] =	stream.indirect_vreg.gather [hbm4b:s5+s2], $0x80, v4, vm1, $0xb8;
	[tilespmem:$0x19400] =	vst v63  }
0x37b: {  	_ = 	snop  }
0x37c: {  	[tilespmem:s20], [sflag:$0x1] =	stream.indirect_vreg.gather [hbm4b:s3+s2], $0x80, v3, vm0, $0xb8;
	[tilespmem:$0x19400] =	vst v63  }
0x37d: {  	_ = 	snop  }
0x37e: {  	[tilespmem:s21], [sflag:$0x1] =	stream.indirect_vreg.gather [hbm4b:s5+s2], $0x80, v3, vm1, $0xb8;
	[tilespmem:$0x19400] =	vst v63  }
0x37f: {  	v3 =	vld [tilespmem:s1+$0x140];
	_ =	sdelay $0x4  }
0x380: {  	v52 =	vshrl.u32 v3, $0x3  }
0x381: {  	v4 =	vmul.u32 $0x18, v52  }
0x382: {  	v3 =	vand.u32 $0x7, v3  }
0x383: {  	v3 =	vor.u32 v3, v4  }
0x384: {  	v4 =	vperm.xlane v3, v0;
	_ =	sdelay $0x1  }
0x385: {  	v4 =	vadd.s32 v1, v4;
	_ =	sdelay $0x1  }
0x386: {  	v3 =	vperm.xlane v3, v2;
	_ =	sdelay $0x1  }
0x387: {  	v3 =	vadd.s32 v1, v3  }
0x388: {  	[tilespmem:s22], [sflag:$0x1] =	stream.indirect_vreg.gather [hbm4b:s3+s2], $0x80, v4, vm0, $0xb8;
	[tilespmem:$0x19400] =	vst v63  }
0x389: {  	_ = 	snop  }
0x38a: {  	[tilespmem:s23], [sflag:$0x1] =	stream.indirect_vreg.gather [hbm4b:s5+s2], $0x80, v4, vm1, $0xb8;
	[tilespmem:$0x19400] =	vst v63  }
0x38b: {  	_ = 	snop  }
0x38c: {  	[tilespmem:s24], [sflag:$0x1] =	stream.indirect_vreg.gather [hbm4b:s3+s2], $0x80, v3, vm0, $0xb8;
	[tilespmem:$0x19400] =	vst v63  }
0x38d: {  	_ = 	snop  }
0x38e: {  	[tilespmem:s25], [sflag:$0x1] =	stream.indirect_vreg.gather [hbm4b:s5+s2], $0x80, v3, vm1, $0xb8;
	[tilespmem:$0x19400] =	vst v63  }
0x38f: {  	v3 =	vld [tilespmem:s1+$0x150];
	_ =	sdelay $0x4  }
0x390: {  	v53 =	vshrl.u32 v3, $0x3  }
0x391: {  	v4 =	vmul.u32 $0x18, v53  }
0x392: {  	v3 =	vand.u32 $0x7, v3  }
0x393: {  	v3 =	vor.u32 v3, v4  }
0x394: {  	v4 =	vperm.xlane v3, v0;
	_ =	sdelay $0x1  }
0x395: {  	v4 =	vadd.s32 v1, v4;
	_ =	sdelay $0x1  }
0x396: {  	v3 =	vperm.xlane v3, v2;
	_ =	sdelay $0x1  }
0x397: {  	v3 =	vadd.s32 v1, v3  }
0x398: {  	[tilespmem:s0], [sflag:$0x1] =	stream.indirect_vreg.gather [hbm4b:s3+s2], $0x80, v4, vm0, $0xb8;
	[tilespmem:$0x19400] =	vst v63  }
0x399: {  	_ = 	snop  }
0x39a: {  	[tilespmem:s4], [sflag:$0x1] =	stream.indirect_vreg.gather [hbm4b:s5+s2], $0x80, v4, vm1, $0xb8;
	[tilespmem:$0x19400] =	vst v63  }
0x39b: {  	_ = 	snop  }
0x39c: {  	[tilespmem:s6], [sflag:$0x1] =	stream.indirect_vreg.gather [hbm4b:s3+s2], $0x80, v3, vm0, $0xb8;
	[tilespmem:$0x19400] =	vst v63  }
0x39d: {  	s11 =	simm.s32 $0xA000  }
0x39e: {  	[tilespmem:s11], [sflag:$0x1] =	stream.indirect_vreg.gather [hbm4b:s5+s2], $0x80, v3, vm1, $0xb8;
	[tilespmem:$0x19400] =	vst v63  }
0x39f: {  	v3 =	vld [tilespmem:s1+$0x160];
	_ =	sdelay $0x4  }
0x3a0: {  	v54 =	vshrl.u32 v3, $0x3  }
0x3a1: {  	v4 =	vmul.u32 $0x18, v54  }
0x3a2: {  	v3 =	vand.u32 $0x7, v3  }
0x3a3: {  	v3 =	vor.u32 v3, v4  }
0x3a4: {  	v4 =	vperm.xlane v3, v0;
	_ =	sdelay $0x1  }
0x3a5: {  	v4 =	vadd.s32 v1, v4;
	_ =	sdelay $0x1  }
0x3a6: {  	v3 =	vperm.xlane v3, v2;
	_ =	sdelay $0x1  }
0x3a7: {  	s11 =	simm.s32 $0xA400;
	v3 =	vadd.s32 v1, v3  }
0x3a8: {  	[tilespmem:s11], [sflag:$0x1] =	stream.indirect_vreg.gather [hbm4b:s3+s2], $0x80, v4, vm0, $0xb8;
	[tilespmem:$0x19400] =	vst v63  }
0x3a9: {  	s11 =	simm.s32 $0xAC00  }
0x3aa: {  	[tilespmem:s11], [sflag:$0x1] =	stream.indirect_vreg.gather [hbm4b:s5+s2], $0x80, v4, vm1, $0xb8;
	[tilespmem:$0x19400] =	vst v63  }
0x3ab: {  	s11 =	simm.s32 $0xB000  }
0x3ac: {  	[tilespmem:s11], [sflag:$0x1] =	stream.indirect_vreg.gather [hbm4b:s3+s2], $0x80, v3, vm0, $0xb8;
	[tilespmem:$0x19400] =	vst v63  }
0x3ad: {  	s11 =	simm.s32 $0xB800  }
0x3ae: {  	[tilespmem:s11], [sflag:$0x1] =	stream.indirect_vreg.gather [hbm4b:s5+s2], $0x80, v3, vm1, $0xb8;
	[tilespmem:$0x19400] =	vst v63  }
0x3af: {  	v3 =	vld [tilespmem:s1+$0x170];
	_ =	sdelay $0x4  }
0x3b0: {  	v55 =	vshrl.u32 v3, $0x3  }
0x3b1: {  	v4 =	vmul.u32 $0x18, v55  }
0x3b2: {  	v3 =	vand.u32 $0x7, v3  }
0x3b3: {  	v3 =	vor.u32 v3, v4  }
0x3b4: {  	v4 =	vperm.xlane v3, v0;
	_ =	sdelay $0x1  }
0x3b5: {  	v4 =	vadd.s32 v1, v4;
	_ =	sdelay $0x1  }
0x3b6: {  	v3 =	vperm.xlane v3, v2;
	_ =	sdelay $0x1  }
0x3b7: {  	s11 =	simm.s32 $0xBC00;
	v3 =	vadd.s32 v1, v3  }
0x3b8: {  	[tilespmem:s11], [sflag:$0x1] =	stream.indirect_vreg.gather [hbm4b:s3+s2], $0x80, v4, vm0, $0xb8;
	[tilespmem:$0x19400] =	vst v63  }
0x3b9: {  	s11 =	simm.s32 $0xC400  }
0x3ba: {  	[tilespmem:s11], [sflag:$0x1] =	stream.indirect_vreg.gather [hbm4b:s5+s2], $0x80, v4, vm1, $0xb8;
	[tilespmem:$0x19400] =	vst v63  }
0x3bb: {  	s11 =	simm.s32 $0xC800  }
0x3bc: {  	[tilespmem:s11], [sflag:$0x1] =	stream.indirect_vreg.gather [hbm4b:s3+s2], $0x80, v3, vm0, $0xb8;
	[tilespmem:$0x19400] =	vst v63  }
0x3bd: {  	s11 =	simm.s32 $0xD000  }
0x3be: {  	[tilespmem:s11], [sflag:$0x1] =	stream.indirect_vreg.gather [hbm4b:s5+s2], $0x80, v3, vm1, $0xb8;
	[tilespmem:$0x19400] =	vst v63  }
0x3bf: {  	_ =	swait.ge [sflag:s28], $0xC000  }
0x3c0: {  	[sflag:s28] =	ssyncset.done $0x0  }
0x3c1: {  	[sflag:s28] =	ssyncadd.s32 $0xFFFF4000  }
0x3c2: {  	[hbm4b:s31+s2] =	stream.linear.scatter [tilespmem:s19], [sflag:$0x3], $0xC000, $0x38;
	[tilespmem:$0x19400] =	vst v63  }
0x3c3: {  	_ =	swait.ge [sflag:s12], $0xC000  }
0x3c4: {  	s11 =	smin.u32 s29, $0x24;
	[sflag:s12] =	ssyncset.done $0x0  }
0x3c5: {  	s1 =	sshll.u32 s11, $0x7;
	[sflag:s12] =	ssyncadd.s32 $0xFFFF4000  }
0x3c6: {  	v3 =	vld [tilespmem:s1+$0x180];
	_ =	sdelay $0x4  }
0x3c7: {  	v56 =	vshrl.u32 v3, $0x3  }
0x3c8: {  	v4 =	vmul.u32 $0x18, v56  }
0x3c9: {  	v3 =	vand.u32 $0x7, v3  }
0x3ca: {  	v3 =	vor.u32 v3, v4  }
0x3cb: {  	v4 =	vperm.xlane v3, v0;
	_ =	sdelay $0x1  }
0x3cc: {  	v4 =	vadd.s32 v1, v4;
	_ =	sdelay $0x1  }
0x3cd: {  	v3 =	vperm.xlane v3, v2;
	_ =	sdelay $0x1  }
0x3ce: {  	v3 =	vadd.s32 v1, v3  }
0x3cf: {  	[tilespmem:s19], [sflag:$0x2] =	stream.indirect_vreg.gather [hbm4b:s3+s2], $0x80, v4, vm0, $0xb8;
	[tilespmem:$0x19400] =	vst v63  }
0x3d0: {  	s11 =	simm.s32 $0xDC00  }
0x3d1: {  	[tilespmem:s11], [sflag:$0x2] =	stream.indirect_vreg.gather [hbm4b:s5+s2], $0x80, v4, vm1, $0xb8;
	[tilespmem:$0x19400] =	vst v63  }
0x3d2: {  	s11 =	simm.s32 $0xE000  }
0x3d3: {  	[tilespmem:s11], [sflag:$0x2] =	stream.indirect_vreg.gather [hbm4b:s3+s2], $0x80, v3, vm0, $0xb8;
	[tilespmem:$0x19400] =	vst v63  }
0x3d4: {  	s11 =	simm.s32 $0xE800  }
0x3d5: {  	[tilespmem:s11], [sflag:$0x2] =	stream.indirect_vreg.gather [hbm4b:s5+s2], $0x80, v3, vm1, $0xb8;
	[tilespmem:$0x19400] =	vst v63  }
0x3d6: {  	v3 =	vld [tilespmem:s1+$0x190];
	_ =	sdelay $0x4  }
0x3d7: {  	v57 =	vshrl.u32 v3, $0x3  }
0x3d8: {  	v4 =	vmul.u32 $0x18, v57  }
0x3d9: {  	v3 =	vand.u32 $0x7, v3  }
0x3da: {  	v3 =	vor.u32 v3, v4  }
0x3db: {  	v4 =	vperm.xlane v3, v0;
	_ =	sdelay $0x1  }
0x3dc: {  	v4 =	vadd.s32 v1, v4;
	_ =	sdelay $0x1  }
0x3dd: {  	v3 =	vperm.xlane v3, v2;
	_ =	sdelay $0x1  }
0x3de: {  	s11 =	simm.s32 $0xEC00;
	v3 =	vadd.s32 v1, v3  }
0x3df: {  	[tilespmem:s11], [sflag:$0x2] =	stream.indirect_vreg.gather [hbm4b:s3+s2], $0x80, v4, vm0, $0xb8;
	[tilespmem:$0x19400] =	vst v63  }
0x3e0: {  	s11 =	simm.s32 $0xF400  }
0x3e1: {  	[tilespmem:s11], [sflag:$0x2] =	stream.indirect_vreg.gather [hbm4b:s5+s2], $0x80, v4, vm1, $0xb8;
	[tilespmem:$0x19400] =	vst v63  }
0x3e2: {  	s11 =	simm.s32 $0xF800  }
0x3e3: {  	[tilespmem:s11], [sflag:$0x2] =	stream.indirect_vreg.gather [hbm4b:s3+s2], $0x80, v3, vm0, $0xb8;
	[tilespmem:$0x19400] =	vst v63  }
0x3e4: {  	s11 =	simm.s32 $0x10000  }
0x3e5: {  	[tilespmem:s11], [sflag:$0x2] =	stream.indirect_vreg.gather [hbm4b:s5+s2], $0x80, v3, vm1, $0xb8;
	[tilespmem:$0x19400] =	vst v63  }
0x3e6: {  	v3 =	vld [tilespmem:s1+$0x1A0];
	_ =	sdelay $0x4  }
0x3e7: {  	v58 =	vshrl.u32 v3, $0x3  }
0x3e8: {  	v4 =	vmul.u32 $0x18, v58  }
0x3e9: {  	v3 =	vand.u32 $0x7, v3  }
0x3ea: {  	v3 =	vor.u32 v3, v4  }
0x3eb: {  	v4 =	vperm.xlane v3, v0;
	_ =	sdelay $0x1  }
0x3ec: {  	v4 =	vadd.s32 v1, v4;
	_ =	sdelay $0x1  }
0x3ed: {  	v3 =	vperm.xlane v3, v2;
	_ =	sdelay $0x1  }
0x3ee: {  	s11 =	simm.s32 $0x10400;
	v3 =	vadd.s32 v1, v3  }
0x3ef: {  	[tilespmem:s11], [sflag:$0x2] =	stream.indirect_vreg.gather [hbm4b:s3+s2], $0x80, v4, vm0, $0xb8;
	[tilespmem:$0x19400] =	vst v63  }
0x3f0: {  	s11 =	simm.s32 $0x10C00  }
0x3f1: {  	[tilespmem:s11], [sflag:$0x2] =	stream.indirect_vreg.gather [hbm4b:s5+s2], $0x80, v4, vm1, $0xb8;
	[tilespmem:$0x19400] =	vst v63  }
0x3f2: {  	s11 =	simm.s32 $0x11000  }
0x3f3: {  	[tilespmem:s11], [sflag:$0x2] =	stream.indirect_vreg.gather [hbm4b:s3+s2], $0x80, v3, vm0, $0xb8;
	[tilespmem:$0x19400] =	vst v63  }
0x3f4: {  	s11 =	simm.s32 $0x11800  }
0x3f5: {  	[tilespmem:s11], [sflag:$0x2] =	stream.indirect_vreg.gather [hbm4b:s5+s2], $0x80, v3, vm1, $0xb8;
	[tilespmem:$0x19400] =	vst v63  }
0x3f6: {  	v3 =	vld [tilespmem:s1+$0x1B0];
	_ =	sdelay $0x4  }
0x3f7: {  	v59 =	vshrl.u32 v3, $0x3  }
0x3f8: {  	v4 =	vmul.u32 $0x18, v59  }
0x3f9: {  	v3 =	vand.u32 $0x7, v3  }
0x3fa: {  	v3 =	vor.u32 v3, v4  }
0x3fb: {  	v4 =	vperm.xlane v3, v0;
	_ =	sdelay $0x1  }
0x3fc: {  	v4 =	vadd.s32 v1, v4;
	_ =	sdelay $0x1  }
0x3fd: {  	v3 =	vperm.xlane v3, v2;
	_ =	sdelay $0x1  }
0x3fe: {  	s11 =	simm.s32 $0x11C00;
	v3 =	vadd.s32 v1, v3  }
0x3ff: {  	[tilespmem:s11], [sflag:$0x2] =	stream.indirect_vreg.gather [hbm4b:s3+s2], $0x80, v4, vm0, $0xb8;
	[tilespmem:$0x19400] =	vst v63  }
0x400: {  	s11 =	simm.s32 $0x12400  }
0x401: {  	[tilespmem:s11], [sflag:$0x2] =	stream.indirect_vreg.gather [hbm4b:s5+s2], $0x80, v4, vm1, $0xb8;
	[tilespmem:$0x19400] =	vst v63  }
0x402: {  	s11 =	simm.s32 $0x12800  }
0x403: {  	[tilespmem:s11], [sflag:$0x2] =	stream.indirect_vreg.gather [hbm4b:s3+s2], $0x80, v3, vm0, $0xb8;
	[tilespmem:$0x19400] =	vst v63  }
0x404: {  	s11 =	simm.s32 $0x13000  }
0x405: {  	[tilespmem:s11], [sflag:$0x2] =	stream.indirect_vreg.gather [hbm4b:s5+s2], $0x80, v3, vm1, $0xb8;
	[tilespmem:$0x19400] =	vst v63  }
0x406: {  	v3 =	vld [tilespmem:s1+$0x1C0];
	_ =	sdelay $0x4  }
0x407: {  	v60 =	vshrl.u32 v3, $0x3  }
0x408: {  	v4 =	vmul.u32 $0x18, v60  }
0x409: {  	v3 =	vand.u32 $0x7, v3  }
0x40a: {  	v3 =	vor.u32 v3, v4  }
0x40b: {  	v4 =	vperm.xlane v3, v0;
	_ =	sdelay $0x1  }
0x40c: {  	v4 =	vadd.s32 v1, v4;
	_ =	sdelay $0x1  }
0x40d: {  	v3 =	vperm.xlane v3, v2;
	_ =	sdelay $0x1  }
0x40e: {  	s11 =	simm.s32 $0x13400;
	v3 =	vadd.s32 v1, v3  }
0x40f: {  	[tilespmem:s11], [sflag:$0x2] =	stream.indirect_vreg.gather [hbm4b:s3+s2], $0x80, v4, vm0, $0xb8;
	[tilespmem:$0x19400] =	vst v63  }
0x410: {  	s11 =	simm.s32 $0x13C00  }
0x411: {  	[tilespmem:s11], [sflag:$0x2] =	stream.indirect_vreg.gather [hbm4b:s5+s2], $0x80, v4, vm1, $0xb8;
	[tilespmem:$0x19400] =	vst v63  }
0x412: {  	s11 =	simm.s32 $0x14000  }
0x413: {  	[tilespmem:s11], [sflag:$0x2] =	stream.indirect_vreg.gather [hbm4b:s3+s2], $0x80, v3, vm0, $0xb8;
	[tilespmem:$0x19400] =	vst v63  }
0x414: {  	s11 =	simm.s32 $0x14800  }
0x415: {  	[tilespmem:s11], [sflag:$0x2] =	stream.indirect_vreg.gather [hbm4b:s5+s2], $0x80, v3, vm1, $0xb8;
	[tilespmem:$0x19400] =	vst v63  }
0x416: {  	v3 =	vld [tilespmem:s1+$0x1D0];
	_ =	sdelay $0x4  }
0x417: {  	v61 =	vshrl.u32 v3, $0x3  }
0x418: {  	v4 =	vmul.u32 $0x18, v61  }
0x419: {  	v3 =	vand.u32 $0x7, v3  }
0x41a: {  	v3 =	vor.u32 v3, v4  }
0x41b: {  	v4 =	vperm.xlane v3, v0;
	_ =	sdelay $0x1  }
0x41c: {  	v4 =	vadd.s32 v1, v4;
	_ =	sdelay $0x1  }
0x41d: {  	v3 =	vperm.xlane v3, v2;
	_ =	sdelay $0x1  }
0x41e: {  	s11 =	simm.s32 $0x14C00;
	v3 =	vadd.s32 v1, v3  }
0x41f: {  	[tilespmem:s11], [sflag:$0x2] =	stream.indirect_vreg.gather [hbm4b:s3+s2], $0x80, v4, vm0, $0xb8;
	[tilespmem:$0x19400] =	vst v63  }
0x420: {  	s11 =	simm.s32 $0x15400  }
0x421: {  	[tilespmem:s11], [sflag:$0x2] =	stream.indirect_vreg.gather [hbm4b:s5+s2], $0x80, v4, vm1, $0xb8;
	[tilespmem:$0x19400] =	vst v63  }
0x422: {  	s11 =	simm.s32 $0x15800  }
0x423: {  	[tilespmem:s11], [sflag:$0x2] =	stream.indirect_vreg.gather [hbm4b:s3+s2], $0x80, v3, vm0, $0xb8;
	[tilespmem:$0x19400] =	vst v63  }
0x424: {  	s11 =	simm.s32 $0x16000  }
0x425: {  	[tilespmem:s11], [sflag:$0x2] =	stream.indirect_vreg.gather [hbm4b:s5+s2], $0x80, v3, vm1, $0xb8;
	[tilespmem:$0x19400] =	vst v63  }
0x426: {  	v3 =	vld [tilespmem:s1+$0x1E0];
	_ =	sdelay $0x4  }
0x427: {  	v62 =	vshrl.u32 v3, $0x3  }
0x428: {  	v4 =	vmul.u32 $0x18, v62  }
0x429: {  	v3 =	vand.u32 $0x7, v3  }
0x42a: {  	v3 =	vor.u32 v3, v4  }
0x42b: {  	v4 =	vperm.xlane v3, v0;
	_ =	sdelay $0x1  }
0x42c: {  	v4 =	vadd.s32 v1, v4;
	_ =	sdelay $0x1  }
0x42d: {  	v3 =	vperm.xlane v3, v2;
	_ =	sdelay $0x1  }
0x42e: {  	s11 =	simm.s32 $0x16400;
	v3 =	vadd.s32 v1, v3  }
0x42f: {  	[tilespmem:s11], [sflag:$0x2] =	stream.indirect_vreg.gather [hbm4b:s3+s2], $0x80, v4, vm0, $0xb8;
	[tilespmem:$0x19400] =	vst v63  }
0x430: {  	s11 =	simm.s32 $0x16C00  }
0x431: {  	[tilespmem:s11], [sflag:$0x2] =	stream.indirect_vreg.gather [hbm4b:s5+s2], $0x80, v4, vm1, $0xb8;
	[tilespmem:$0x19400] =	vst v63  }
0x432: {  	s11 =	simm.s32 $0x17000  }
0x433: {  	[tilespmem:s11], [sflag:$0x2] =	stream.indirect_vreg.gather [hbm4b:s3+s2], $0x80, v3, vm0, $0xb8;
	[tilespmem:$0x19400] =	vst v63  }
0x434: {  	s11 =	simm.s32 $0x17800  }
0x435: {  	[tilespmem:s11], [sflag:$0x2] =	stream.indirect_vreg.gather [hbm4b:s5+s2], $0x80, v3, vm1, $0xb8;
	[tilespmem:$0x19400] =	vst v63  }
0x436: {  	v3 =	vld [tilespmem:s1+$0x1F0];
	_ =	sdelay $0x4  }
0x437: {  	v63 =	vshrl.u32 v3, $0x3  }
0x438: {  	v4 =	vmul.u32 $0x18, v63  }
0x439: {  	v3 =	vand.u32 $0x7, v3  }
0x43a: {  	v3 =	vor.u32 v3, v4  }
0x43b: {  	v4 =	vperm.xlane v3, v0;
	_ =	sdelay $0x1  }
0x43c: {  	v4 =	vadd.s32 v1, v4;
	_ =	sdelay $0x2  }
0x43d: {  	v3 =	vperm.xlane v3, v2;
	_ =	sdelay $0x1  }
0x43e: {  	v3 =	vadd.s32 v1, v3;
	[tilespmem:s7], [sflag:$0x2] =	stream.indirect_vreg.gather [hbm4b:s3+s2], $0x80, v4, vm0, $0xb8;
	[tilespmem:$0x19400] =	vst v63  }
0x43f: {  	p0 =	sne.s32 s29, $0x26  }
0x440: {  	[tilespmem:s8], [sflag:$0x2] =	stream.indirect_vreg.gather [hbm4b:s5+s2], $0x80, v4, vm1, $0xb8;
	[tilespmem:$0x19400] =	vst v63  }
.Ltmp1:
0x441: {  	_ = 	snop;
	(pc) =	sbr.rel @p0 .LBB2_4-.Ltmp1, $4  }
0x442: {  	_ = 	snop  }
0x443: {  	[tilespmem:s9], [sflag:$0x2] =	stream.indirect_vreg.gather [hbm4b:s3+s2], $0x80, v3, vm0, $0xb8;
	[tilespmem:$0x19400] =	vst v63  }
0x444: {  	s30 =	sadd.s32 $0x3000, s30;
	s29 =	sadd.s32 $0x2, s29;
	s31 =	sadd.s32 $0x3000, s31  }
0x445: {  	[tilespmem:s10], [sflag:$0x2] =	stream.indirect_vreg.gather [hbm4b:s5+s2], $0x80, v3, vm1, $0xb8;
	[tilespmem:$0x19400] =	vst v63  }
0x446: {  	_ =	swait.ge [sflag:s26], $0xC000  }
0x447: {  	s4 =	simm.s32 $0x2000;
	s6 =	simm.s32 $0x2800;
	[sflag:s26] =	ssyncset.done $0x0  }
0x448: {  	s7 =	simm.s32 $0x2C00;
	s8 =	simm.s32 $0x3400;
	[sflag:s26] =	ssyncadd.s32 $0xFFFF4000  }
0x449: {  	s9 =	simm.s32 $0x3800;
	s10 =	simm.s32 $0x4000;
	_ =	swait.ge [sflag:s28], $0xC000  }
0x44a: {  	s11 =	simm.s32 $0x4400;
	s14 =	simm.s32 $0x4C00;
	s0 =	rddreg [dreg:$0xa]  }
0x44b: {  	s15 =	simm.s32 $0x5000;
	s1 =	rddreg [dreg:$0x5];
	s0 =	sadd.s32 $0x1, s0  }
0x44c: {  	s16 =	simm.s32 $0x5800;
	s17 =	simm.s32 $0x5C00;
	p0 =	sne.s32 s0, s1  }
.Ltmp2:
0x44d: {  	s18 =	simm.s32 $0x6400;
	s20 =	simm.s32 $0x6800;
	(pc) =	sbr.rel @p0 .LBB2_1-.Ltmp2, $4  }
0x44e: {  	s21 =	simm.s32 $0x7000;
	s22 =	simm.s32 $0x7400;
	s23 =	simm.s32 $0x7C00  }
0x44f: {  	s24 =	simm.s32 $0x8000;
	s25 =	simm.s32 $0x8800;
	s29 =	simm.s32 $0x8C00  }
0x450: {  	s30 =	simm.s32 $0x9400;
	s31 =	simm.s32 $0x9800;
	[sflag:s28] =	ssyncset.done $0x0  }
0x451: {  	[sflag:s28] =	ssyncadd.s32 $0xFFFF4000;
	[dreg:$0xa] =	wrdreg s0;
	s0 =	simm.s32 $0x1C00  }
0x452: {  	_ =	sfence.sel $0x180000  }
0x453: {  	[bflag:$0x0] =	sbarrier.arrive $0xFFFF  }
0x454: {  	_ =	strace $0x90000047  }
0x455: {  	s0 =	stileid.u32;
	[bflag:$0x2] =	sbarrier.arrive $0xFFFF  }
0x456: {  	p0 =	sne.s32 s0, $0x0;
	s0 =	rddreg [dreg:$0x2]  }
0x457: {  	s0 =	sadd.s32 @!p0 $0x100000, s0  }
0x458: {  	[sflag:s0] =	ssyncadd.tile.s32 @!p0 $0x1;
	_ =	shalt  }
.Lfunc_end2:
_tile_overlayer_lowered:
.L_overlay_start_2:
0x459: {  	(tag) =	ssettag $0x2  }
0x45a: {  	s0 =	rddreg [dreg:$0x0];
	s2 =	stileid.u32  }
0x45b: {  	s1 =	rddreg [dreg:$0x1];
	p0 =	sne.s32 s2, $0x0  }
0x45c: {  	s3 =	rddreg [dreg:$0x2];
	[bflag:$0x3] =	sbarrier.arrive $0xFFFF;
	s2 =	simm.s32 @!p0 $0x1C03  }
0x45d: {  	[timem:s3], [sflag:s2] =	dma.local @!p0 [hbm:s0], s1  }
0x45e: {  	s0 =	simm.s32 @!p0 $0x3  }
0x45f: {  	_ =	swait.ge @!p0 [sflag:s0], s1  }
0x460: {  	s1 =	ssub.s32 @!p0 $0x0, s1;
	[sflag:s0] =	ssyncset.done @!p0 $0x0  }
0x461: {  	[sflag:s0] =	ssyncadd.s32 @!p0 s1  }
0x462: {  	[bflag:$0x3] =	sbarrier.arrive $0xFFFF  }
0x463: {  	_ =	shalt  }

// kernel: kernel.9.cloned.1.call-start
scs
__scs_entry_jumppad:
0x0: {  	(pc) =	sbr.rel $0x88, $3  }
0x1: {  	(tag) =	ssettag $0x0;
	lr =	simm.s32 $0x1  }
0x2: {  	[smem:$0x3F8F] =	sst lr;
	_ =	strace $0xD0000000  }
0x3: {  	_ = 	snop  }
0x4: {  	_ = 	snop  }
0x5: {  	_ = 	snop  }
0x6: {  	_ = 	snop  }
0x7: {  	_ = 	snop  }
__scs_overlays_trampoline_lowered:
0x8: {  	[smem:$0x3F9E] =	sst s0  }
0x9: {  	[smem:$0x3F9F] =	sst s1  }
0xa: {  	[smem:$0x3FA0] =	sst s2  }
0xb: {  	[smem:$0x3FA1] =	sst s3  }
0xc: {  	[smem:$0x3FA2] =	sst s4  }
0xd: {  	[smem:$0x3FA3] =	sst s5  }
0xe: {  	[smem:$0x3FA4] =	sst s6  }
0xf: {  	[smem:$0x3FA5] =	sst s7  }
0x10: {  	[smem:$0x3FA6] =	sst s8  }
0x11: {  	[smem:$0x3FA7] =	sst s9;
	s0 =	simm.s32 @!p0 $0x0  }
0x12: {  	s1 =	sld [smem:$0x3F8D];
	s0 =	simm.s32 @p0 $0x1  }
0x13: {  	[smem:$0x3FA8] =	sst s0;
	s0 =	simm.s32 @!p1 $0x0  }
0x14: {  	s2 =	sld [smem:$0x3F8C];
	s0 =	simm.s32 @p1 $0x1  }
0x15: {  	[smem:$0x3FA9] =	sst s0;
	s0 =	simm.s32 @!p2 $0x0  }
0x16: {  	s3 =	sld [smem:$0x3FDB];
	s0 =	simm.s32 @p2 $0x1  }
0x17: {  	s4 =	simm.s32 $0x1BF5;
	[smem:$0x3FAB] =	sst s0  }
0x18: {  	s0 =	sld [smem:$0x3F8E];
	_ =	swait.ge [sflag:s4], $0x0  }
0x19: {  	s7 =	sld [smem:$0x3F8F]  }
0x1a: {  	s8 =	sadd.s32 $0xFFFFE003, lr  }
0x1b: {  	s9 =	sadd.s32 $0xFFFFFEF7, lr;
	s5 =	simm.s32 $0xFFFFFFFF;
	p2 =	slt.u32 s8, $0xFFFFF086  }
0x1c: {  	p1 =	slt.u32 s9, $0xF7A;
	s5 =	simm.s32 @!p2 $0x0  }
0x1d: {  	s5 =	simm.s32 @p1 $0x1;
	p0 =	seq.s32 s7, s2  }
0x1e: {  	s7 =	smul.u32 @!p0 $0xF7A, s2;
	p2 =	seq.s32 @!p0 s5, $0x0  }
0x1f: {  	s9 =	smul.u32 $0xF7A, s1;
	s8 =	simm.s32 @!p0 $0x1BF5;
	p2 =	por !p2, p0  }
0x20: {  	[sflag:s8] =	ssyncset.s32 @!p0 $0xFFFFF086;
	s6 =	sadd.s32 @!p0 s3, s7;
	s7 =	simm.s32 @!p0 $0x108  }
0x21: {  	s3 =	sadd.s32 s3, s9;
	s6 =	sadd.s32 @!p0 $0x88, s6;
	s7 =	simm.s32 @p2 $0x1082  }
0x22: {  	[simem:s7], [sflag:s8] =	dma.local @!p0 [hbm:s6], $0xF7A  }
0x23: {  	s9 =	sor.u32 $0xD0000000, s2;
	s6 =	simm.s32 $0x108;
	_ =	swait.ge @!p0 [sflag:s8], $0x0  }
0x24: {  	s3 =	sadd.s32 $0x88, s3;
	s6 =	simm.s32 @!p1 $0x1082;
	[sflag:s4] =	ssyncset.s32 $0xFFFFF086  }
0x25: {  	[simem:s6], [sflag:s4] =	dma.local [hbm:s3], $0xF7A  }
0x26: {  	[smem:$0x3F8F] =	sst s1;
	(tag) =	ssettag s2;
	_ =	strace s9  }
0x27: {  	s1 =	sld [smem:$0x3F9F]  }
0x28: {  	s2 =	sld [smem:$0x3FA0]  }
0x29: {  	s4 =	sld [smem:$0x3FA2]  }
0x2a: {  	p0 =	seq.s32 s5, $0x0;
	s5 =	sld [smem:$0x3FA3]  }
0x2b: {  	s6 =	sld [smem:$0x3FA4]  }
0x2c: {  	s7 =	sld [smem:$0x3FA5]  }
0x2d: {  	s3 =	simm.s32 $0x108;
	s8 =	sld [smem:$0x3FA6]  }
0x2e: {  	s3 =	simm.s32 @!p0 $0x1082;
	s9 =	sld [smem:$0x3FA7]  }
0x2f: {  	lr =	sadd.s32 s0, s3;
	s0 =	sld [smem:$0x3F9E]  }
0x30: {  	s3 =	sld [smem:$0x3FA1]  }
0x31: {  	[smem:$0x3FAA] =	sst s10  }
0x32: {  	s10 =	sld [smem:$0x3FA8];
	_ =	sdelay $0x3  }
0x33: {  	p0 =	seq.s32 s10, $0x1;
	s10 =	sld [smem:$0x3FAA];
	_ =	sdelay $0x3  }
0x34: {  	[smem:$0x3FAA] =	sst s10  }
0x35: {  	s10 =	sld [smem:$0x3FA9];
	_ =	sdelay $0x3  }
0x36: {  	p1 =	seq.s32 s10, $0x1;
	s10 =	sld [smem:$0x3FAA];
	_ =	sdelay $0x3  }
0x37: {  	[smem:$0x3FAA] =	sst s10  }
0x38: {  	s10 =	sld [smem:$0x3FAB]  }
0x39: {  	_ = 	snop;
	(pc) =	sbr.ind lr, $3  }
0x3a: {  	_ = 	snop  }
0x3b: {  	_ = 	snop  }
0x3c: {  	p2 =	seq.s32 s10, $0x1;
	s10 =	sld [smem:$0x3FAA]  }
0x3d: {  	_ =	shalt  }
0x3e: {  	_ =	shalt  }
0x3f: {  	_ =	shalt  }
0x40: {  	_ =	shalt  }
0x41: {  	_ =	shalt  }
0x42: {  	_ =	shalt  }
0x43: {  	_ =	shalt  }
0x44: {  	_ =	shalt  }
0x45: {  	_ =	shalt  }
0x46: {  	_ =	shalt  }
0x47: {  	_ =	shalt  }
0x48: {  	_ =	shalt  }
0x49: {  	_ =	shalt  }
0x4a: {  	_ =	shalt  }
0x4b: {  	_ =	shalt  }
0x4c: {  	_ =	shalt  }
0x4d: {  	_ =	shalt  }
0x4e: {  	_ =	shalt  }
0x4f: {  	_ =	shalt  }
0x50: {  	_ =	shalt  }
0x51: {  	_ =	shalt  }
0x52: {  	_ =	shalt  }
0x53: {  	_ =	shalt  }
0x54: {  	_ =	shalt  }
0x55: {  	_ =	shalt  }
0x56: {  	_ =	shalt  }
0x57: {  	_ =	shalt  }
0x58: {  	_ =	shalt  }
0x59: {  	_ =	shalt  }
0x5a: {  	_ =	shalt  }
0x5b: {  	_ =	shalt  }
0x5c: {  	_ =	shalt  }
0x5d: {  	_ =	shalt  }
0x5e: {  	_ =	shalt  }
0x5f: {  	_ =	shalt  }
0x60: {  	_ =	shalt  }
0x61: {  	_ =	shalt  }
0x62: {  	_ =	shalt  }
0x63: {  	_ =	shalt  }
0x64: {  	_ =	shalt  }
0x65: {  	_ =	shalt  }
0x66: {  	_ =	shalt  }
0x67: {  	_ =	shalt  }
0x68: {  	_ =	shalt  }
0x69: {  	_ =	shalt  }
0x6a: {  	_ =	shalt  }
0x6b: {  	_ =	shalt  }
0x6c: {  	_ =	shalt  }
0x6d: {  	_ =	shalt  }
0x6e: {  	_ =	shalt  }
0x6f: {  	_ =	shalt  }
0x70: {  	_ =	shalt  }
0x71: {  	_ =	shalt  }
0x72: {  	_ =	shalt  }
0x73: {  	_ =	shalt  }
0x74: {  	_ =	shalt  }
0x75: {  	_ =	shalt  }
0x76: {  	_ =	shalt  }
0x77: {  	_ =	shalt  }
0x78: {  	_ =	shalt  }
0x79: {  	_ =	shalt  }
0x7a: {  	_ =	shalt  }
0x7b: {  	_ =	shalt  }
0x7c: {  	_ =	shalt  }
0x7d: {  	_ =	shalt  }
0x7e: {  	_ =	shalt  }
0x7f: {  	_ =	shalt  }
0x80: {  	_ =	shalt  }
0x81: {  	_ =	shalt  }
0x82: {  	_ =	shalt  }
0x83: {  	_ =	shalt  }
0x84: {  	_ =	shalt  }
0x85: {  	_ =	shalt  }
0x86: {  	_ =	shalt  }
0x87: {  	_ =	shalt  }
.Lfunc_end0:
.L_simem_size_0:
called_computation.1_lowered:
.L_overlay_start_0:
0x88: {  	s2 =	sld [smem:$0x3FD9]  }
0x89: {  	s3 =	sld [smem:$0x3FFE];
	_ =	sdelay $0x1  }
0x8a: {  	s1 =	srdreg.scid  }
0x8b: {  	s0 =	sand.u32 $0x1, s1  }
0x8c: {  	s14 =	sshll.u32 s0, $0xA;
	s2 =	sadd.s32 s3, s2  }
0x8d: {  	s2 =	sadd.s32 s2, s14  }
0x8e: {  	[smem:$0x3FB6] =	sst s2  }
0x8f: {  	_ = 	snop  }
0x90: {  	s2 =	sld [smem:$0x3FD0];
	_ =	sdelay $0x2  }
0x91: {  	s15 =	simm.s32 $0xA;
	s4 =	simm.s32 $0x10  }
0x92: {  	[smem:s4], [sflag:s15] =	dma.local [hbm:s2], $0x1  }
0x93: {  	_ =	swait.eq [sflag:s15], $0x1  }
0x94: {  	[sflag:s15] =	ssyncset.done $0x0  }
0x95: {  	[sflag:s15] =	ssyncadd.s32 $0xFFFFFFFF  }
0x96: {  	s16 =	sld [smem:$0x12];
	(tm) =	ssettm $0x1  }
0x97: {  	s17 =	sld [smem:$0x3FFB];
	_ =	sdelay $0x3  }
0x98: {  	_ =	strace s17  }
0x99: {  	s3 =	sld [smem:$0x3FFC];
	_ =	sdelay $0x3  }
0x9a: {  	_ =	strace s3  }
0x9b: {  	s3 =	sld [smem:$0x3FFD];
	_ =	sdelay $0x3  }
0x9c: {  	_ =	strace s3  }
0x9d: {  	_ =	strace $0x8FFFFFFF  }
0x9e: {  	s18 =	sld [smem:$0x3FDB];
	_ =	sdelay $0x1  }
0x9f: {  	s19 =	simm.s32 $_scs_section_size  }
0xa0: {  	s5 =	simm.s32 $_size__tile_overlayer_lowered;
	s6 =	simm.s32 $_tile_overlayer_lowered  }
0xa1: {  	s22 =	simm.s32 $0x1BFF;
	s21 =	sshll.u32 s6, $0x1;
	s3 =	sadd.s32 s19, s18  }
0xa2: {  	s7 =	simm.s32 $0x0;
	s20 =	sshll.u32 s5, $0x1;
	s5 =	sadd.s32 s21, s3  }
0xa3: {  	[timem:s7], [sflag:s22] =	dma.local [hbm:s5], s20  }
0xa4: {  	_ =	swait.ge [sflag:s22], s20  }
0xa5: {  	s4 =	ssub.s32 $0x0, s20;
	[sflag:s22] =	ssyncset.done $0x0  }
0xa6: {  	[sflag:s22] =	ssyncadd.s32 s4;
	_ =	sdelay $0x1  }
0xa7: {  	s23 =	simm.s32 $0x1B8B  }
0xa8: {  	_ =	swait.ge [sflag:s23], $0x1  }
0xa9: {  	[sflag:s23] =	ssyncset.done $0x0  }
0xaa: {  	s25 =	simm.s32 $0x1B8E;
	s24 =	sld [smem:$0x3FFE];
	[sflag:s23] =	ssyncadd.s32 $0xFFFFFFFF  }
0xab: {  	s26 =	simm.s32 $execute0_lowered;
	[smem:$0x3FD2] =	sst s25  }
0xac: {  	s5 =	sshll.u32 s26, $0x1;
	_ =	strace $0x80000049;
	[dreg:$0x1] =	wrdreg $0xFFFFFFFF  }
0xad: {  	s28 =	simm.s32 $_size_execute0_lowered;
	s3 =	sadd.s32 s3, s5;
	[dreg:$0x0] =	wrdreg $0x0  }
0xae: {  	s5 =	sshll.u32 s28, $0x1;
	[dreg:$0x2] =	wrdreg s3  }
0xaf: {  	[dreg:$0x3] =	wrdreg s5  }
0xb0: {  	[dreg:$0x4] =	wrdreg $0xC0  }
0xb1: {  	_ =	task [dreg:s7], $0x5FFFF  }
0xb2: {  	[dreg:$0x1] =	wrdreg $0xFFFFFFFF  }
0xb3: {  	[dreg:$0x0] =	wrdreg $0x60  }
0xb4: {  	[dreg:$0x2] =	wrdreg s24  }
0xb5: {  	[dreg:$0x3] =	wrdreg s16  }
0xb6: {  	[dreg:$0x4] =	wrdreg $0x0  }
0xb7: {  	[dreg:$0x5] =	wrdreg $0x9  }
0xb8: {  	_ =	task.clear_ibuf [dreg:s7], $0x6FFFF;
	_ =	strace $0x90000049  }
0xb9: {  	s29 =	simm.s32 $0x9;
	_ =	strace $0x8000004B  }
0xba: {  	_ =	swait.ge [sflag:s29], $0x1  }
0xbb: {  	[sflag:s29] =	ssyncadd.s32 $0xFFFFFFFF  }
0xbc: {  	_ =	strace $0x9000004B  }
0xbd: {  	_ =	sfence  }
0xbe: {  	s30 =	sld [smem:$0x0];
	_ =	sdelay $0x2  }
0xbf: {  	s31 =	sshll.u32 s1, $0xD;
	s1 =	sshrl.u32 s1, $0x2  }
0xc0: {  	s3 =	sand.u32 $0x4000, s31;
	s1 =	sadd.s32 s1, s30  }
0xc1: {  	s0 =	sor.u32 s3, s0;
	s1 =	sshll.u32 s1, $0x11  }
0xc2: {  	s0 =	sor.u32 s1, s0  }
0xc3: {  	s0 =	sadd.s32 $0x8F2B, s0  }
0xc4: {  	[sflag:s0] =	ssyncadd.remote.s32 $0x1  }
0xc5: {  	_ =	sfence.sel $0xFFFF  }
0xc6: {  	[dreg:$0x0] =	wrdreg $0xFFFFFFFF;
	(pc) =	sbr.abs _section_cstart, $3  }
0xc7: {  	[dreg:$0x1] =	wrdreg $0xFFFFFFFF  }
0xc8: {  	_ =	task.clear_ibuf [dreg:s7], $0x2FFFF;
	_ =	strace $0x9FFFFFFF  }
0xc9: {  	(tm) =	ssettm $0x7FFFFFFF  }
tec
execute0_lowered:
.L_overlay_start_1:
0x0: {  	(tag) =	ssettag $0x1  }
0x1: {  	s1 =	rddreg [dreg:$0x0]  }
0x2: {  	s31 =	rddreg [dreg:$0x1]  }
0x3: {  	s2 =	rddreg [dreg:$0x2];
	s4 =	simm.s32 $0x0;
	s0 =	srdreg.scid  }
0x4: {  	s20 =	stileid.u32;
	s28 =	simm.s32 $0x80;
	s29 =	simm.s32 $0x2  }
0x5: {  	[smem:$0x7FF] =	sst s4;
	s0 =	sand.u32 $0x1, s0;
	s3 =	smul.u32 $0x2800, s20  }
0x6: {  	s5 =	sadd.s32 $0xF82400, s1;
	s6 =	sadd.s32 $0x3000, s1;
	s12 =	smul.u32 $0x50000, s20  }
0x7: {  	s7 =	sadd.s32 $0x1982400, s1;
	s9 =	sadd.s32 $0x8000, s1;
	s14 =	smul.u32 $0x500000, s20  }
0x8: {  	s19 =	sshll.u32 s20, $0x6;
	s11 =	smul.u32 $0x50, s20;
	s16 =	sshll.u32 s20, $0x1  }
0x9: {  	s8 =	smul.u32 $0x28000, s0;
	s17 =	ssub.s32 $0x2, s0;
	s16 =	sor.u32 s0, s16  }
0xa: {  	_ =	strace $0x8000004A;
	s18 =	sshrl.u32 s17, $0x1;
	s22 =	smul.u32 $0x28, s16  }
0xb: {  	s10 =	sshrl.u32 s12, $0x2;
	s23 =	smul.u32 $0x14000, s16;
	s25 =	sadd.s32 $0x4E, s11  }
0xc: {  	s3 =	sadd.s32 s3, s8;
	s8 =	sshll.u32 s0, $0xB;
	s10 =	sadd.s32 s10, s2  }
0xd: {  	s1 =	sadd.s32 s3, s1;
	s3 =	ssub.s32 s17, s18;
	[dreg:$0x4] =	wrdreg s10  }
0xe: {  	s15 =	sor.u32 s8, s14;
	s10 =	sor.u32 $0x1C03, s19;
	s21 =	sor.u32 s8, s12  }
0xf: {  	s18 =	smul.u32 $0x280, s16;
	s26 =	sadd.s32 s7, s23;
	s19 =	sadd.s32 $0x27, s22  }
0x10: {  	s16 =	sshll.u32 s25, $0x4;
	s22 =	sadd.s32 $0x4F, s11;
	s13 =	sshrl.u32 s15, $0x3  }
0x11: {  	s17 =	sshrl.u32 s21, $0x3;
	[dreg:$0xb] =	wrdreg s26;
	s1 =	sadd.s32 $0xA8000, s1  }
0x12: {  	s3 =	smax.u32 s3, $0x1;
	s23 =	sshll.u32 s22, $0x10;
	[dreg:$0x5] =	wrdreg s10  }
0x13: {  	s13 =	sadd.s32 s5, s13;
	s17 =	sadd.s32 s9, s17;
	[dreg:$0xc] =	wrdreg s1  }
0x14: {  	s24 =	sadd.s32 s6, s18;
	[dreg:$0xd] =	wrdreg s3;
	s1 =	sand.u32 $0xFF80, s16  }
0x15: {  	s26 =	sor.u32 s8, s23;
	s16 =	smul.u32 $0x28, s0;
	[dreg:$0x6] =	wrdreg s13  }
0x16: {  	s0 =	smul.u32 $0x280, s0;
	s13 =	sor.u32 $0x400, s8;
	[dreg:$0x7] =	wrdreg s17  }
0x17: {  	[dreg:$0xa] =	wrdreg s24;
	s1 =	sadd.s32 s6, s1;
	s14 =	sor.u32 s14, s13  }
0x18: {  	s12 =	sor.u32 s12, s13;
	s1 =	sadd.s32 $0x70, s1;
	s30 =	sadd.s32 s16, s11  }
0x19: {  	s16 =	simm.s32 $0x1C000;
	s14 =	sshrl.u32 s14, $0x3;
	s12 =	sshrl.u32 s12, $0x3  }
0x1a: {  	[dreg:$0xe] =	wrdreg s1;
	s1 =	sor.u32 s13, s23;
	s14 =	sadd.s32 s5, s14  }
0x1b: {  	s9 =	sadd.s32 s9, s12;
	s12 =	sshrl.u32 s26, $0x3;
	[dreg:$0x8] =	wrdreg s14  }
0x1c: {  	s1 =	sshrl.u32 s1, $0x3;
	[dreg:$0x9] =	wrdreg s9;
	s14 =	sshll.u32 s25, $0x10  }
0x1d: {  	s25 =	sshll.u32 s22, $0x4;
	s1 =	sadd.s32 s5, s1;
	s17 =	sor.u32 $0x10000, s14  }
0x1e: {  	s9 =	sadd.s32 s6, s25;
	s14 =	sor.u32 $0x10000, s15;
	[dreg:$0x13] =	wrdreg s1  }
0x1f: {  	s18 =	sor.u32 s8, s17;
	s24 =	sor.u32 s13, s17;
	[dreg:$0x10] =	wrdreg s9  }
0x20: {  	s9 =	sadd.s32 s5, s12;
	s17 =	sshrl.u32 s14, $0x3;
	s3 =	sshrl.u32 s18, $0x3  }
0x21: {  	[dreg:$0x11] =	wrdreg s9;
	s18 =	sor.u32 $0x10400, s15;
	s1 =	sadd.s32 s17, s5  }
0x22: {  	s15 =	simm.s32 $0x3;
	s17 =	simm.s32 $0x400;
	s21 =	sadd.s32 s5, s3  }
0x23: {  	s3 =	sshrl.u32 s24, $0x3;
	[dreg:$0x15] =	wrdreg s1;
	s23 =	sshrl.u32 s18, $0x3  }
0x24: {  	s24 =	sshll.u32 s30, $0xB;
	[dreg:$0xf] =	wrdreg s21;
	s3 =	sadd.s32 s5, s3  }
0x25: {  	s21 =	smul.u32 $0x500, s20;
	s1 =	sadd.s32 s23, s5;
	[dreg:$0x12] =	wrdreg s3  }
0x26: {  	s18 =	simm.s32 $0x1000;
	s25 =	sadd.s32 s24, s7;
	[dreg:$0x16] =	wrdreg s1  }
0x27: {  	s20 =	simm.s32 $0x14000;
	s0 =	sadd.s32 s0, s21;
	[dreg:$0x14] =	wrdreg s21  }
0x28: {  	s24 =	simm.s32 $0x18000;
	s26 =	sadd.s32 s6, s21;
	[dreg:$0x17] =	wrdreg s0  }
0x29: {  	s1 =	simm.s32 $0x0;
	s0 =	sadd.s32 $0x800, s25;
	[dreg:$0x19] =	wrdreg s26  }
0x2a: {  	s21 =	simm.s32 $0x1C080;
	s26 =	simm.s32 $0x1;
	[dreg:$0x18] =	wrdreg s0  }
.LBB2_1:
0x2b: {  	s0 =	rddreg [dreg:$0x4]  }
0x2c: {  	s23 =	sshrl.u32 s0, $0x3  }
0x2d: {  	[spmem:s23], [sflag:s10] =	dma.local [hbm:s31], $0x2800  }
0x2e: {  	_ =	swait.ge [sflag:s15], $0x2800  }
0x2f: {  	[sflag:s15] =	ssyncset.done $0x0  }
0x30: {  	[sflag:s15] =	ssyncadd.s32 $0xFFFFD800  }
0x31: {  	[bflag:$0x0] =	sbarrier.arrive $0xFFFF  }
0x32: {  	s12 =	rddreg [dreg:$0x19]  }
0x33: {  	[tilespmem:s16], [sflag:$0x3] =	stream.linear.gather [hbm4b:s12+s4], $0x80, $0x38;
	[tilespmem:$0x1C100] =	vst v63  }
0x34: {  	_ =	swait.ge [sflag:s15], $0x80  }
0x35: {  	s14 =	rddreg [dreg:$0x6]  }
0x36: {  	[sflag:s15] =	ssyncset.done $0x0;
	s9 =	rddreg [dreg:$0x14]  }
0x37: {  	[sflag:s15] =	ssyncadd.s32 $0xFFFFFF80;
	s25 =	sand.u32 $0xFF80, s9;
	s3 =	sadd.s32 $0x10, s9  }
0x38: {  	[tilespmem:s20], [sflag:$0x1] =	stream.strided.gather [hbm4b:s14+s17], $0x4000, s18, s17, $0x38;
	[tilespmem:$0x1C100] =	vst v63  }
0x39: {  	s3 =	sand.u32 $0x70, s3;
	s0 =	sadd.s32 s6, s25  }
0x3a: {  	s25 =	sadd.s32 s3, s0  }
0x3b: {  	[tilespmem:s21], [sflag:$0x3] =	stream.linear.gather [hbm4b:s25+s4], $0x80, $0x38;
	[tilespmem:$0x1C100] =	vst v63  }
0x3c: {  	_ =	swait.ge [sflag:s15], $0x80  }
0x3d: {  	[sflag:s15] =	ssyncset.done $0x0  }
0x3e: {  	s10 =	rddreg [dreg:$0x15];
	[sflag:s15] =	ssyncadd.s32 $0xFFFFFF80  }
0x3f: {  	[tilespmem:s24], [sflag:$0x2] =	stream.strided.gather [hbm4b:s10+s17], $0x4000, s18, s17, $0x38;
	[tilespmem:$0x1C100] =	vst v63  }
0x40: {  	_ =	swait.ge [sflag:s26], $0x4000  }
0x41: {  	s0 =	sadd.s32 $0x2, s11;
	[sflag:s26] =	ssyncset.done $0x0  }
0x42: {  	s3 =	smov.u32 s22;
	p0 =	slt.s32 s0, s22;
	[sflag:s26] =	ssyncadd.s32 $0xFFFFC000  }
0x43: {  	[spmem:s2] =	stream.indirect.scatter.add.f32 [tilespmem:s20], [sflag:$0x3], $0x80, s16, s28, $0xb8;
	[tilespmem:$0x1C100] =	vst v63  }
0x44: {  	s3 =	smov.u32 @p0 s0;
	_ =	swait.ge [sflag:s15], $0x4000  }
0x45: {  	s0 =	sshll.u32 s3, $0x4;
	[sflag:s15] =	ssyncset.done $0x0  }
0x46: {  	s3 =	sshll.u32 s3, $0x10;
	s0 =	sadd.s32 s6, s0;
	[sflag:s15] =	ssyncadd.s32 $0xFFFFC000  }
0x47: {  	[tilespmem:s16], [sflag:$0x3] =	stream.linear.gather [hbm4b:s0+s4], $0x80, $0x38;
	[tilespmem:$0x1C100] =	vst v63  }
0x48: {  	s3 =	sor.u32 s8, s3;
	_ =	swait.ge [sflag:s15], $0x80  }
0x49: {  	s12 =	sadd.s32 $0x20, s9;
	s3 =	sshrl.u32 s3, $0x3;
	[sflag:s15] =	ssyncset.done $0x0  }
0x4a: {  	s14 =	simm.s32 $0x6;
	s3 =	sadd.s32 s5, s3;
	[sflag:s15] =	ssyncadd.s32 $0xFFFFFF80  }
0x4b: {  	[tilespmem:s20], [sflag:$0x1] =	stream.strided.gather [hbm4b:s3+s17], $0x4000, s18, s17, $0x38;
	[tilespmem:$0x1C100] =	vst v63  }
0x4c: {  	s31 =	sand.u32 $0xFF80, s12;
	s9 =	sadd.s32 $0x10, s12;
	_ =	swait.ge [sflag:s29], $0x4000  }
0x4d: {  	s9 =	sand.u32 $0x70, s9;
	s31 =	sadd.s32 s6, s31;
	[sflag:s29] =	ssyncset.done $0x0  }
0x4e: {  	s0 =	simm.s32 $0x4;
	s3 =	sadd.s32 $0x4000, s10;
	[sflag:s29] =	ssyncadd.s32 $0xFFFFC000  }
.LBB2_2:
0x4f: {  	[spmem:s2] =	stream.indirect.scatter.add.f32 [tilespmem:s24], [sflag:$0x3], $0x80, s21, s28, $0xb8;
	[tilespmem:$0x1C100] =	vst v63  }
0x50: {  	s10 =	smov.u32 s14  }
0x51: {  	p0 =	sne.s32 s14, $0x4E;
	s14 =	sadd.s32 $0x2, s14;
	_ =	swait.ge [sflag:s15], $0x4000  }
0x52: {  	[sflag:s15] =	ssyncset.done $0x0  }
0x53: {  	s9 =	sadd.s32 s9, s31;
	[sflag:s15] =	ssyncadd.s32 $0xFFFFC000  }
0x54: {  	[tilespmem:s21], [sflag:$0x3] =	stream.linear.gather [hbm4b:s9+s4], $0x80, $0x38;
	[tilespmem:$0x1C100] =	vst v63  }
0x55: {  	_ =	swait.ge [sflag:s15], $0x80  }
0x56: {  	[sflag:s15] =	ssyncset.done $0x0  }
0x57: {  	s9 =	sadd.s32 s0, s11;
	s0 =	smov.u32 s10;
	[sflag:s15] =	ssyncadd.s32 $0xFFFFFF80  }
0x58: {  	[tilespmem:s24], [sflag:$0x2] =	stream.strided.gather [hbm4b:s3+s17], $0x4000, s18, s17, $0x38;
	[tilespmem:$0x1C100] =	vst v63  }
0x59: {  	s10 =	smov.u32 s22;
	p1 =	slt.s32 s9, s22;
	_ =	swait.ge [sflag:s26], $0x4000  }
0x5a: {  	s10 =	smov.u32 @p1 s9;
	[sflag:s26] =	ssyncset.done $0x0  }
0x5b: {  	s9 =	sshll.u32 s10, $0x4;
	s10 =	sshll.u32 s10, $0x10;
	[sflag:s26] =	ssyncadd.s32 $0xFFFFC000  }
0x5c: {  	[spmem:s2] =	stream.indirect.scatter.add.f32 [tilespmem:s20], [sflag:$0x3], $0x80, s16, s28, $0xb8;
	[tilespmem:$0x1C100] =	vst v63  }
0x5d: {  	s10 =	sor.u32 s8, s10;
	_ =	swait.ge [sflag:s15], $0x4000  }
0x5e: {  	s9 =	sadd.s32 s6, s9;
	s10 =	sshrl.u32 s10, $0x3;
	[sflag:s15] =	ssyncset.done $0x0  }
0x5f: {  	[sflag:s15] =	ssyncadd.s32 $0xFFFFC000  }
0x60: {  	[tilespmem:s16], [sflag:$0x3] =	stream.linear.gather [hbm4b:s9+s4], $0x80, $0x38;
	[tilespmem:$0x1C100] =	vst v63  }
0x61: {  	s9 =	sadd.s32 s5, s10;
	_ =	swait.ge [sflag:s15], $0x80  }
0x62: {  	[sflag:s15] =	ssyncset.done $0x0  }
.Ltmp0:
0x63: {  	[sflag:s15] =	ssyncadd.s32 $0xFFFFFF80;
	(pc) =	sbr.rel @p0 .LBB2_2-.Ltmp0, $4  }
0x64: {  	[tilespmem:s20], [sflag:$0x1] =	stream.strided.gather [hbm4b:s9+s17], $0x4000, s18, s17, $0x38;
	[tilespmem:$0x1C100] =	vst v63  }
0x65: {  	s12 =	sadd.s32 $0x20, s12;
	s3 =	sadd.s32 $0x4000, s3;
	_ =	swait.ge [sflag:s29], $0x4000  }
0x66: {  	s10 =	sand.u32 $0xFF80, s12;
	s9 =	sadd.s32 $0x10, s12;
	[sflag:s29] =	ssyncset.done $0x0  }
0x67: {  	s31 =	sadd.s32 s6, s10;
	s9 =	sand.u32 $0x70, s9;
	[sflag:s29] =	ssyncadd.s32 $0xFFFFC000  }
0x68: {  	[spmem:s2] =	stream.indirect.scatter.add.f32 [tilespmem:s24], [sflag:$0x3], $0x80, s21, s28, $0xb8;
	[tilespmem:$0x1C100] =	vst v63  }
0x69: {  	_ =	swait.ge [sflag:s15], $0x4000  }
0x6a: {  	[sflag:s15] =	ssyncset.done $0x0  }
0x6b: {  	s9 =	sadd.s32 s9, s31;
	[sflag:s15] =	ssyncadd.s32 $0xFFFFC000  }
0x6c: {  	[tilespmem:s21], [sflag:$0x3] =	stream.linear.gather [hbm4b:s9+s4], $0x80, $0x38;
	[tilespmem:$0x1C100] =	vst v63  }
0x6d: {  	_ =	swait.ge [sflag:s15], $0x80  }
0x6e: {  	[sflag:s15] =	ssyncset.done $0x0  }
0x6f: {  	[sflag:s15] =	ssyncadd.s32 $0xFFFFFF80  }
0x70: {  	[tilespmem:s24], [sflag:$0x2] =	stream.strided.gather [hbm4b:s3+s17], $0x4000, s18, s17, $0x38;
	[tilespmem:$0x1C100] =	vst v63  }
0x71: {  	_ =	swait.ge [sflag:s26], $0x4000  }
0x72: {  	s0 =	sadd.s32 s0, s11;
	[sflag:s26] =	ssyncset.done $0x0  }
0x73: {  	p0 =	slt.s32 s0, s22;
	s3 =	smov.u32 s22;
	[sflag:s26] =	ssyncadd.s32 $0xFFFFC000  }
0x74: {  	[spmem:s2] =	stream.indirect.scatter.add.f32 [tilespmem:s20], [sflag:$0x3], $0x80, s16, s28, $0xb8;
	[tilespmem:$0x1C100] =	vst v63  }
0x75: {  	s3 =	smov.u32 @p0 s0;
	_ =	swait.ge [sflag:s15], $0x4000  }
0x76: {  	s0 =	sshll.u32 s3, $0x4;
	[sflag:s15] =	ssyncset.done $0x0  }
0x77: {  	s3 =	sshll.u32 s3, $0x10;
	s0 =	sadd.s32 s6, s0;
	[sflag:s15] =	ssyncadd.s32 $0xFFFFC000  }
0x78: {  	[tilespmem:s16], [sflag:$0x3] =	stream.linear.gather [hbm4b:s0+s4], $0x80, $0x38;
	[tilespmem:$0x1C100] =	vst v63  }
0x79: {  	s10 =	sor.u32 s8, s3;
	_ =	swait.ge [sflag:s15], $0x80  }
0x7a: {  	s0 =	sshrl.u32 s10, $0x3;
	[sflag:s15] =	ssyncset.done $0x0  }
0x7b: {  	s0 =	sadd.s32 s5, s0;
	[sflag:s15] =	ssyncadd.s32 $0xFFFFFF80  }
0x7c: {  	[tilespmem:s20], [sflag:$0x1] =	stream.strided.gather [hbm4b:s0+s17], $0x4000, s18, s17, $0x38;
	[tilespmem:$0x1C100] =	vst v63  }
0x7d: {  	_ =	swait.ge [sflag:s29], $0x4000  }
0x7e: {  	[sflag:s29] =	ssyncset.done $0x0  }
0x7f: {  	[sflag:s29] =	ssyncadd.s32 $0xFFFFC000  }
0x80: {  	[spmem:s2] =	stream.indirect.scatter.add.f32 [tilespmem:s24], [sflag:$0x3], $0x80, s21, s28, $0xb8;
	[tilespmem:$0x1C100] =	vst v63  }
0x81: {  	_ =	swait.ge [sflag:s15], $0x4000  }
0x82: {  	[sflag:s15] =	ssyncset.done $0x0  }
0x83: {  	s12 =	rddreg [dreg:$0xe];
	[sflag:s15] =	ssyncadd.s32 $0xFFFFC000  }
0x84: {  	[tilespmem:s21], [sflag:$0x3] =	stream.linear.gather [hbm4b:s12+s4], $0x80, $0x38;
	[tilespmem:$0x1C100] =	vst v63  }
0x85: {  	_ =	swait.ge [sflag:s15], $0x80  }
0x86: {  	[sflag:s15] =	ssyncset.done $0x0  }
0x87: {  	s14 =	rddreg [dreg:$0xf];
	[sflag:s15] =	ssyncadd.s32 $0xFFFFFF80  }
0x88: {  	[tilespmem:s24], [sflag:$0x2] =	stream.strided.gather [hbm4b:s14+s17], $0x4000, s18, s17, $0x38;
	[tilespmem:$0x1C100] =	vst v63  }
0x89: {  	_ =	swait.ge [sflag:s26], $0x4000  }
0x8a: {  	[sflag:s26] =	ssyncset.done $0x0  }
0x8b: {  	[sflag:s26] =	ssyncadd.s32 $0xFFFFC000  }
0x8c: {  	[spmem:s2] =	stream.indirect.scatter.add.f32 [tilespmem:s20], [sflag:$0x3], $0x80, s16, s28, $0xb8;
	[tilespmem:$0x1C100] =	vst v63  }
0x8d: {  	_ =	swait.ge [sflag:s15], $0x4000  }
0x8e: {  	[sflag:s15] =	ssyncset.done $0x0  }
0x8f: {  	s3 =	rddreg [dreg:$0x10];
	[sflag:s15] =	ssyncadd.s32 $0xFFFFC000  }
0x90: {  	[tilespmem:s16], [sflag:$0x3] =	stream.linear.gather [hbm4b:s3+s4], $0x80, $0x38;
	[tilespmem:$0x1C100] =	vst v63  }
0x91: {  	_ =	swait.ge [sflag:s15], $0x80  }
0x92: {  	[sflag:s15] =	ssyncset.done $0x0  }
0x93: {  	s10 =	simm.s32 $0x2;
	s9 =	rddreg [dreg:$0x11];
	[sflag:s15] =	ssyncadd.s32 $0xFFFFFF80  }
0x94: {  	[tilespmem:s20], [sflag:$0x1] =	stream.strided.gather [hbm4b:s9+s17], $0x4000, s18, s17, $0x38;
	[tilespmem:$0x1C100] =	vst v63  }
0x95: {  	_ =	swait.ge [sflag:s10], $0x4000  }
0x96: {  	[sflag:s10] =	ssyncset.done $0x0  }
0x97: {  	[sflag:s10] =	ssyncadd.s32 $0xFFFFC000  }
0x98: {  	[spmem:s2] =	stream.indirect.scatter.add.f32 [tilespmem:s24], [sflag:$0x3], $0x80, s21, s28, $0xb8;
	[tilespmem:$0x1C100] =	vst v63  }
0x99: {  	_ =	swait.ge [sflag:s15], $0x4000  }
0x9a: {  	[sflag:s15] =	ssyncset.done $0x0  }
0x9b: {  	[sflag:s15] =	ssyncadd.s32 $0xFFFFC000  }
0x9c: {  	_ =	swait.ge [sflag:s26], $0x4000  }
0x9d: {  	[sflag:s26] =	ssyncset.done $0x0  }
0x9e: {  	[sflag:s26] =	ssyncadd.s32 $0xFFFFC000  }
0x9f: {  	[bflag:$0x0] =	sbarrier.arrive $0xFFFF  }
0xa0: {  	s0 =	rddreg [dreg:$0x5]  }
0xa1: {  	s14 =	simm.s32 $0x8;
	s10 =	simm.s32 $0x200;
	s12 =	rddreg [dreg:$0x7]  }
0xa2: {  	[hbm:s12@s10], [sflag:s0] =	dma.strided [spmem:s23@s28], $0x2800, s14, $0x10   }
0xa3: {  	_ =	swait.ge [sflag:s15], $0x2800  }
0xa4: {  	[sflag:s15] =	ssyncset.done $0x0  }
0xa5: {  	[sflag:s15] =	ssyncadd.s32 $0xFFFFD800  }
0xa6: {  	[bflag:$0x0] =	sbarrier.arrive $0xFFFF  }
0xa7: {  	s31 =	rddreg [dreg:$0x1]  }
0xa8: {  	[spmem:s23], [sflag:s0] =	dma.local [hbm:s31], $0x2800  }
0xa9: {  	_ =	swait.ge [sflag:s15], $0x2800  }
0xaa: {  	[sflag:s15] =	ssyncset.done $0x0  }
0xab: {  	[sflag:s15] =	ssyncadd.s32 $0xFFFFD800  }
0xac: {  	[bflag:$0x0] =	sbarrier.arrive $0xFFFF  }
0xad: {  	s3 =	rddreg [dreg:$0x19]  }
0xae: {  	[tilespmem:s16], [sflag:$0x3] =	stream.linear.gather [hbm4b:s3+s4], $0x80, $0x38;
	[tilespmem:$0x1C100] =	vst v63  }
0xaf: {  	_ =	swait.ge [sflag:s15], $0x80  }
0xb0: {  	[sflag:s15] =	ssyncset.done $0x0  }
0xb1: {  	s9 =	rddreg [dreg:$0x8];
	[sflag:s15] =	ssyncadd.s32 $0xFFFFFF80  }
0xb2: {  	[tilespmem:s20], [sflag:$0x1] =	stream.strided.gather [hbm4b:s9+s17], $0x4000, s18, s17, $0x38;
	[tilespmem:$0x1C100] =	vst v63  }
0xb3: {  	_ = 	snop  }
0xb4: {  	[tilespmem:s21], [sflag:$0x3] =	stream.linear.gather [hbm4b:s25+s4], $0x80, $0x38;
	[tilespmem:$0x1C100] =	vst v63  }
0xb5: {  	_ =	swait.ge [sflag:s15], $0x80  }
0xb6: {  	[sflag:s15] =	ssyncset.done $0x0  }
0xb7: {  	s10 =	rddreg [dreg:$0x16];
	[sflag:s15] =	ssyncadd.s32 $0xFFFFFF80  }
0xb8: {  	[tilespmem:s24], [sflag:$0x2] =	stream.strided.gather [hbm4b:s10+s17], $0x4000, s18, s17, $0x38;
	[tilespmem:$0x1C100] =	vst v63  }
0xb9: {  	_ =	swait.ge [sflag:s26], $0x4000  }
0xba: {  	s0 =	sadd.s32 $0x2, s11;
	[sflag:s26] =	ssyncset.done $0x0  }
0xbb: {  	p0 =	slt.s32 s0, s22;
	s3 =	smov.u32 s22;
	[sflag:s26] =	ssyncadd.s32 $0xFFFFC000  }
0xbc: {  	[spmem:s2] =	stream.indirect.scatter.add.f32 [tilespmem:s20], [sflag:$0x3], $0x80, s16, s28, $0xb8;
	[tilespmem:$0x1C100] =	vst v63  }
0xbd: {  	s3 =	smov.u32 @p0 s0;
	_ =	swait.ge [sflag:s15], $0x4000  }
0xbe: {  	s0 =	sshll.u32 s3, $0x4;
	[sflag:s15] =	ssyncset.done $0x0  }
0xbf: {  	s3 =	sshll.u32 s3, $0x10;
	s0 =	sadd.s32 s6, s0;
	[sflag:s15] =	ssyncadd.s32 $0xFFFFC000  }
0xc0: {  	[tilespmem:s16], [sflag:$0x3] =	stream.linear.gather [hbm4b:s0+s4], $0x80, $0x38;
	[tilespmem:$0x1C100] =	vst v63  }
0xc1: {  	s3 =	sor.u32 s13, s3;
	_ =	swait.ge [sflag:s15], $0x80  }
0xc2: {  	s3 =	sshrl.u32 s3, $0x3;
	[sflag:s15] =	ssyncset.done $0x0  }
0xc3: {  	s3 =	sadd.s32 s5, s3;
	[sflag:s15] =	ssyncadd.s32 $0xFFFFFF80  }
0xc4: {  	[tilespmem:s20], [sflag:$0x1] =	stream.strided.gather [hbm4b:s3+s17], $0x4000, s18, s17, $0x38;
	[tilespmem:$0x1C100] =	vst v63  }
0xc5: {  	_ =	swait.ge [sflag:s29], $0x4000  }
0xc6: {  	s14 =	simm.s32 $0x6;
	s12 =	rddreg [dreg:$0x14]  }
0xc7: {  	s0 =	simm.s32 $0x4;
	s3 =	sadd.s32 $0x4000, s10;
	s12 =	sadd.s32 $0x20, s12  }
0xc8: {  	[sflag:s29] =	ssyncset.done $0x0;
	s10 =	sand.u32 $0xFF80, s12;
	s25 =	sadd.s32 $0x10, s12  }
0xc9: {  	[sflag:s29] =	ssyncadd.s32 $0xFFFFC000;
	s9 =	sand.u32 $0x70, s25;
	s25 =	sadd.s32 s6, s10  }
.LBB2_4:
0xca: {  	[spmem:s2] =	stream.indirect.scatter.add.f32 [tilespmem:s24], [sflag:$0x3], $0x80, s21, s28, $0xb8;
	[tilespmem:$0x1C100] =	vst v63  }
0xcb: {  	s10 =	smov.u32 s14  }
0xcc: {  	p0 =	sne.s32 s14, $0x4E;
	s14 =	sadd.s32 $0x2, s14;
	_ =	swait.ge [sflag:s15], $0x4000  }
0xcd: {  	[sflag:s15] =	ssyncset.done $0x0  }
0xce: {  	s9 =	sadd.s32 s9, s25;
	[sflag:s15] =	ssyncadd.s32 $0xFFFFC000  }
0xcf: {  	[tilespmem:s21], [sflag:$0x3] =	stream.linear.gather [hbm4b:s9+s4], $0x80, $0x38;
	[tilespmem:$0x1C100] =	vst v63  }
0xd0: {  	_ =	swait.ge [sflag:s15], $0x80  }
0xd1: {  	[sflag:s15] =	ssyncset.done $0x0  }
0xd2: {  	s9 =	sadd.s32 s0, s11;
	s0 =	smov.u32 s10;
	[sflag:s15] =	ssyncadd.s32 $0xFFFFFF80  }
0xd3: {  	[tilespmem:s24], [sflag:$0x2] =	stream.strided.gather [hbm4b:s3+s17], $0x4000, s18, s17, $0x38;
	[tilespmem:$0x1C100] =	vst v63  }
0xd4: {  	s10 =	smov.u32 s22;
	p1 =	slt.s32 s9, s22;
	_ =	swait.ge [sflag:s26], $0x4000  }
0xd5: {  	s10 =	smov.u32 @p1 s9;
	[sflag:s26] =	ssyncset.done $0x0  }
0xd6: {  	s9 =	sshll.u32 s10, $0x4;
	s10 =	sshll.u32 s10, $0x10;
	[sflag:s26] =	ssyncadd.s32 $0xFFFFC000  }
0xd7: {  	[spmem:s2] =	stream.indirect.scatter.add.f32 [tilespmem:s20], [sflag:$0x3], $0x80, s16, s28, $0xb8;
	[tilespmem:$0x1C100] =	vst v63  }
0xd8: {  	s10 =	sor.u32 s13, s10;
	_ =	swait.ge [sflag:s15], $0x4000  }
0xd9: {  	s9 =	sadd.s32 s6, s9;
	s10 =	sshrl.u32 s10, $0x3;
	[sflag:s15] =	ssyncset.done $0x0  }
0xda: {  	[sflag:s15] =	ssyncadd.s32 $0xFFFFC000  }
0xdb: {  	[tilespmem:s16], [sflag:$0x3] =	stream.linear.gather [hbm4b:s9+s4], $0x80, $0x38;
	[tilespmem:$0x1C100] =	vst v63  }
0xdc: {  	s9 =	sadd.s32 s5, s10;
	_ =	swait.ge [sflag:s15], $0x80  }
0xdd: {  	[sflag:s15] =	ssyncset.done $0x0  }
.Ltmp1:
0xde: {  	[sflag:s15] =	ssyncadd.s32 $0xFFFFFF80;
	(pc) =	sbr.rel @p0 .LBB2_4-.Ltmp1, $4  }
0xdf: {  	[tilespmem:s20], [sflag:$0x1] =	stream.strided.gather [hbm4b:s9+s17], $0x4000, s18, s17, $0x38;
	[tilespmem:$0x1C100] =	vst v63  }
0xe0: {  	s12 =	sadd.s32 $0x20, s12;
	s3 =	sadd.s32 $0x4000, s3;
	_ =	swait.ge [sflag:s29], $0x4000  }
0xe1: {  	s10 =	sand.u32 $0xFF80, s12;
	s9 =	sadd.s32 $0x10, s12;
	[sflag:s29] =	ssyncset.done $0x0  }
0xe2: {  	s25 =	sadd.s32 s6, s10;
	s9 =	sand.u32 $0x70, s9;
	[sflag:s29] =	ssyncadd.s32 $0xFFFFC000  }
0xe3: {  	[spmem:s2] =	stream.indirect.scatter.add.f32 [tilespmem:s24], [sflag:$0x3], $0x80, s21, s28, $0xb8;
	[tilespmem:$0x1C100] =	vst v63  }
0xe4: {  	_ =	swait.ge [sflag:s15], $0x4000  }
0xe5: {  	[sflag:s15] =	ssyncset.done $0x0  }
0xe6: {  	s9 =	sadd.s32 s9, s25;
	[sflag:s15] =	ssyncadd.s32 $0xFFFFC000  }
0xe7: {  	[tilespmem:s21], [sflag:$0x3] =	stream.linear.gather [hbm4b:s9+s4], $0x80, $0x38;
	[tilespmem:$0x1C100] =	vst v63  }
0xe8: {  	_ =	swait.ge [sflag:s15], $0x80  }
0xe9: {  	[sflag:s15] =	ssyncset.done $0x0  }
0xea: {  	[sflag:s15] =	ssyncadd.s32 $0xFFFFFF80  }
0xeb: {  	[tilespmem:s24], [sflag:$0x2] =	stream.strided.gather [hbm4b:s3+s17], $0x4000, s18, s17, $0x38;
	[tilespmem:$0x1C100] =	vst v63  }
0xec: {  	_ =	swait.ge [sflag:s26], $0x4000  }
0xed: {  	s0 =	sadd.s32 s0, s11;
	[sflag:s26] =	ssyncset.done $0x0  }
0xee: {  	p0 =	slt.s32 s0, s22;
	s3 =	smov.u32 s22;
	[sflag:s26] =	ssyncadd.s32 $0xFFFFC000  }
0xef: {  	[spmem:s2] =	stream.indirect.scatter.add.f32 [tilespmem:s20], [sflag:$0x3], $0x80, s16, s28, $0xb8;
	[tilespmem:$0x1C100] =	vst v63  }
0xf0: {  	s3 =	smov.u32 @p0 s0;
	_ =	swait.ge [sflag:s15], $0x4000  }
0xf1: {  	s0 =	sshll.u32 s3, $0x4;
	[sflag:s15] =	ssyncset.done $0x0  }
0xf2: {  	s3 =	sshll.u32 s3, $0x10;
	s0 =	sadd.s32 s6, s0;
	[sflag:s15] =	ssyncadd.s32 $0xFFFFC000  }
0xf3: {  	[tilespmem:s16], [sflag:$0x3] =	stream.linear.gather [hbm4b:s0+s4], $0x80, $0x38;
	[tilespmem:$0x1C100] =	vst v63  }
0xf4: {  	s12 =	sor.u32 s13, s3;
	_ =	swait.ge [sflag:s15], $0x80  }
0xf5: {  	s0 =	sshrl.u32 s12, $0x3;
	[sflag:s15] =	ssyncset.done $0x0  }
0xf6: {  	s0 =	sadd.s32 s5, s0;
	[sflag:s15] =	ssyncadd.s32 $0xFFFFFF80  }
0xf7: {  	[tilespmem:s20], [sflag:$0x1] =	stream.strided.gather [hbm4b:s0+s17], $0x4000, s18, s17, $0x38;
	[tilespmem:$0x1C100] =	vst v63  }
0xf8: {  	_ =	swait.ge [sflag:s29], $0x4000  }
0xf9: {  	[sflag:s29] =	ssyncset.done $0x0  }
0xfa: {  	[sflag:s29] =	ssyncadd.s32 $0xFFFFC000  }
0xfb: {  	[spmem:s2] =	stream.indirect.scatter.add.f32 [tilespmem:s24], [sflag:$0x3], $0x80, s21, s28, $0xb8;
	[tilespmem:$0x1C100] =	vst v63  }
0xfc: {  	_ =	swait.ge [sflag:s15], $0x4000  }
0xfd: {  	[sflag:s15] =	ssyncset.done $0x0  }
0xfe: {  	s14 =	rddreg [dreg:$0xe];
	[sflag:s15] =	ssyncadd.s32 $0xFFFFC000  }
0xff: {  	[tilespmem:s21], [sflag:$0x3] =	stream.linear.gather [hbm4b:s14+s4], $0x80, $0x38;
	[tilespmem:$0x1C100] =	vst v63  }
0x100: {  	_ =	swait.ge [sflag:s15], $0x80  }
0x101: {  	[sflag:s15] =	ssyncset.done $0x0  }
0x102: {  	s25 =	rddreg [dreg:$0x12];
	[sflag:s15] =	ssyncadd.s32 $0xFFFFFF80  }
0x103: {  	[tilespmem:s24], [sflag:$0x2] =	stream.strided.gather [hbm4b:s25+s17], $0x4000, s18, s17, $0x38;
	[tilespmem:$0x1C100] =	vst v63  }
0x104: {  	_ =	swait.ge [sflag:s26], $0x4000  }
0x105: {  	[sflag:s26] =	ssyncset.done $0x0  }
0x106: {  	[sflag:s26] =	ssyncadd.s32 $0xFFFFC000  }
0x107: {  	[spmem:s2] =	stream.indirect.scatter.add.f32 [tilespmem:s20], [sflag:$0x3], $0x80, s16, s28, $0xb8;
	[tilespmem:$0x1C100] =	vst v63  }
0x108: {  	_ =	swait.ge [sflag:s15], $0x4000  }
0x109: {  	[sflag:s15] =	ssyncset.done $0x0  }
0x10a: {  	s3 =	rddreg [dreg:$0x10];
	[sflag:s15] =	ssyncadd.s32 $0xFFFFC000  }
0x10b: {  	[tilespmem:s16], [sflag:$0x3] =	stream.linear.gather [hbm4b:s3+s4], $0x80, $0x38;
	[tilespmem:$0x1C100] =	vst v63  }
0x10c: {  	_ =	swait.ge [sflag:s15], $0x80  }
0x10d: {  	[sflag:s15] =	ssyncset.done $0x0  }
0x10e: {  	s10 =	simm.s32 $0x2;
	s9 =	rddreg [dreg:$0x13];
	[sflag:s15] =	ssyncadd.s32 $0xFFFFFF80  }
0x10f: {  	[tilespmem:s20], [sflag:$0x1] =	stream.strided.gather [hbm4b:s9+s17], $0x4000, s18, s17, $0x38;
	[tilespmem:$0x1C100] =	vst v63  }
0x110: {  	_ =	swait.ge [sflag:s10], $0x4000  }
0x111: {  	[sflag:s10] =	ssyncset.done $0x0  }
0x112: {  	[sflag:s10] =	ssyncadd.s32 $0xFFFFC000  }
0x113: {  	[spmem:s2] =	stream.indirect.scatter.add.f32 [tilespmem:s24], [sflag:$0x3], $0x80, s21, s28, $0xb8;
	[tilespmem:$0x1C100] =	vst v63  }
0x114: {  	_ =	swait.ge [sflag:s15], $0x4000  }
0x115: {  	[sflag:s15] =	ssyncset.done $0x0  }
0x116: {  	[sflag:s15] =	ssyncadd.s32 $0xFFFFC000  }
0x117: {  	_ =	swait.ge [sflag:s26], $0x4000  }
0x118: {  	[sflag:s26] =	ssyncset.done $0x0  }
0x119: {  	[sflag:s26] =	ssyncadd.s32 $0xFFFFC000  }
0x11a: {  	[bflag:$0x0] =	sbarrier.arrive $0xFFFF  }
0x11b: {  	s12 =	rddreg [dreg:$0x5]  }
0x11c: {  	s25 =	simm.s32 $0x8;
	s10 =	simm.s32 $0x200;
	s14 =	rddreg [dreg:$0x9]  }
0x11d: {  	[hbm:s14@s10], [sflag:s12] =	dma.strided [spmem:s23@s28], $0x2800, s25, $0x10   }
0x11e: {  	_ =	swait.ge [sflag:s15], $0x2800  }
0x11f: {  	[sflag:s15] =	ssyncset.done $0x0  }
0x120: {  	[sflag:s15] =	ssyncadd.s32 $0xFFFFD800  }
0x121: {  	[bflag:$0x0] =	sbarrier.arrive $0xFFFF  }
0x122: {  	[spmem:s23], [sflag:s12] =	dma.local [hbm:s31], $0x2800  }
0x123: {  	_ =	swait.ge [sflag:s15], $0x2800  }
0x124: {  	[sflag:s15] =	ssyncset.done $0x0  }
0x125: {  	[sflag:s15] =	ssyncadd.s32 $0xFFFFD800  }
0x126: {  	[bflag:$0x0] =	sbarrier.arrive $0xFFFF  }
0x127: {  	s12 =	rddreg [dreg:$0xa]  }
0x128: {  	[tilespmem:s16], [sflag:$0x3] =	stream.linear.gather [hbm4b:s12+s4], $0x80, $0x38;
	[tilespmem:$0x1C100] =	vst v63  }
0x129: {  	_ =	swait.ge [sflag:s15], $0x80  }
0x12a: {  	s14 =	rddreg [dreg:$0xb]  }
0x12b: {  	[sflag:s15] =	ssyncset.done $0x0;
	s9 =	rddreg [dreg:$0x17]  }
0x12c: {  	[sflag:s15] =	ssyncadd.s32 $0xFFFFFF80;
	s25 =	sand.u32 $0xFFFFF80, s9;
	s10 =	sadd.s32 $0x10, s9  }
0x12d: {  	[tilespmem:s20], [sflag:$0x1] =	stream.linear.gather [hbm4b:s14+s4], $0x4000, $0x38;
	[tilespmem:$0x1C100] =	vst v63  }
0x12e: {  	s3 =	sand.u32 $0x70, s10;
	s0 =	sadd.s32 s6, s25  }
0x12f: {  	s0 =	sadd.s32 s3, s0  }
0x130: {  	[tilespmem:s21], [sflag:$0x3] =	stream.linear.gather [hbm4b:s0+s4], $0x80, $0x38;
	[tilespmem:$0x1C100] =	vst v63  }
0x131: {  	_ =	swait.ge [sflag:s15], $0x80  }
0x132: {  	[sflag:s15] =	ssyncset.done $0x0  }
0x133: {  	s14 =	rddreg [dreg:$0x18];
	[sflag:s15] =	ssyncadd.s32 $0xFFFFFF80  }
0x134: {  	[tilespmem:s24], [sflag:$0x2] =	stream.linear.gather [hbm4b:s14+s4], $0x4000, $0x38;
	[tilespmem:$0x1C100] =	vst v63  }
0x135: {  	s0 =	sadd.s32 $0x2, s30;
	_ =	swait.ge [sflag:s26], $0x4000  }
0x136: {  	s3 =	smov.u32 s19;
	p0 =	slt.s32 s0, s19;
	[sflag:s26] =	ssyncset.done $0x0  }
0x137: {  	s3 =	smov.u32 @p0 s0;
	[sflag:s26] =	ssyncadd.s32 $0xFFFFC000  }
0x138: {  	[spmem:s2] =	stream.indirect.scatter.add.f32 [tilespmem:s20], [sflag:$0x3], $0x80, s16, s28, $0xb8;
	[tilespmem:$0x1C100] =	vst v63  }
0x139: {  	s0 =	sshll.u32 s3, $0x4;
	_ =	swait.ge [sflag:s15], $0x4000  }
0x13a: {  	s0 =	sand.u32 $0xFFFFFF0, s0;
	[sflag:s15] =	ssyncset.done $0x0  }
0x13b: {  	s0 =	sadd.s32 s6, s0;
	[sflag:s15] =	ssyncadd.s32 $0xFFFFC000  }
0x13c: {  	[tilespmem:s16], [sflag:$0x3] =	stream.linear.gather [hbm4b:s0+s4], $0x80, $0x38;
	[tilespmem:$0x1C100] =	vst v63  }
0x13d: {  	s12 =	sshll.u32 s3, $0xB;
	_ =	swait.ge [sflag:s15], $0x80  }
0x13e: {  	s0 =	sand.u32 $0x1FFFF800, s12;
	[sflag:s15] =	ssyncset.done $0x0  }
0x13f: {  	s0 =	sadd.s32 s7, s0;
	[sflag:s15] =	ssyncadd.s32 $0xFFFFFF80  }
0x140: {  	[tilespmem:s20], [sflag:$0x1] =	stream.linear.gather [hbm4b:s0+s4], $0x4000, $0x38;
	[tilespmem:$0x1C100] =	vst v63  }
0x141: {  	s3 =	sadd.s32 $0x20, s9;
	_ =	swait.ge [sflag:s29], $0x4000  }
0x142: {  	s25 =	sand.u32 $0xFFFFF80, s3;
	s9 =	sadd.s32 $0x10, s3;
	[sflag:s29] =	ssyncset.done $0x0  }
0x143: {  	s9 =	sand.u32 $0x70, s9;
	s25 =	sadd.s32 s6, s25;
	[sflag:s29] =	ssyncadd.s32 $0xFFFFC000  }
0x144: {  	[spmem:s2] =	stream.indirect.scatter.add.f32 [tilespmem:s24], [sflag:$0x3], $0x80, s21, s28, $0xb8;
	[tilespmem:$0x1C100] =	vst v63  }
0x145: {  	s12 =	simm.s32 $0x6;
	s0 =	simm.s32 $0x4;
	_ =	swait.ge [sflag:s15], $0x4000  }
.LBB2_6:
0x146: {  	s9 =	sadd.s32 s9, s25  }
0x147: {  	[sflag:s15] =	ssyncset.done $0x0;
	s14 =	sadd.s32 $0x1000, s14;
	s10 =	smov.u32 s12  }
0x148: {  	p0 =	sne.s32 s12, $0x28;
	s12 =	sadd.s32 $0x2, s12;
	[sflag:s15] =	ssyncadd.s32 $0xFFFFC000  }
0x149: {  	[tilespmem:s21], [sflag:$0x3] =	stream.linear.gather [hbm4b:s9+s4], $0x80, $0x38;
	[tilespmem:$0x1C100] =	vst v63  }
0x14a: {  	_ =	swait.ge [sflag:s15], $0x80  }
0x14b: {  	[sflag:s15] =	ssyncset.done $0x0  }
0x14c: {  	[sflag:s15] =	ssyncadd.s32 $0xFFFFFF80  }
0x14d: {  	[tilespmem:s24], [sflag:$0x2] =	stream.linear.gather [hbm4b:s14+s4], $0x4000, $0x38;
	[tilespmem:$0x1C100] =	vst v63  }
0x14e: {  	s9 =	sadd.s32 s0, s30;
	s0 =	smov.u32 s10;
	_ =	swait.ge [sflag:s26], $0x4000  }
0x14f: {  	s10 =	smov.u32 s19;
	p1 =	slt.s32 s9, s19;
	[sflag:s26] =	ssyncset.done $0x0  }
0x150: {  	s10 =	smov.u32 @p1 s9;
	[sflag:s26] =	ssyncadd.s32 $0xFFFFC000  }
0x151: {  	[spmem:s2] =	stream.indirect.scatter.add.f32 [tilespmem:s20], [sflag:$0x3], $0x80, s16, s28, $0xb8;
	[tilespmem:$0x1C100] =	vst v63  }
0x152: {  	s9 =	sshll.u32 s10, $0x4;
	s10 =	sshll.u32 s10, $0xB;
	_ =	swait.ge [sflag:s15], $0x4000  }
0x153: {  	s9 =	sand.u32 $0xFFFFFF0, s9;
	s10 =	sand.u32 $0x1FFFF800, s10;
	[sflag:s15] =	ssyncset.done $0x0  }
0x154: {  	s9 =	sadd.s32 s6, s9;
	[sflag:s15] =	ssyncadd.s32 $0xFFFFC000  }
0x155: {  	[tilespmem:s16], [sflag:$0x3] =	stream.linear.gather [hbm4b:s9+s4], $0x80, $0x38;
	[tilespmem:$0x1C100] =	vst v63  }
0x156: {  	_ =	swait.ge [sflag:s15], $0x80  }
0x157: {  	s9 =	sadd.s32 s7, s10;
	[sflag:s15] =	ssyncset.done $0x0  }
0x158: {  	[sflag:s15] =	ssyncadd.s32 $0xFFFFFF80  }
0x159: {  	[tilespmem:s20], [sflag:$0x1] =	stream.linear.gather [hbm4b:s9+s4], $0x4000, $0x38;
	[tilespmem:$0x1C100] =	vst v63  }
.Ltmp2:
0x15a: {  	_ =	swait.ge [sflag:s29], $0x4000;
	(pc) =	sbr.rel @p0 .LBB2_6-.Ltmp2, $4  }
0x15b: {  	s3 =	sadd.s32 $0x20, s3;
	[sflag:s29] =	ssyncset.done $0x0  }
0x15c: {  	s10 =	sand.u32 $0xFFFFF80, s3;
	s9 =	sadd.s32 $0x10, s3;
	[sflag:s29] =	ssyncadd.s32 $0xFFFFC000  }
0x15d: {  	[spmem:s2] =	stream.indirect.scatter.add.f32 [tilespmem:s24], [sflag:$0x3], $0x80, s21, s28, $0xb8;
	[tilespmem:$0x1C100] =	vst v63  }
0x15e: {  	s25 =	sadd.s32 s6, s10;
	s9 =	sand.u32 $0x70, s9;
	_ =	swait.ge [sflag:s15], $0x4000  }
0x15f: {  	[sflag:s15] =	ssyncset.done $0x0  }
0x160: {  	s3 =	sadd.s32 s9, s25;
	[sflag:s15] =	ssyncadd.s32 $0xFFFFC000  }
0x161: {  	[tilespmem:s21], [sflag:$0x3] =	stream.linear.gather [hbm4b:s3+s4], $0x80, $0x38;
	[tilespmem:$0x1C100] =	vst v63  }
0x162: {  	_ =	swait.ge [sflag:s15], $0x80  }
0x163: {  	[sflag:s15] =	ssyncset.done $0x0  }
0x164: {  	s10 =	sadd.s32 $0x1000, s14;
	[sflag:s15] =	ssyncadd.s32 $0xFFFFFF80  }
0x165: {  	[tilespmem:s24], [sflag:$0x2] =	stream.linear.gather [hbm4b:s10+s4], $0x4000, $0x38;
	[tilespmem:$0x1C100] =	vst v63  }
0x166: {  	s0 =	sadd.s32 s0, s30;
	_ =	swait.ge [sflag:s26], $0x4000  }
0x167: {  	p0 =	slt.s32 s0, s19;
	s3 =	smov.u32 s19;
	[sflag:s26] =	ssyncset.done $0x0  }
0x168: {  	s3 =	smov.u32 @p0 s0;
	[sflag:s26] =	ssyncadd.s32 $0xFFFFC000  }
0x169: {  	[spmem:s2] =	stream.indirect.scatter.add.f32 [tilespmem:s20], [sflag:$0x3], $0x80, s16, s28, $0xb8;
	[tilespmem:$0x1C100] =	vst v63  }
0x16a: {  	s0 =	sshll.u32 s3, $0x4;
	_ =	swait.ge [sflag:s15], $0x4000  }
0x16b: {  	s0 =	sand.u32 $0xFFFFFF0, s0;
	[sflag:s15] =	ssyncset.done $0x0  }
0x16c: {  	s0 =	sadd.s32 s6, s0;
	[sflag:s15] =	ssyncadd.s32 $0xFFFFC000  }
0x16d: {  	[tilespmem:s16], [sflag:$0x3] =	stream.linear.gather [hbm4b:s0+s4], $0x80, $0x38;
	[tilespmem:$0x1C100] =	vst v63  }
0x16e: {  	s12 =	sshll.u32 s3, $0xB;
	_ =	swait.ge [sflag:s15], $0x80  }
0x16f: {  	s0 =	sand.u32 $0x1FFFF800, s12;
	[sflag:s15] =	ssyncset.done $0x0  }
0x170: {  	s0 =	sadd.s32 s7, s0;
	[sflag:s15] =	ssyncadd.s32 $0xFFFFFF80  }
0x171: {  	[tilespmem:s20], [sflag:$0x1] =	stream.linear.gather [hbm4b:s0+s4], $0x4000, $0x38;
	[tilespmem:$0x1C100] =	vst v63  }
0x172: {  	_ =	swait.ge [sflag:s29], $0x4000  }
0x173: {  	[sflag:s29] =	ssyncset.done $0x0  }
0x174: {  	[sflag:s29] =	ssyncadd.s32 $0xFFFFC000  }
0x175: {  	[spmem:s2] =	stream.indirect.scatter.add.f32 [tilespmem:s24], [sflag:$0x3], $0x80, s21, s28, $0xb8;
	[tilespmem:$0x1C100] =	vst v63  }
0x176: {  	_ =	swait.ge [sflag:s15], $0x4000  }
0x177: {  	[sflag:s15] =	ssyncset.done $0x0  }
0x178: {  	[sflag:s15] =	ssyncadd.s32 $0xFFFFC000  }
0x179: {  	_ =	swait.ge [sflag:s26], $0x4000  }
0x17a: {  	[sflag:s26] =	ssyncset.done $0x0  }
0x17b: {  	[sflag:s26] =	ssyncadd.s32 $0xFFFFC000  }
0x17c: {  	[bflag:$0x0] =	sbarrier.arrive $0xFFFF  }
0x17d: {  	s10 =	rddreg [dreg:$0x5]  }
0x17e: {  	s14 =	rddreg [dreg:$0xc]  }
0x17f: {  	[hbm:s14], [sflag:s10] =	dma.local [spmem:s23], $0x2800  }
0x180: {  	_ =	swait.ge [sflag:s15], $0x2800  }
0x181: {  	s1 =	sadd.s32 $0x1, s1;
	s25 =	rddreg [dreg:$0xd]  }
0x182: {  	p0 =	sne.s32 s1, s25  }
.Ltmp3:
0x183: {  	_ = 	snop;
	(pc) =	sbr.rel @p0 .LBB2_1-.Ltmp3, $3  }
0x184: {  	_ =	sdelay $0x1  }
0x185: {  	[sflag:s15] =	ssyncset.done $0x0  }
0x186: {  	[sflag:s15] =	ssyncadd.s32 $0xFFFFD800  }
0x187: {  	_ =	sfence.sel $0x180000  }
0x188: {  	[bflag:$0x0] =	sbarrier.arrive $0xFFFF  }
0x189: {  	_ =	strace $0x9000004A  }
0x18a: {  	s0 =	stileid.u32;
	[bflag:$0x2] =	sbarrier.arrive $0xFFFF  }
0x18b: {  	p0 =	sne.s32 s0, $0x0;
	s0 =	rddreg [dreg:$0x3]  }
0x18c: {  	s0 =	sadd.s32 @!p0 $0x100000, s0  }
0x18d: {  	[sflag:s0] =	ssyncadd.tile.s32 @!p0 $0x1;
	_ =	shalt  }
.Lfunc_end2:
_tile_overlayer_lowered:
.L_overlay_start_2:
0x18e: {  	(tag) =	ssettag $0x2  }
0x18f: {  	s0 =	rddreg [dreg:$0x0];
	s2 =	stileid.u32  }
0x190: {  	s1 =	rddreg [dreg:$0x1];
	p0 =	sne.s32 s2, $0x0  }
0x191: {  	s3 =	rddreg [dreg:$0x2];
	[bflag:$0x3] =	sbarrier.arrive $0xFFFF;
	s2 =	simm.s32 @!p0 $0x1C03  }
0x192: {  	[timem:s3], [sflag:s2] =	dma.local @!p0 [hbm:s0], s1  }
0x193: {  	s0 =	simm.s32 @!p0 $0x3  }
0x194: {  	_ =	swait.ge @!p0 [sflag:s0], s1  }
0x195: {  	s1 =	ssub.s32 @!p0 $0x0, s1;
	[sflag:s0] =	ssyncset.done @!p0 $0x0  }
0x196: {  	[sflag:s0] =	ssyncadd.s32 @!p0 s1  }
0x197: {  	[bflag:$0x3] =	sbarrier.arrive $0xFFFF  }
0x198: {  	_ =	shalt  }

</sc_bundles>
